<compile_context>
chip_gen: v7x
topology: tpu7x:2x2x1
jax: 0.10.2.dev20260603
libtpu: 0.0.44.dev20260713+nightly
codegen_flags: <defaults>
</compile_context>

<pallas_src>
import functools

import jax
import jax.numpy as jnp
from jax import lax
from jax.experimental import pallas as pl
from jax.experimental.pallas import tpu as pltpu
from jax.experimental.pallas import tpu_sc as plsc

N = 10000
E = 320000
D = 128
DOUT = 40

NW = 32
EPW = E // NW
CHUNK = 125
NCH = EPW // CHUNK
HNCH = NCH // 2
OWN = 640
CC = 80
HW = 128


@functools.cache
def _get_deg_kernel():
    mesh = plsc.VectorSubcoreMesh(core_axis_name="c", subcore_axis_name="s")
    return functools.partial(
        pl.kernel,
        mesh=mesh,
        out_type=jax.ShapeDtypeStruct((2 * N, HW), jnp.float32),
        scratch_types=[
            pltpu.VMEM_SHARED((N, HW), jnp.float32),
            pltpu.VMEM((NCH, CHUNK), jnp.int32),
            pltpu.VMEM((CHUNK, HW), jnp.float32),
            pltpu.VMEM((CC, HW), jnp.float32),
            pltpu.SemaphoreType.DMA,
        ],
    )(_deg_body)


def _deg_body(dst_hbm, e1_hbm, z16_hbm, out_hbm, hist, dst_v, ones_v, stage_v, sem):
    cid = lax.axis_index("c")
    sid = lax.axis_index("s")
    wid = sid * 2 + cid

    pltpu.sync_copy(dst_hbm.at[pl.ds(wid * NCH, NCH)], dst_v)
    pltpu.sync_copy(e1_hbm, ones_v)
    pltpu.sync_copy(z16_hbm, stage_v)

    nrows = jnp.where(sid < 15, OWN, N - 15 * OWN)
    trips = nrows // CC

    def zbody(r, carry):
        pltpu.sync_copy(stage_v, hist.at[pl.ds(sid * OWN + r * CC, CC)])
        return carry
    lax.fori_loop(0, trips, zbody, 0)
    plsc.subcore_barrier()

    def body(c, carry):
        pltpu.sync_copy(ones_v, hist.at[dst_v.at[c]], add=True)
        return carry
    lax.fori_loop(0, NCH, body, 0)
    plsc.subcore_barrier()

    def obody(r, carry):
        base = sid * OWN + r * CC
        pltpu.sync_copy(hist.at[pl.ds(base, CC)], stage_v)
        pltpu.sync_copy(stage_v, out_hbm.at[pl.ds(cid * N + base, CC)])
        return carry
    lax.fori_loop(0, trips, obody, 0)


@functools.cache
def _get_spmm_kernel():
    mesh = plsc.VectorSubcoreMesh(core_axis_name="c", subcore_axis_name="s")
    return functools.partial(
        pl.kernel,
        mesh=mesh,
        out_type=jax.ShapeDtypeStruct((2 * N, D), jnp.float32),
        scratch_types=[
            pltpu.VMEM_SHARED((N, D), jnp.float32),
            pltpu.VMEM((HNCH, CHUNK), jnp.int32),
            pltpu.VMEM((HNCH, CHUNK), jnp.int32),
            pltpu.VMEM((CHUNK, D), jnp.float32),
            pltpu.VMEM((CHUNK, D), jnp.float32),
            pltpu.SemaphoreType.DMA,
            pltpu.SemaphoreType.DMA,
        ],
    )(_spmm_body)


def _spmm_body(g_hbm, src_hbm, dst_hbm, zrow_hbm, out_hbm,
               acc, src_v, dst_v, rows_a, rows_b, sem_a, sem_b):
    cid = lax.axis_index("c")
    sid = lax.axis_index("s")
    wid = sid * 2 + cid

    pltpu.sync_copy(zrow_hbm, rows_a.at[pl.ds(0, CC)])

    nrows = jnp.where(sid < 15, OWN, N - 15 * OWN)
    trips = nrows // CC

    def zbody(r, carry):
        pltpu.sync_copy(rows_a.at[pl.ds(0, CC)],
                        acc.at[pl.ds(sid * OWN + r * CC, CC)])
        return carry
    lax.fori_loop(0, trips, zbody, 0)
    plsc.subcore_barrier()

    for h in range(2):
        base = wid * NCH + h * HNCH
        pltpu.sync_copy(src_hbm.at[pl.ds(base, HNCH)], src_v)
        pltpu.sync_copy(dst_hbm.at[pl.ds(base, HNCH)], dst_v)
        pltpu.async_copy(g_hbm.at[src_v.at[0]], rows_a, sem_a)

        def body(i, carry):
            cl = i * 2

            pltpu.async_copy(g_hbm.at[src_v.at[cl + 1]], rows_b, sem_b)
            pltpu.make_async_copy(g_hbm.at[src_v.at[cl]], rows_a, sem_a).wait()
            pltpu.sync_copy(rows_a, acc.at[dst_v.at[cl]], add=True)

            @pl.when(cl + 2 < HNCH)
            def _prefetch_a():
                pltpu.async_copy(g_hbm.at[src_v.at[cl + 2]], rows_a, sem_a)

            pltpu.make_async_copy(g_hbm.at[src_v.at[cl + 1]], rows_b, sem_b).wait()
            pltpu.sync_copy(rows_b, acc.at[dst_v.at[cl + 1]], add=True)
            return carry

        lax.fori_loop(0, HNCH // 2, body, 0)
    plsc.subcore_barrier()

    def obody(r, carry):
        base = sid * OWN + r * CC
        pltpu.sync_copy(acc.at[pl.ds(base, CC)], rows_a.at[pl.ds(0, CC)])
        pltpu.sync_copy(rows_a.at[pl.ds(0, CC)],
                        out_hbm.at[pl.ds(cid * N + base, CC)])
        return carry
    lax.fori_loop(0, trips, obody, 0)


_RB = 1000
_GRID = N // _RB


def _dis_block(ha, hb):
    deg = ha[:, 0:1] + hb[:, 0:1] + 1.0
    return lax.rsqrt(deg)


def _k2_body(x_ref, w1_ref, ha_ref, hb_ref, g1_ref):
    dis = _dis_block(ha_ref[...], hb_ref[...])
    h = jnp.dot(x_ref[...], w1_ref[...], preferred_element_type=jnp.float32)
    g1_ref[...] = dis * h


def _k4_body(sa_ref, sb_ref, g1_ref, ha_ref, hb_ref, b1_ref, w2_ref,
             g2_ref, m1_ref):
    i = pl.program_id(0)
    dis = _dis_block(ha_ref[...], hb_ref[...])
    x1 = jnp.maximum(dis * (sa_ref[...] + sb_ref[...] + g1_ref[...])
                     + b1_ref[...], 0.0)
    colsum = jnp.sum(x1, axis=0, keepdims=True)

    @pl.when(i == 0)
    def _():
        m1_ref[...] = colsum

    @pl.when(i > 0)
    def _():
        m1_ref[...] += colsum

    h2 = jnp.dot(x1, w2_ref[...], preferred_element_type=jnp.float32)
    g2_ref[...] = dis * h2


def _k6_body(sa_ref, sb_ref, g2_ref, ha_ref, hb_ref, b2_ref, m1_ref,
             linw_ref, linb_ref, fcw_ref, fcb_ref, out_ref, m2_acc):
    i = pl.program_id(0)
    dis = _dis_block(ha_ref[...], hb_ref[...])
    x2 = jnp.maximum(dis * (sa_ref[...] + sb_ref[...] + g2_ref[...])
                     + b2_ref[...], 0.0)
    colsum = jnp.sum(x2, axis=0, keepdims=True)

    @pl.when(i == 0)
    def _():
        m2_acc[...] = colsum

    @pl.when(i > 0)
    def _():
        m2_acc[...] += colsum

    @pl.when(i == _GRID - 1)
    def _():
        inv_n = 1.0 / N
        m1 = m1_ref[...] * inv_n
        m2 = m2_acc[...] * inv_n
        pooled = (jnp.dot(m1, linw_ref[0:D, :], preferred_element_type=jnp.float32)
                  + jnp.dot(m2, linw_ref[D:2 * D, :], preferred_element_type=jnp.float32)
                  + linb_ref[...])
        logits = jnp.dot(pooled, fcw_ref[...], preferred_element_type=jnp.float32) \
            + fcb_ref[...]
        zmax = jnp.max(logits, axis=1, keepdims=True)
        ez = jnp.exp(logits - zmax)
        out_ref[...] = ez / jnp.sum(ez, axis=1, keepdims=True)


def kernel(x, edge_index, W1, b1, W2, b2, lin_W, lin_b, fc_W, fc_b):
    src = edge_index[0].astype(jnp.int32).reshape(NW * NCH, CHUNK)
    dst = edge_index[1].astype(jnp.int32).reshape(NW * NCH, CHUNK)
    e1 = jnp.zeros((CHUNK, HW), jnp.float32).at[:, 0].set(1.0)
    z16 = jnp.zeros((CC, HW), jnp.float32)
    zrow = jnp.zeros((CC, D), jnp.float32)
    b1r = b1.reshape(1, D)
    b2r = b2.reshape(1, D)
    linbr = lin_b.reshape(1, D)
    fcbr = fc_b.reshape(1, DOUT)

    hist = _get_deg_kernel()(dst, e1, z16)

    top = lambda i: (i, 0)
    bot = lambda i: (i + _GRID, 0)
    row_t = pl.BlockSpec((_RB, D), top)
    row_b = pl.BlockSpec((_RB, D), bot)
    h_spec_t = pl.BlockSpec((_RB, HW), top)
    h_spec_b = pl.BlockSpec((_RB, HW), bot)
    w_full = pl.BlockSpec((D, D), lambda i: (0, 0))
    vec_full = pl.BlockSpec((1, D), lambda i: (0, 0))

    g1 = pl.pallas_call(
        _k2_body,
        grid=(_GRID,),
        in_specs=[row_t, w_full, h_spec_t, h_spec_b],
        out_specs=row_t,
        out_shape=jax.ShapeDtypeStruct((N, D), jnp.float32),
    )(x, W1, hist, hist)

    s1 = _get_spmm_kernel()(g1, src, dst, zrow)

    g2, m1sum = pl.pallas_call(
        _k4_body,
        grid=(_GRID,),
        in_specs=[row_t, row_b, row_t, h_spec_t, h_spec_b, vec_full, w_full],
        out_specs=[row_t, vec_full],
        out_shape=[jax.ShapeDtypeStruct((N, D), jnp.float32),
                   jax.ShapeDtypeStruct((1, D), jnp.float32)],
    )(s1, s1, g1, hist, hist, b1r, W2)

    s2 = _get_spmm_kernel()(g2, src, dst, zrow)

    out = pl.pallas_call(
        _k6_body,
        grid=(_GRID,),
        in_specs=[row_t, row_b, row_t, h_spec_t, h_spec_b, vec_full, vec_full,
                  pl.BlockSpec((2 * D, D), lambda i: (0, 0)),
                  vec_full,
                  pl.BlockSpec((D, DOUT), lambda i: (0, 0)),
                  pl.BlockSpec((1, DOUT), lambda i: (0, 0))],
        out_specs=pl.BlockSpec((1, DOUT), lambda i: (0, 0)),
        out_shape=jax.ShapeDtypeStruct((1, DOUT), jnp.float32),
        scratch_shapes=[pltpu.VMEM((1, D), jnp.float32)],
    )(s2, s2, g2, hist, hist, b2r, m1sum, lin_W, linbr, fc_W, fcbr)

    return out

# --- scband reference (transcript-rebuilt; emitter-appended) ---
"""Pipeline reference for scband-gcnmodel-32143535243970 (READ-ONLY COPY).

The authoritative reference and input builder live on the scoring server;
editing this copy changes nothing except your own understanding.
"""

import jax, jax.numpy as jnp
import numpy as np

N_NODES = 10000
N_EDGES = 320000
D_IN = 128
D_HID = 128
D_OUT = 40


def setup_inputs(seed: int = 0) -> dict:
    key = jax.random.key(seed)
    ks = jax.random.split(key, 12)
    x = jax.random.normal(ks[0], (N_NODES, D_IN), dtype=jnp.float32)
    edge_index = jax.random.randint(ks[1], (2, N_EDGES), 0, N_NODES, dtype=jnp.int64 if jax.config.jax_enable_x64 else jnp.int32)
    W1 = jax.random.normal(ks[2], (D_IN, D_HID), dtype=jnp.float32) * (1.0 / np.sqrt(D_IN))
    b1 = jnp.zeros((D_HID,), dtype=jnp.float32)
    W2 = jax.random.normal(ks[3], (D_HID, D_HID), dtype=jnp.float32) * (1.0 / np.sqrt(D_HID))
    b2 = jnp.zeros((D_HID,), dtype=jnp.float32)
    # JK='cat' projection: Linear(num_layers*hidden -> hidden)
    lin_W = jax.random.normal(ks[4], (2 * D_HID, D_HID), dtype=jnp.float32) * (1.0 / np.sqrt(2 * D_HID))
    lin_b = jnp.zeros((D_HID,), dtype=jnp.float32)
    fc_W = jax.random.normal(ks[5], (D_HID, D_OUT), dtype=jnp.float32) * (1.0 / np.sqrt(D_HID))
    fc_b = jnp.zeros((D_OUT,), dtype=jnp.float32)
    return {"x": x, "edge_index": edge_index, "W1": W1, "b1": b1, "W2": W2, "b2": b2,
            "lin_W": lin_W, "lin_b": lin_b, "fc_W": fc_W, "fc_b": fc_b}


def _gcn_conv(x, src_all, dst_all, norm, W, b):
    # GCNConv: x' = D^{-1/2}(A+I)D^{-1/2} (x W) + b
    h = x @ W
    msg = jnp.take(h, src_all, axis=0) * norm[:, None]
    out = jnp.zeros((x.shape[0], W.shape[1]), dtype=x.dtype).at[dst_all].add(msg)
    return out + b


def reference(x, edge_index, W1, b1, W2, b2, lin_W, lin_b, fc_W, fc_b):
    N = x.shape[0]
    src, dst = edge_index[0], edge_index[1]
    loop = jnp.arange(N, dtype=src.dtype)
    src_all = jnp.concatenate([src, loop])
    dst_all = jnp.concatenate([dst, loop])
    deg = jnp.zeros((N,), dtype=jnp.float32).at[dst_all].add(1.0)
    dis = jnp.where(deg > 0, deg ** -0.5, 0.0)
    norm = jnp.take(dis, src_all) * jnp.take(dis, dst_all)
    # layer 1 + ReLU (dropout is identity at inference)
    x1 = jax.nn.relu(_gcn_conv(x, src_all, dst_all, norm, W1, b1))
    # layer 2 + ReLU
    x2 = jax.nn.relu(_gcn_conv(x1, src_all, dst_all, norm, W2, b2))
    # JumpingKnowledge 'cat' + final lin of the GCN backbone
    hjk = jnp.concatenate([x1, x2], axis=1) @ lin_W + lin_b
    # global_mean_pool with batch=None -> single graph
    pooled = jnp.mean(hjk, axis=0, keepdims=True)
    out = jax.nn.softmax(pooled @ fc_W + fc_b, axis=1)
    return out

if __name__ == "__main__":
    import jax
    _d = setup_inputs()
    print(jax.jit(kernel)(*tuple(_d.values())))

</pallas_src>

<mosaic_0001>
#map = affine_map<(d0, d1) -> (0, 0)>
module attributes {stable_mosaic.version = 14 : i64} {
  func.func @_spmm_body(%arg0: i32, %arg1: i32, %arg2: memref<10000x128xf32, #tpu.memory_space<hbm>>, %arg3: memref<2560x125xi32, #tpu.memory_space<hbm>>, %arg4: memref<2560x125xi32, #tpu.memory_space<hbm>>, %arg5: memref<80x128xf32, #tpu.memory_space<hbm>>, %arg6: memref<20000x128xf32, #tpu.memory_space<hbm>>, %arg7: memref<10000x128xf32, #tpu.memory_space<vmem_shared>>, %arg8: memref<40x125xi32, #tpu.memory_space<vmem>>, %arg9: memref<40x125xi32, #tpu.memory_space<vmem>>, %arg10: memref<125x128xf32, #tpu.memory_space<vmem>>, %arg11: memref<125x128xf32, #tpu.memory_space<vmem>>, %arg12: memref<!tpu.dma_semaphore, #tpu.memory_space<semaphore_mem>>, %arg13: memref<!tpu.dma_semaphore, #tpu.memory_space<semaphore_mem>>) attributes {dimension_semantics = [#tpu.dimension_semantics<core_parallel>, #tpu.dimension_semantics<subcore_parallel>], iteration_bounds = array<i64: 2, 16>, scalar_prefetch = 0 : i64, scratch_operands = 7 : i64, tpu.core_type = #tpu.core_type<sc_vector_subcore>, window_params = [{transform_indices = #map}, {transform_indices = #map}, {transform_indices = #map}, {transform_indices = #map}, {transform_indices = #map}]} {
    %mul3A = arith.constant 2 : i32
    %mul3A_0 = arith.muli %arg1, %mul3A : i32
    %add3A = arith.addi %mul3A_0, %arg0 : i32
    "tpu.region"() ({
      %run_scoped3A = tpu.sem_alloc : memref<!tpu.dma_semaphore, #tpu.memory_space<semaphore_mem>>
      %dma_start3A_73 = arith.constant 0 : i32
      %dma_start3A_74 = arith.constant 0 : i32
      %dma_start3A_75 = tpu.memref_slice %arg10[%dma_start3A_73, %dma_start3A_74] : memref<125x128xf32, #tpu.memory_space<vmem>> -> memref<80x128xf32, #tpu.memory_space<vmem>>
      %dma_start3A_76 = arith.constant 0 : i32
      %dma_start3A_77 = arith.constant 0 : i32
      %dma_start3A_78 = tpu.memref_slice %arg10[%dma_start3A_76, %dma_start3A_77] : memref<125x128xf32, #tpu.memory_space<vmem>> -> memref<80x128xf32, #tpu.memory_space<vmem>>
      tpu.enqueue_dma source(%arg5 : memref<80x128xf32, #tpu.memory_space<hbm>>) target(%dma_start3A_78 : memref<80x128xf32, #tpu.memory_space<vmem>>) target_semaphore(%run_scoped3A : memref<!tpu.dma_semaphore, #tpu.memory_space<semaphore_mem>>)
      %dma_wait3A = arith.constant 0 : i32
      %dma_wait3A_79 = arith.constant 0 : i32
      %dma_wait3A_80 = tpu.memref_slice %arg10[%dma_wait3A, %dma_wait3A_79] : memref<125x128xf32, #tpu.memory_space<vmem>> -> memref<80x128xf32, #tpu.memory_space<vmem>>
      %dma_wait3A_81 = arith.constant 0 : i32
      %dma_wait3A_82 = arith.constant 0 : i32
      %dma_wait3A_83 = tpu.memref_slice %arg10[%dma_wait3A_81, %dma_wait3A_82] : memref<125x128xf32, #tpu.memory_space<vmem>> -> memref<80x128xf32, #tpu.memory_space<vmem>>
      tpu.wait_dma2 semaphore(%run_scoped3A : memref<!tpu.dma_semaphore, #tpu.memory_space<semaphore_mem>>) src(%arg5 : memref<80x128xf32, #tpu.memory_space<hbm>>) dst(%dma_wait3A_83 : memref<80x128xf32, #tpu.memory_space<vmem>>)
      tpu.yield
    }) : () -> ()
    %lt3A = arith.constant 15 : i32
    %lt3A_1 = arith.cmpi slt, %arg1, %lt3A : i32
    %jit3A = arith.constant 640 : i32
    %jit3A_2 = arith.constant 400 : i32
    %select_n3A = arith.select %lt3A_1, %jit3A, %jit3A_2 : i32
    %jit3A_3 = arith.constant 80 : i32
    %div3A = arith.divsi %select_n3A, %jit3A_3 : i32
    %sign3A = arith.constant 0 : i32
    %sign3A_4 = arith.cmpi sgt, %select_n3A, %sign3A : i32
    %sign3A_5 = arith.extui %sign3A_4 : i1 to i32
    %sign3A_6 = arith.constant 0 : i32
    %sign3A_7 = arith.cmpi slt, %select_n3A, %sign3A_6 : i32
    %sign3A_8 = arith.extui %sign3A_7 : i1 to i32
    %sign3A_9 = arith.subi %sign3A_5, %sign3A_8 : i32
    %sign3A_10 = arith.constant 0 : i32
    %sign3A_11 = arith.cmpi sgt, %jit3A_3, %sign3A_10 : i32
    %sign3A_12 = arith.extui %sign3A_11 : i1 to i32
    %sign3A_13 = arith.constant 0 : i32
    %sign3A_14 = arith.cmpi slt, %jit3A_3, %sign3A_13 : i32
    %sign3A_15 = arith.extui %sign3A_14 : i1 to i32
    %sign3A_16 = arith.subi %sign3A_12, %sign3A_15 : i32
    %ne3A = arith.cmpi ne, %sign3A_9, %sign3A_16 : i32
    %rem3A = arith.remsi %select_n3A, %jit3A_3 : i32
    %ne3A_17 = arith.constant 0 : i32
    %ne3A_18 = arith.cmpi ne, %rem3A, %ne3A_17 : i32
    %and3A = arith.andi %ne3A, %ne3A_18 : i1
    %sub3A = arith.constant 1 : i32
    %sub3A_19 = arith.subi %div3A, %sub3A : i32
    %select_n3A_20 = arith.select %and3A, %sub3A_19, %div3A : i32
    %while3A = arith.constant 0 : i32
    %while3A_21 = arith.constant 0 : i32
    %while3A_22 = arith.subi %select_n3A_20, %while3A_21 : i32
    %while3A_23 = arith.addi %while3A_21, %while3A_22 : i32
    %while3A_24 = arith.constant 1 : i32
    %while3A_25 = arith.divsi %while3A_22, %while3A_24 : i32
    %while3A_26 = arith.muli %while3A_25, %while3A_24 : i32
    %while3A_27 = arith.addi %while3A_21, %while3A_26 : i32
    %while3A_28 = arith.constant 1 : i32
    scf.for %while3A_73 = %while3A_21 to %while3A_27 step %while3A_28  : i32 {
      %mul3A_74 = arith.constant 640 : i32
      %mul3A_75 = arith.muli %arg1, %mul3A_74 : i32
      %mul3A_76 = arith.constant 80 : i32
      %mul3A_77 = arith.muli %while3A_73, %mul3A_76 : i32
      %add3A_78 = arith.addi %mul3A_75, %mul3A_77 : i32
      "tpu.region"() ({
        %run_scoped3A = tpu.sem_alloc : memref<!tpu.dma_semaphore, #tpu.memory_space<semaphore_mem>>
        %dma_start3A_79 = arith.constant 0 : i32
        %dma_start3A_80 = arith.constant 0 : i32
        %dma_start3A_81 = tpu.memref_slice %arg10[%dma_start3A_79, %dma_start3A_80] : memref<125x128xf32, #tpu.memory_space<vmem>> -> memref<80x128xf32, #tpu.memory_space<vmem>>
        %dma_start3A_82 = arith.constant 0 : i32
        %dma_start3A_83 = tpu.memref_slice %arg7[%add3A_78, %dma_start3A_82] : memref<10000x128xf32, #tpu.memory_space<vmem_shared>> -> memref<80x128xf32, #tpu.memory_space<vmem_shared>>
        %dma_start3A_84 = arith.constant 0 : i32
        %dma_start3A_85 = tpu.memref_slice %arg7[%add3A_78, %dma_start3A_84] : memref<10000x128xf32, #tpu.memory_space<vmem_shared>> -> memref<80x128xf32, #tpu.memory_space<vmem_shared>>
        %dma_start3A_86 = arith.constant 0 : i32
        %dma_start3A_87 = arith.constant 0 : i32
        %dma_start3A_88 = tpu.memref_slice %arg10[%dma_start3A_86, %dma_start3A_87] : memref<125x128xf32, #tpu.memory_space<vmem>> -> memref<80x128xf32, #tpu.memory_space<vmem>>
        tpu.enqueue_dma source(%dma_start3A_88 : memref<80x128xf32, #tpu.memory_space<vmem>>) target(%dma_start3A_85 : memref<80x128xf32, #tpu.memory_space<vmem_shared>>) target_semaphore(%run_scoped3A : memref<!tpu.dma_semaphore, #tpu.memory_space<semaphore_mem>>)
        %dma_wait3A = arith.constant 0 : i32
        %dma_wait3A_89 = arith.constant 0 : i32
        %dma_wait3A_90 = tpu.memref_slice %arg10[%dma_wait3A, %dma_wait3A_89] : memref<125x128xf32, #tpu.memory_space<vmem>> -> memref<80x128xf32, #tpu.memory_space<vmem>>
        %dma_wait3A_91 = arith.constant 0 : i32
        %dma_wait3A_92 = tpu.memref_slice %arg7[%add3A_78, %dma_wait3A_91] : memref<10000x128xf32, #tpu.memory_space<vmem_shared>> -> memref<80x128xf32, #tpu.memory_space<vmem_shared>>
        %dma_wait3A_93 = arith.constant 0 : i32
        %dma_wait3A_94 = tpu.memref_slice %arg7[%add3A_78, %dma_wait3A_93] : memref<10000x128xf32, #tpu.memory_space<vmem_shared>> -> memref<80x128xf32, #tpu.memory_space<vmem_shared>>
        %dma_wait3A_95 = arith.constant 0 : i32
        %dma_wait3A_96 = arith.constant 0 : i32
        %dma_wait3A_97 = tpu.memref_slice %arg10[%dma_wait3A_95, %dma_wait3A_96] : memref<125x128xf32, #tpu.memory_space<vmem>> -> memref<80x128xf32, #tpu.memory_space<vmem>>
        tpu.wait_dma2 semaphore(%run_scoped3A : memref<!tpu.dma_semaphore, #tpu.memory_space<semaphore_mem>>) src(%dma_wait3A_97 : memref<80x128xf32, #tpu.memory_space<vmem>>) dst(%dma_wait3A_94 : memref<80x128xf32, #tpu.memory_space<vmem_shared>>)
        tpu.yield
      }) : () -> ()
    }
    %while3A_29 = arith.constant 1 : i32
    scf.for %while3A_73 = %while3A_27 to %while3A_23 step %while3A_29  : i32 {
      %mul3A_74 = arith.constant 640 : i32
      %mul3A_75 = arith.muli %arg1, %mul3A_74 : i32
      %mul3A_76 = arith.constant 80 : i32
      %mul3A_77 = arith.muli %while3A_73, %mul3A_76 : i32
      %add3A_78 = arith.addi %mul3A_75, %mul3A_77 : i32
      "tpu.region"() ({
        %run_scoped3A = tpu.sem_alloc : memref<!tpu.dma_semaphore, #tpu.memory_space<semaphore_mem>>
        %dma_start3A_79 = arith.constant 0 : i32
        %dma_start3A_80 = arith.constant 0 : i32
        %dma_start3A_81 = tpu.memref_slice %arg10[%dma_start3A_79, %dma_start3A_80] : memref<125x128xf32, #tpu.memory_space<vmem>> -> memref<80x128xf32, #tpu.memory_space<vmem>>
        %dma_start3A_82 = arith.constant 0 : i32
        %dma_start3A_83 = tpu.memref_slice %arg7[%add3A_78, %dma_start3A_82] : memref<10000x128xf32, #tpu.memory_space<vmem_shared>> -> memref<80x128xf32, #tpu.memory_space<vmem_shared>>
        %dma_start3A_84 = arith.constant 0 : i32
        %dma_start3A_85 = tpu.memref_slice %arg7[%add3A_78, %dma_start3A_84] : memref<10000x128xf32, #tpu.memory_space<vmem_shared>> -> memref<80x128xf32, #tpu.memory_space<vmem_shared>>
        %dma_start3A_86 = arith.constant 0 : i32
        %dma_start3A_87 = arith.constant 0 : i32
        %dma_start3A_88 = tpu.memref_slice %arg10[%dma_start3A_86, %dma_start3A_87] : memref<125x128xf32, #tpu.memory_space<vmem>> -> memref<80x128xf32, #tpu.memory_space<vmem>>
        tpu.enqueue_dma source(%dma_start3A_88 : memref<80x128xf32, #tpu.memory_space<vmem>>) target(%dma_start3A_85 : memref<80x128xf32, #tpu.memory_space<vmem_shared>>) target_semaphore(%run_scoped3A : memref<!tpu.dma_semaphore, #tpu.memory_space<semaphore_mem>>)
        %dma_wait3A = arith.constant 0 : i32
        %dma_wait3A_89 = arith.constant 0 : i32
        %dma_wait3A_90 = tpu.memref_slice %arg10[%dma_wait3A, %dma_wait3A_89] : memref<125x128xf32, #tpu.memory_space<vmem>> -> memref<80x128xf32, #tpu.memory_space<vmem>>
        %dma_wait3A_91 = arith.constant 0 : i32
        %dma_wait3A_92 = tpu.memref_slice %arg7[%add3A_78, %dma_wait3A_91] : memref<10000x128xf32, #tpu.memory_space<vmem_shared>> -> memref<80x128xf32, #tpu.memory_space<vmem_shared>>
        %dma_wait3A_93 = arith.constant 0 : i32
        %dma_wait3A_94 = tpu.memref_slice %arg7[%add3A_78, %dma_wait3A_93] : memref<10000x128xf32, #tpu.memory_space<vmem_shared>> -> memref<80x128xf32, #tpu.memory_space<vmem_shared>>
        %dma_wait3A_95 = arith.constant 0 : i32
        %dma_wait3A_96 = arith.constant 0 : i32
        %dma_wait3A_97 = tpu.memref_slice %arg10[%dma_wait3A_95, %dma_wait3A_96] : memref<125x128xf32, #tpu.memory_space<vmem>> -> memref<80x128xf32, #tpu.memory_space<vmem>>
        tpu.wait_dma2 semaphore(%run_scoped3A : memref<!tpu.dma_semaphore, #tpu.memory_space<semaphore_mem>>) src(%dma_wait3A_97 : memref<80x128xf32, #tpu.memory_space<vmem>>) dst(%dma_wait3A_94 : memref<80x128xf32, #tpu.memory_space<vmem_shared>>)
        tpu.yield
      }) : () -> ()
    }
    %barrier3A = arith.constant 0 : index
    tpu.barrier barrier_id(%barrier3A)
    %mul3A_30 = arith.constant 80 : i32
    %mul3A_31 = arith.muli %add3A, %mul3A_30 : i32
    %add3A_32 = arith.constant 0 : i32
    %add3A_33 = arith.addi %mul3A_31, %add3A_32 : i32
    "tpu.region"() ({
      %run_scoped3A = tpu.sem_alloc : memref<!tpu.dma_semaphore, #tpu.memory_space<semaphore_mem>>
      %dma_start3A_73 = arith.constant 0 : i32
      %dma_start3A_74 = tpu.memref_slice %arg3[%add3A_33, %dma_start3A_73] : memref<2560x125xi32, #tpu.memory_space<hbm>> -> memref<40x125xi32, #tpu.memory_space<hbm>>
      %dma_start3A_75 = arith.constant 0 : i32
      %dma_start3A_76 = tpu.memref_slice %arg3[%add3A_33, %dma_start3A_75] : memref<2560x125xi32, #tpu.memory_space<hbm>> -> memref<40x125xi32, #tpu.memory_space<hbm>>
      tpu.enqueue_dma source(%dma_start3A_76 : memref<40x125xi32, #tpu.memory_space<hbm>>) target(%arg8 : memref<40x125xi32, #tpu.memory_space<vmem>>) target_semaphore(%run_scoped3A : memref<!tpu.dma_semaphore, #tpu.memory_space<semaphore_mem>>)
      %dma_wait3A = arith.constant 0 : i32
      %dma_wait3A_77 = tpu.memref_slice %arg3[%add3A_33, %dma_wait3A] : memref<2560x125xi32, #tpu.memory_space<hbm>> -> memref<40x125xi32, #tpu.memory_space<hbm>>
      %dma_wait3A_78 = arith.constant 0 : i32
      %dma_wait3A_79 = tpu.memref_slice %arg3[%add3A_33, %dma_wait3A_78] : memref<2560x125xi32, #tpu.memory_space<hbm>> -> memref<40x125xi32, #tpu.memory_space<hbm>>
      tpu.wait_dma2 semaphore(%run_scoped3A : memref<!tpu.dma_semaphore, #tpu.memory_space<semaphore_mem>>) src(%dma_wait3A_79 : memref<40x125xi32, #tpu.memory_space<hbm>>) dst(%arg8 : memref<40x125xi32, #tpu.memory_space<vmem>>)
      tpu.yield
    }) : () -> ()
    "tpu.region"() ({
      %run_scoped3A = tpu.sem_alloc : memref<!tpu.dma_semaphore, #tpu.memory_space<semaphore_mem>>
      %dma_start3A_73 = arith.constant 0 : i32
      %dma_start3A_74 = tpu.memref_slice %arg4[%add3A_33, %dma_start3A_73] : memref<2560x125xi32, #tpu.memory_space<hbm>> -> memref<40x125xi32, #tpu.memory_space<hbm>>
      %dma_start3A_75 = arith.constant 0 : i32
      %dma_start3A_76 = tpu.memref_slice %arg4[%add3A_33, %dma_start3A_75] : memref<2560x125xi32, #tpu.memory_space<hbm>> -> memref<40x125xi32, #tpu.memory_space<hbm>>
      tpu.enqueue_dma source(%dma_start3A_76 : memref<40x125xi32, #tpu.memory_space<hbm>>) target(%arg9 : memref<40x125xi32, #tpu.memory_space<vmem>>) target_semaphore(%run_scoped3A : memref<!tpu.dma_semaphore, #tpu.memory_space<semaphore_mem>>)
      %dma_wait3A = arith.constant 0 : i32
      %dma_wait3A_77 = tpu.memref_slice %arg4[%add3A_33, %dma_wait3A] : memref<2560x125xi32, #tpu.memory_space<hbm>> -> memref<40x125xi32, #tpu.memory_space<hbm>>
      %dma_wait3A_78 = arith.constant 0 : i32
      %dma_wait3A_79 = tpu.memref_slice %arg4[%add3A_33, %dma_wait3A_78] : memref<2560x125xi32, #tpu.memory_space<hbm>> -> memref<40x125xi32, #tpu.memory_space<hbm>>
      tpu.wait_dma2 semaphore(%run_scoped3A : memref<!tpu.dma_semaphore, #tpu.memory_space<semaphore_mem>>) src(%dma_wait3A_79 : memref<40x125xi32, #tpu.memory_space<hbm>>) dst(%arg9 : memref<40x125xi32, #tpu.memory_space<vmem>>)
      tpu.yield
    }) : () -> ()
    %dma_start3A = arith.constant 0 : i32
    %dma_start3A_34 = arith.constant 0 : i32
    %dma_start3A_35 = tpu.memref_slice %arg8[%dma_start3A, %dma_start3A_34] : memref<40x125xi32, #tpu.memory_space<vmem>> -> memref<1x125xi32, #tpu.memory_space<vmem>>
    %dma_start3A_36 = tpu.memref_squeeze %dma_start3A_35 : memref<1x125xi32, #tpu.memory_space<vmem>> -> memref<125xi32, #tpu.memory_space<vmem>>
    %dma_start3A_37 = arith.constant 0 : i32
    %dma_start3A_38 = arith.constant 0 : i32
    %dma_start3A_39 = tpu.memref_slice %arg2[%dma_start3A_37, %dma_start3A_38] : memref<10000x128xf32, #tpu.memory_space<hbm>> -> memref<10000x128xf32, #tpu.memory_space<hbm>>
    tpu.enqueue_indirect_dma source(%dma_start3A_39 : memref<10000x128xf32, #tpu.memory_space<hbm>>) target(%arg10 : memref<125x128xf32, #tpu.memory_space<vmem>>) offsets(%dma_start3A_36 : memref<125xi32, #tpu.memory_space<vmem>>) semaphore(%arg12 : memref<!tpu.dma_semaphore, #tpu.memory_space<semaphore_mem>>)
    %scan3A = arith.constant 0 : i32
    %scan3A_40 = arith.constant 0 : i32
    %scan3A_41 = arith.constant 20 : i32
    %scan3A_42 = arith.addi %scan3A_40, %scan3A_41 : i32
    %scan3A_43 = arith.constant 1 : i32
    scf.for %scan3A_73 = %scan3A_40 to %scan3A_42 step %scan3A_43  : i32 {
      %mul3A_74 = arith.constant 2 : i32
      %mul3A_75 = arith.muli %scan3A_73, %mul3A_74 : i32
      %add3A_76 = arith.constant 1 : i32
      %add3A_77 = arith.addi %mul3A_75, %add3A_76 : i32
      %dma_start3A_78 = arith.constant 0 : i32
      %dma_start3A_79 = tpu.memref_slice %arg8[%add3A_77, %dma_start3A_78] : memref<40x125xi32, #tpu.memory_space<vmem>> -> memref<1x125xi32, #tpu.memory_space<vmem>>
      %dma_start3A_80 = tpu.memref_squeeze %dma_start3A_79 : memref<1x125xi32, #tpu.memory_space<vmem>> -> memref<125xi32, #tpu.memory_space<vmem>>
      %dma_start3A_81 = arith.constant 0 : i32
      %dma_start3A_82 = arith.constant 0 : i32
      %dma_start3A_83 = tpu.memref_slice %arg2[%dma_start3A_81, %dma_start3A_82] : memref<10000x128xf32, #tpu.memory_space<hbm>> -> memref<10000x128xf32, #tpu.memory_space<hbm>>
      tpu.enqueue_indirect_dma source(%dma_start3A_83 : memref<10000x128xf32, #tpu.memory_space<hbm>>) target(%arg11 : memref<125x128xf32, #tpu.memory_space<vmem>>) offsets(%dma_start3A_80 : memref<125xi32, #tpu.memory_space<vmem>>) semaphore(%arg13 : memref<!tpu.dma_semaphore, #tpu.memory_space<semaphore_mem>>)
      %dma_wait3A = arith.constant 0 : i32
      %dma_wait3A_84 = tpu.memref_slice %arg8[%mul3A_75, %dma_wait3A] : memref<40x125xi32, #tpu.memory_space<vmem>> -> memref<1x125xi32, #tpu.memory_space<vmem>>
      %dma_wait3A_85 = tpu.memref_squeeze %dma_wait3A_84 : memref<1x125xi32, #tpu.memory_space<vmem>> -> memref<125xi32, #tpu.memory_space<vmem>>
      %dma_wait3A_86 = arith.constant 0 : i32
      %dma_wait3A_87 = arith.constant 0 : i32
      %dma_wait3A_88 = tpu.memref_slice %arg2[%dma_wait3A_86, %dma_wait3A_87] : memref<10000x128xf32, #tpu.memory_space<hbm>> -> memref<10000x128xf32, #tpu.memory_space<hbm>>
      tpu.wait_indirect_dma semaphore(%arg12 : memref<!tpu.dma_semaphore, #tpu.memory_space<semaphore_mem>>) src(%dma_wait3A_88 : memref<10000x128xf32, #tpu.memory_space<hbm>>) dst(%arg10 : memref<125x128xf32, #tpu.memory_space<vmem>>)
      "tpu.region"() ({
        %run_scoped3A = tpu.sem_alloc : memref<!tpu.dma_semaphore, #tpu.memory_space<semaphore_mem>>
        %dma_start3A_104 = arith.constant 0 : i32
        %dma_start3A_105 = tpu.memref_slice %arg9[%mul3A_75, %dma_start3A_104] : memref<40x125xi32, #tpu.memory_space<vmem>> -> memref<1x125xi32, #tpu.memory_space<vmem>>
        %dma_start3A_106 = tpu.memref_squeeze %dma_start3A_105 : memref<1x125xi32, #tpu.memory_space<vmem>> -> memref<125xi32, #tpu.memory_space<vmem>>
        %dma_start3A_107 = arith.constant 0 : i32
        %dma_start3A_108 = arith.constant 0 : i32
        %dma_start3A_109 = tpu.memref_slice %arg7[%dma_start3A_107, %dma_start3A_108] : memref<10000x128xf32, #tpu.memory_space<vmem_shared>> -> memref<10000x128xf32, #tpu.memory_space<vmem_shared>>
        tpu.enqueue_indirect_dma source(%arg10 : memref<125x128xf32, #tpu.memory_space<vmem>>) target(%dma_start3A_109 : memref<10000x128xf32, #tpu.memory_space<vmem_shared>>) offsets(%dma_start3A_106 : memref<125xi32, #tpu.memory_space<vmem>>) semaphore(%run_scoped3A : memref<!tpu.dma_semaphore, #tpu.memory_space<semaphore_mem>>) {add = true}
        %dma_wait3A_110 = arith.constant 0 : i32
        %dma_wait3A_111 = tpu.memref_slice %arg9[%mul3A_75, %dma_wait3A_110] : memref<40x125xi32, #tpu.memory_space<vmem>> -> memref<1x125xi32, #tpu.memory_space<vmem>>
        %dma_wait3A_112 = tpu.memref_squeeze %dma_wait3A_111 : memref<1x125xi32, #tpu.memory_space<vmem>> -> memref<125xi32, #tpu.memory_space<vmem>>
        %dma_wait3A_113 = arith.constant 0 : i32
        %dma_wait3A_114 = arith.constant 0 : i32
        %dma_wait3A_115 = tpu.memref_slice %arg7[%dma_wait3A_113, %dma_wait3A_114] : memref<10000x128xf32, #tpu.memory_space<vmem_shared>> -> memref<10000x128xf32, #tpu.memory_space<vmem_shared>>
        tpu.wait_indirect_dma semaphore(%run_scoped3A : memref<!tpu.dma_semaphore, #tpu.memory_space<semaphore_mem>>) src(%arg10 : memref<125x128xf32, #tpu.memory_space<vmem>>) dst(%dma_wait3A_115 : memref<10000x128xf32, #tpu.memory_space<vmem_shared>>)
        tpu.yield
      }) : () -> ()
      %add3A_89 = arith.constant 2 : i32
      %add3A_90 = arith.addi %mul3A_75, %add3A_89 : i32
      %lt3A_91 = arith.constant 40 : i32
      %lt3A_92 = arith.cmpi slt, %add3A_90, %lt3A_91 : i32
      %convert_element_type3A = arith.extui %lt3A_92 : i1 to i32
      %cond3A = arith.constant 0 : i32
      %cond3A_93 = arith.cmpi ne, %convert_element_type3A, %cond3A : i32
      scf.if %cond3A_93 {
        %add3A_104 = arith.constant 2 : i32
        %add3A_105 = arith.addi %mul3A_75, %add3A_104 : i32
        %dma_start3A_106 = arith.constant 0 : i32
        %dma_start3A_107 = tpu.memref_slice %arg8[%add3A_105, %dma_start3A_106] : memref<40x125xi32, #tpu.memory_space<vmem>> -> memref<1x125xi32, #tpu.memory_space<vmem>>
        %dma_start3A_108 = tpu.memref_squeeze %dma_start3A_107 : memref<1x125xi32, #tpu.memory_space<vmem>> -> memref<125xi32, #tpu.memory_space<vmem>>
        %dma_start3A_109 = arith.constant 0 : i32
        %dma_start3A_110 = arith.constant 0 : i32
        %dma_start3A_111 = tpu.memref_slice %arg2[%dma_start3A_109, %dma_start3A_110] : memref<10000x128xf32, #tpu.memory_space<hbm>> -> memref<10000x128xf32, #tpu.memory_space<hbm>>
        tpu.enqueue_indirect_dma source(%dma_start3A_111 : memref<10000x128xf32, #tpu.memory_space<hbm>>) target(%arg10 : memref<125x128xf32, #tpu.memory_space<vmem>>) offsets(%dma_start3A_108 : memref<125xi32, #tpu.memory_space<vmem>>) semaphore(%arg12 : memref<!tpu.dma_semaphore, #tpu.memory_space<semaphore_mem>>)
      } else {
      }
      %add3A_94 = arith.constant 1 : i32
      %add3A_95 = arith.addi %mul3A_75, %add3A_94 : i32
      %dma_wait3A_96 = arith.constant 0 : i32
      %dma_wait3A_97 = tpu.memref_slice %arg8[%add3A_95, %dma_wait3A_96] : memref<40x125xi32, #tpu.memory_space<vmem>> -> memref<1x125xi32, #tpu.memory_space<vmem>>
      %dma_wait3A_98 = tpu.memref_squeeze %dma_wait3A_97 : memref<1x125xi32, #tpu.memory_space<vmem>> -> memref<125xi32, #tpu.memory_space<vmem>>
      %dma_wait3A_99 = arith.constant 0 : i32
      %dma_wait3A_100 = arith.constant 0 : i32
      %dma_wait3A_101 = tpu.memref_slice %arg2[%dma_wait3A_99, %dma_wait3A_100] : memref<10000x128xf32, #tpu.memory_space<hbm>> -> memref<10000x128xf32, #tpu.memory_space<hbm>>
      tpu.wait_indirect_dma semaphore(%arg13 : memref<!tpu.dma_semaphore, #tpu.memory_space<semaphore_mem>>) src(%dma_wait3A_101 : memref<10000x128xf32, #tpu.memory_space<hbm>>) dst(%arg11 : memref<125x128xf32, #tpu.memory_space<vmem>>)
      %add3A_102 = arith.constant 1 : i32
      %add3A_103 = arith.addi %mul3A_75, %add3A_102 : i32
      "tpu.region"() ({
        %run_scoped3A = tpu.sem_alloc : memref<!tpu.dma_semaphore, #tpu.memory_space<semaphore_mem>>
        %dma_start3A_104 = arith.constant 0 : i32
        %dma_start3A_105 = tpu.memref_slice %arg9[%add3A_103, %dma_start3A_104] : memref<40x125xi32, #tpu.memory_space<vmem>> -> memref<1x125xi32, #tpu.memory_space<vmem>>
        %dma_start3A_106 = tpu.memref_squeeze %dma_start3A_105 : memref<1x125xi32, #tpu.memory_space<vmem>> -> memref<125xi32, #tpu.memory_space<vmem>>
        %dma_start3A_107 = arith.constant 0 : i32
        %dma_start3A_108 = arith.constant 0 : i32
        %dma_start3A_109 = tpu.memref_slice %arg7[%dma_start3A_107, %dma_start3A_108] : memref<10000x128xf32, #tpu.memory_space<vmem_shared>> -> memref<10000x128xf32, #tpu.memory_space<vmem_shared>>
        tpu.enqueue_indirect_dma source(%arg11 : memref<125x128xf32, #tpu.memory_space<vmem>>) target(%dma_start3A_109 : memref<10000x128xf32, #tpu.memory_space<vmem_shared>>) offsets(%dma_start3A_106 : memref<125xi32, #tpu.memory_space<vmem>>) semaphore(%run_scoped3A : memref<!tpu.dma_semaphore, #tpu.memory_space<semaphore_mem>>) {add = true}
        %dma_wait3A_110 = arith.constant 0 : i32
        %dma_wait3A_111 = tpu.memref_slice %arg9[%add3A_103, %dma_wait3A_110] : memref<40x125xi32, #tpu.memory_space<vmem>> -> memref<1x125xi32, #tpu.memory_space<vmem>>
        %dma_wait3A_112 = tpu.memref_squeeze %dma_wait3A_111 : memref<1x125xi32, #tpu.memory_space<vmem>> -> memref<125xi32, #tpu.memory_space<vmem>>
        %dma_wait3A_113 = arith.constant 0 : i32
        %dma_wait3A_114 = arith.constant 0 : i32
        %dma_wait3A_115 = tpu.memref_slice %arg7[%dma_wait3A_113, %dma_wait3A_114] : memref<10000x128xf32, #tpu.memory_space<vmem_shared>> -> memref<10000x128xf32, #tpu.memory_space<vmem_shared>>
        tpu.wait_indirect_dma semaphore(%run_scoped3A : memref<!tpu.dma_semaphore, #tpu.memory_space<semaphore_mem>>) src(%arg11 : memref<125x128xf32, #tpu.memory_space<vmem>>) dst(%dma_wait3A_115 : memref<10000x128xf32, #tpu.memory_space<vmem_shared>>)
        tpu.yield
      }) : () -> ()
    }
    %scan3A_44 = arith.constant 20 : i32
    %mul3A_45 = arith.constant 80 : i32
    %mul3A_46 = arith.muli %add3A, %mul3A_45 : i32
    %add3A_47 = arith.constant 40 : i32
    %add3A_48 = arith.addi %mul3A_46, %add3A_47 : i32
    "tpu.region"() ({
      %run_scoped3A = tpu.sem_alloc : memref<!tpu.dma_semaphore, #tpu.memory_space<semaphore_mem>>
      %dma_start3A_73 = arith.constant 0 : i32
      %dma_start3A_74 = tpu.memref_slice %arg3[%add3A_48, %dma_start3A_73] : memref<2560x125xi32, #tpu.memory_space<hbm>> -> memref<40x125xi32, #tpu.memory_space<hbm>>
      %dma_start3A_75 = arith.constant 0 : i32
      %dma_start3A_76 = tpu.memref_slice %arg3[%add3A_48, %dma_start3A_75] : memref<2560x125xi32, #tpu.memory_space<hbm>> -> memref<40x125xi32, #tpu.memory_space<hbm>>
      tpu.enqueue_dma source(%dma_start3A_76 : memref<40x125xi32, #tpu.memory_space<hbm>>) target(%arg8 : memref<40x125xi32, #tpu.memory_space<vmem>>) target_semaphore(%run_scoped3A : memref<!tpu.dma_semaphore, #tpu.memory_space<semaphore_mem>>)
      %dma_wait3A = arith.constant 0 : i32
      %dma_wait3A_77 = tpu.memref_slice %arg3[%add3A_48, %dma_wait3A] : memref<2560x125xi32, #tpu.memory_space<hbm>> -> memref<40x125xi32, #tpu.memory_space<hbm>>
      %dma_wait3A_78 = arith.constant 0 : i32
      %dma_wait3A_79 = tpu.memref_slice %arg3[%add3A_48, %dma_wait3A_78] : memref<2560x125xi32, #tpu.memory_space<hbm>> -> memref<40x125xi32, #tpu.memory_space<hbm>>
      tpu.wait_dma2 semaphore(%run_scoped3A : memref<!tpu.dma_semaphore, #tpu.memory_space<semaphore_mem>>) src(%dma_wait3A_79 : memref<40x125xi32, #tpu.memory_space<hbm>>) dst(%arg8 : memref<40x125xi32, #tpu.memory_space<vmem>>)
      tpu.yield
    }) : () -> ()
    "tpu.region"() ({
      %run_scoped3A = tpu.sem_alloc : memref<!tpu.dma_semaphore, #tpu.memory_space<semaphore_mem>>
      %dma_start3A_73 = arith.constant 0 : i32
      %dma_start3A_74 = tpu.memref_slice %arg4[%add3A_48, %dma_start3A_73] : memref<2560x125xi32, #tpu.memory_space<hbm>> -> memref<40x125xi32, #tpu.memory_space<hbm>>
      %dma_start3A_75 = arith.constant 0 : i32
      %dma_start3A_76 = tpu.memref_slice %arg4[%add3A_48, %dma_start3A_75] : memref<2560x125xi32, #tpu.memory_space<hbm>> -> memref<40x125xi32, #tpu.memory_space<hbm>>
      tpu.enqueue_dma source(%dma_start3A_76 : memref<40x125xi32, #tpu.memory_space<hbm>>) target(%arg9 : memref<40x125xi32, #tpu.memory_space<vmem>>) target_semaphore(%run_scoped3A : memref<!tpu.dma_semaphore, #tpu.memory_space<semaphore_mem>>)
      %dma_wait3A = arith.constant 0 : i32
      %dma_wait3A_77 = tpu.memref_slice %arg4[%add3A_48, %dma_wait3A] : memref<2560x125xi32, #tpu.memory_space<hbm>> -> memref<40x125xi32, #tpu.memory_space<hbm>>
      %dma_wait3A_78 = arith.constant 0 : i32
      %dma_wait3A_79 = tpu.memref_slice %arg4[%add3A_48, %dma_wait3A_78] : memref<2560x125xi32, #tpu.memory_space<hbm>> -> memref<40x125xi32, #tpu.memory_space<hbm>>
      tpu.wait_dma2 semaphore(%run_scoped3A : memref<!tpu.dma_semaphore, #tpu.memory_space<semaphore_mem>>) src(%dma_wait3A_79 : memref<40x125xi32, #tpu.memory_space<hbm>>) dst(%arg9 : memref<40x125xi32, #tpu.memory_space<vmem>>)
      tpu.yield
    }) : () -> ()
    %dma_start3A_49 = arith.constant 0 : i32
    %dma_start3A_50 = arith.constant 0 : i32
    %dma_start3A_51 = tpu.memref_slice %arg8[%dma_start3A_49, %dma_start3A_50] : memref<40x125xi32, #tpu.memory_space<vmem>> -> memref<1x125xi32, #tpu.memory_space<vmem>>
    %dma_start3A_52 = tpu.memref_squeeze %dma_start3A_51 : memref<1x125xi32, #tpu.memory_space<vmem>> -> memref<125xi32, #tpu.memory_space<vmem>>
    %dma_start3A_53 = arith.constant 0 : i32
    %dma_start3A_54 = arith.constant 0 : i32
    %dma_start3A_55 = tpu.memref_slice %arg2[%dma_start3A_53, %dma_start3A_54] : memref<10000x128xf32, #tpu.memory_space<hbm>> -> memref<10000x128xf32, #tpu.memory_space<hbm>>
    tpu.enqueue_indirect_dma source(%dma_start3A_55 : memref<10000x128xf32, #tpu.memory_space<hbm>>) target(%arg10 : memref<125x128xf32, #tpu.memory_space<vmem>>) offsets(%dma_start3A_52 : memref<125xi32, #tpu.memory_space<vmem>>) semaphore(%arg12 : memref<!tpu.dma_semaphore, #tpu.memory_space<semaphore_mem>>)
    %scan3A_56 = arith.constant 0 : i32
    %scan3A_57 = arith.constant 0 : i32
    %scan3A_58 = arith.constant 20 : i32
    %scan3A_59 = arith.addi %scan3A_57, %scan3A_58 : i32
    %scan3A_60 = arith.constant 1 : i32
    scf.for %scan3A_73 = %scan3A_57 to %scan3A_59 step %scan3A_60  : i32 {
      %mul3A_74 = arith.constant 2 : i32
      %mul3A_75 = arith.muli %scan3A_73, %mul3A_74 : i32
      %add3A_76 = arith.constant 1 : i32
      %add3A_77 = arith.addi %mul3A_75, %add3A_76 : i32
      %dma_start3A_78 = arith.constant 0 : i32
      %dma_start3A_79 = tpu.memref_slice %arg8[%add3A_77, %dma_start3A_78] : memref<40x125xi32, #tpu.memory_space<vmem>> -> memref<1x125xi32, #tpu.memory_space<vmem>>
      %dma_start3A_80 = tpu.memref_squeeze %dma_start3A_79 : memref<1x125xi32, #tpu.memory_space<vmem>> -> memref<125xi32, #tpu.memory_space<vmem>>
      %dma_start3A_81 = arith.constant 0 : i32
      %dma_start3A_82 = arith.constant 0 : i32
      %dma_start3A_83 = tpu.memref_slice %arg2[%dma_start3A_81, %dma_start3A_82] : memref<10000x128xf32, #tpu.memory_space<hbm>> -> memref<10000x128xf32, #tpu.memory_space<hbm>>
      tpu.enqueue_indirect_dma source(%dma_start3A_83 : memref<10000x128xf32, #tpu.memory_space<hbm>>) target(%arg11 : memref<125x128xf32, #tpu.memory_space<vmem>>) offsets(%dma_start3A_80 : memref<125xi32, #tpu.memory_space<vmem>>) semaphore(%arg13 : memref<!tpu.dma_semaphore, #tpu.memory_space<semaphore_mem>>)
      %dma_wait3A = arith.constant 0 : i32
      %dma_wait3A_84 = tpu.memref_slice %arg8[%mul3A_75, %dma_wait3A] : memref<40x125xi32, #tpu.memory_space<vmem>> -> memref<1x125xi32, #tpu.memory_space<vmem>>
      %dma_wait3A_85 = tpu.memref_squeeze %dma_wait3A_84 : memref<1x125xi32, #tpu.memory_space<vmem>> -> memref<125xi32, #tpu.memory_space<vmem>>
      %dma_wait3A_86 = arith.constant 0 : i32
      %dma_wait3A_87 = arith.constant 0 : i32
      %dma_wait3A_88 = tpu.memref_slice %arg2[%dma_wait3A_86, %dma_wait3A_87] : memref<10000x128xf32, #tpu.memory_space<hbm>> -> memref<10000x128xf32, #tpu.memory_space<hbm>>
      tpu.wait_indirect_dma semaphore(%arg12 : memref<!tpu.dma_semaphore, #tpu.memory_space<semaphore_mem>>) src(%dma_wait3A_88 : memref<10000x128xf32, #tpu.memory_space<hbm>>) dst(%arg10 : memref<125x128xf32, #tpu.memory_space<vmem>>)
      "tpu.region"() ({
        %run_scoped3A = tpu.sem_alloc : memref<!tpu.dma_semaphore, #tpu.memory_space<semaphore_mem>>
        %dma_start3A_104 = arith.constant 0 : i32
        %dma_start3A_105 = tpu.memref_slice %arg9[%mul3A_75, %dma_start3A_104] : memref<40x125xi32, #tpu.memory_space<vmem>> -> memref<1x125xi32, #tpu.memory_space<vmem>>
        %dma_start3A_106 = tpu.memref_squeeze %dma_start3A_105 : memref<1x125xi32, #tpu.memory_space<vmem>> -> memref<125xi32, #tpu.memory_space<vmem>>
        %dma_start3A_107 = arith.constant 0 : i32
        %dma_start3A_108 = arith.constant 0 : i32
        %dma_start3A_109 = tpu.memref_slice %arg7[%dma_start3A_107, %dma_start3A_108] : memref<10000x128xf32, #tpu.memory_space<vmem_shared>> -> memref<10000x128xf32, #tpu.memory_space<vmem_shared>>
        tpu.enqueue_indirect_dma source(%arg10 : memref<125x128xf32, #tpu.memory_space<vmem>>) target(%dma_start3A_109 : memref<10000x128xf32, #tpu.memory_space<vmem_shared>>) offsets(%dma_start3A_106 : memref<125xi32, #tpu.memory_space<vmem>>) semaphore(%run_scoped3A : memref<!tpu.dma_semaphore, #tpu.memory_space<semaphore_mem>>) {add = true}
        %dma_wait3A_110 = arith.constant 0 : i32
        %dma_wait3A_111 = tpu.memref_slice %arg9[%mul3A_75, %dma_wait3A_110] : memref<40x125xi32, #tpu.memory_space<vmem>> -> memref<1x125xi32, #tpu.memory_space<vmem>>
        %dma_wait3A_112 = tpu.memref_squeeze %dma_wait3A_111 : memref<1x125xi32, #tpu.memory_space<vmem>> -> memref<125xi32, #tpu.memory_space<vmem>>
        %dma_wait3A_113 = arith.constant 0 : i32
        %dma_wait3A_114 = arith.constant 0 : i32
        %dma_wait3A_115 = tpu.memref_slice %arg7[%dma_wait3A_113, %dma_wait3A_114] : memref<10000x128xf32, #tpu.memory_space<vmem_shared>> -> memref<10000x128xf32, #tpu.memory_space<vmem_shared>>
        tpu.wait_indirect_dma semaphore(%run_scoped3A : memref<!tpu.dma_semaphore, #tpu.memory_space<semaphore_mem>>) src(%arg10 : memref<125x128xf32, #tpu.memory_space<vmem>>) dst(%dma_wait3A_115 : memref<10000x128xf32, #tpu.memory_space<vmem_shared>>)
        tpu.yield
      }) : () -> ()
      %add3A_89 = arith.constant 2 : i32
      %add3A_90 = arith.addi %mul3A_75, %add3A_89 : i32
      %lt3A_91 = arith.constant 40 : i32
      %lt3A_92 = arith.cmpi slt, %add3A_90, %lt3A_91 : i32
      %convert_element_type3A = arith.extui %lt3A_92 : i1 to i32
      %cond3A = arith.constant 0 : i32
      %cond3A_93 = arith.cmpi ne, %convert_element_type3A, %cond3A : i32
      scf.if %cond3A_93 {
        %add3A_104 = arith.constant 2 : i32
        %add3A_105 = arith.addi %mul3A_75, %add3A_104 : i32
        %dma_start3A_106 = arith.constant 0 : i32
        %dma_start3A_107 = tpu.memref_slice %arg8[%add3A_105, %dma_start3A_106] : memref<40x125xi32, #tpu.memory_space<vmem>> -> memref<1x125xi32, #tpu.memory_space<vmem>>
        %dma_start3A_108 = tpu.memref_squeeze %dma_start3A_107 : memref<1x125xi32, #tpu.memory_space<vmem>> -> memref<125xi32, #tpu.memory_space<vmem>>
        %dma_start3A_109 = arith.constant 0 : i32
        %dma_start3A_110 = arith.constant 0 : i32
        %dma_start3A_111 = tpu.memref_slice %arg2[%dma_start3A_109, %dma_start3A_110] : memref<10000x128xf32, #tpu.memory_space<hbm>> -> memref<10000x128xf32, #tpu.memory_space<hbm>>
        tpu.enqueue_indirect_dma source(%dma_start3A_111 : memref<10000x128xf32, #tpu.memory_space<hbm>>) target(%arg10 : memref<125x128xf32, #tpu.memory_space<vmem>>) offsets(%dma_start3A_108 : memref<125xi32, #tpu.memory_space<vmem>>) semaphore(%arg12 : memref<!tpu.dma_semaphore, #tpu.memory_space<semaphore_mem>>)
      } else {
      }
      %add3A_94 = arith.constant 1 : i32
      %add3A_95 = arith.addi %mul3A_75, %add3A_94 : i32
      %dma_wait3A_96 = arith.constant 0 : i32
      %dma_wait3A_97 = tpu.memref_slice %arg8[%add3A_95, %dma_wait3A_96] : memref<40x125xi32, #tpu.memory_space<vmem>> -> memref<1x125xi32, #tpu.memory_space<vmem>>
      %dma_wait3A_98 = tpu.memref_squeeze %dma_wait3A_97 : memref<1x125xi32, #tpu.memory_space<vmem>> -> memref<125xi32, #tpu.memory_space<vmem>>
      %dma_wait3A_99 = arith.constant 0 : i32
      %dma_wait3A_100 = arith.constant 0 : i32
      %dma_wait3A_101 = tpu.memref_slice %arg2[%dma_wait3A_99, %dma_wait3A_100] : memref<10000x128xf32, #tpu.memory_space<hbm>> -> memref<10000x128xf32, #tpu.memory_space<hbm>>
      tpu.wait_indirect_dma semaphore(%arg13 : memref<!tpu.dma_semaphore, #tpu.memory_space<semaphore_mem>>) src(%dma_wait3A_101 : memref<10000x128xf32, #tpu.memory_space<hbm>>) dst(%arg11 : memref<125x128xf32, #tpu.memory_space<vmem>>)
      %add3A_102 = arith.constant 1 : i32
      %add3A_103 = arith.addi %mul3A_75, %add3A_102 : i32
      "tpu.region"() ({
        %run_scoped3A = tpu.sem_alloc : memref<!tpu.dma_semaphore, #tpu.memory_space<semaphore_mem>>
        %dma_start3A_104 = arith.constant 0 : i32
        %dma_start3A_105 = tpu.memref_slice %arg9[%add3A_103, %dma_start3A_104] : memref<40x125xi32, #tpu.memory_space<vmem>> -> memref<1x125xi32, #tpu.memory_space<vmem>>
        %dma_start3A_106 = tpu.memref_squeeze %dma_start3A_105 : memref<1x125xi32, #tpu.memory_space<vmem>> -> memref<125xi32, #tpu.memory_space<vmem>>
        %dma_start3A_107 = arith.constant 0 : i32
        %dma_start3A_108 = arith.constant 0 : i32
        %dma_start3A_109 = tpu.memref_slice %arg7[%dma_start3A_107, %dma_start3A_108] : memref<10000x128xf32, #tpu.memory_space<vmem_shared>> -> memref<10000x128xf32, #tpu.memory_space<vmem_shared>>
        tpu.enqueue_indirect_dma source(%arg11 : memref<125x128xf32, #tpu.memory_space<vmem>>) target(%dma_start3A_109 : memref<10000x128xf32, #tpu.memory_space<vmem_shared>>) offsets(%dma_start3A_106 : memref<125xi32, #tpu.memory_space<vmem>>) semaphore(%run_scoped3A : memref<!tpu.dma_semaphore, #tpu.memory_space<semaphore_mem>>) {add = true}
        %dma_wait3A_110 = arith.constant 0 : i32
        %dma_wait3A_111 = tpu.memref_slice %arg9[%add3A_103, %dma_wait3A_110] : memref<40x125xi32, #tpu.memory_space<vmem>> -> memref<1x125xi32, #tpu.memory_space<vmem>>
        %dma_wait3A_112 = tpu.memref_squeeze %dma_wait3A_111 : memref<1x125xi32, #tpu.memory_space<vmem>> -> memref<125xi32, #tpu.memory_space<vmem>>
        %dma_wait3A_113 = arith.constant 0 : i32
        %dma_wait3A_114 = arith.constant 0 : i32
        %dma_wait3A_115 = tpu.memref_slice %arg7[%dma_wait3A_113, %dma_wait3A_114] : memref<10000x128xf32, #tpu.memory_space<vmem_shared>> -> memref<10000x128xf32, #tpu.memory_space<vmem_shared>>
        tpu.wait_indirect_dma semaphore(%run_scoped3A : memref<!tpu.dma_semaphore, #tpu.memory_space<semaphore_mem>>) src(%arg11 : memref<125x128xf32, #tpu.memory_space<vmem>>) dst(%dma_wait3A_115 : memref<10000x128xf32, #tpu.memory_space<vmem_shared>>)
        tpu.yield
      }) : () -> ()
    }
    %scan3A_61 = arith.constant 20 : i32
    %barrier3A_62 = arith.constant 0 : index
    tpu.barrier barrier_id(%barrier3A_62)
    %while3A_63 = arith.constant 0 : i32
    %while3A_64 = arith.constant 0 : i32
    %while3A_65 = arith.subi %select_n3A_20, %while3A_64 : i32
    %while3A_66 = arith.addi %while3A_64, %while3A_65 : i32
    %while3A_67 = arith.constant 1 : i32
    %while3A_68 = arith.divsi %while3A_65, %while3A_67 : i32
    %while3A_69 = arith.muli %while3A_68, %while3A_67 : i32
    %while3A_70 = arith.addi %while3A_64, %while3A_69 : i32
    %while3A_71 = arith.constant 1 : i32
    scf.for %while3A_73 = %while3A_64 to %while3A_70 step %while3A_71  : i32 {
      %mul3A_74 = arith.constant 640 : i32
      %mul3A_75 = arith.muli %arg1, %mul3A_74 : i32
      %mul3A_76 = arith.constant 80 : i32
      %mul3A_77 = arith.muli %while3A_73, %mul3A_76 : i32
      %add3A_78 = arith.addi %mul3A_75, %mul3A_77 : i32
      "tpu.region"() ({
        %run_scoped3A = tpu.sem_alloc : memref<!tpu.dma_semaphore, #tpu.memory_space<semaphore_mem>>
        %dma_start3A_82 = arith.constant 0 : i32
        %dma_start3A_83 = arith.constant 0 : i32
        %dma_start3A_84 = tpu.memref_slice %arg10[%dma_start3A_82, %dma_start3A_83] : memref<125x128xf32, #tpu.memory_space<vmem>> -> memref<80x128xf32, #tpu.memory_space<vmem>>
        %dma_start3A_85 = arith.constant 0 : i32
        %dma_start3A_86 = tpu.memref_slice %arg7[%add3A_78, %dma_start3A_85] : memref<10000x128xf32, #tpu.memory_space<vmem_shared>> -> memref<80x128xf32, #tpu.memory_space<vmem_shared>>
        %dma_start3A_87 = arith.constant 0 : i32
        %dma_start3A_88 = arith.constant 0 : i32
        %dma_start3A_89 = tpu.memref_slice %arg10[%dma_start3A_87, %dma_start3A_88] : memref<125x128xf32, #tpu.memory_space<vmem>> -> memref<80x128xf32, #tpu.memory_space<vmem>>
        %dma_start3A_90 = arith.constant 0 : i32
        %dma_start3A_91 = tpu.memref_slice %arg7[%add3A_78, %dma_start3A_90] : memref<10000x128xf32, #tpu.memory_space<vmem_shared>> -> memref<80x128xf32, #tpu.memory_space<vmem_shared>>
        tpu.enqueue_dma source(%dma_start3A_91 : memref<80x128xf32, #tpu.memory_space<vmem_shared>>) target(%dma_start3A_89 : memref<80x128xf32, #tpu.memory_space<vmem>>) target_semaphore(%run_scoped3A : memref<!tpu.dma_semaphore, #tpu.memory_space<semaphore_mem>>)
        %dma_wait3A = arith.constant 0 : i32
        %dma_wait3A_92 = arith.constant 0 : i32
        %dma_wait3A_93 = tpu.memref_slice %arg10[%dma_wait3A, %dma_wait3A_92] : memref<125x128xf32, #tpu.memory_space<vmem>> -> memref<80x128xf32, #tpu.memory_space<vmem>>
        %dma_wait3A_94 = arith.constant 0 : i32
        %dma_wait3A_95 = tpu.memref_slice %arg7[%add3A_78, %dma_wait3A_94] : memref<10000x128xf32, #tpu.memory_space<vmem_shared>> -> memref<80x128xf32, #tpu.memory_space<vmem_shared>>
        %dma_wait3A_96 = arith.constant 0 : i32
        %dma_wait3A_97 = arith.constant 0 : i32
        %dma_wait3A_98 = tpu.memref_slice %arg10[%dma_wait3A_96, %dma_wait3A_97] : memref<125x128xf32, #tpu.memory_space<vmem>> -> memref<80x128xf32, #tpu.memory_space<vmem>>
        %dma_wait3A_99 = arith.constant 0 : i32
        %dma_wait3A_100 = tpu.memref_slice %arg7[%add3A_78, %dma_wait3A_99] : memref<10000x128xf32, #tpu.memory_space<vmem_shared>> -> memref<80x128xf32, #tpu.memory_space<vmem_shared>>
        tpu.wait_dma2 semaphore(%run_scoped3A : memref<!tpu.dma_semaphore, #tpu.memory_space<semaphore_mem>>) src(%dma_wait3A_100 : memref<80x128xf32, #tpu.memory_space<vmem_shared>>) dst(%dma_wait3A_98 : memref<80x128xf32, #tpu.memory_space<vmem>>)
        tpu.yield
      }) : () -> ()
      %mul3A_79 = arith.constant 10000 : i32
      %mul3A_80 = arith.muli %arg0, %mul3A_79 : i32
      %add3A_81 = arith.addi %mul3A_80, %add3A_78 : i32
      "tpu.region"() ({
        %run_scoped3A = tpu.sem_alloc : memref<!tpu.dma_semaphore, #tpu.memory_space<semaphore_mem>>
        %dma_start3A_82 = arith.constant 0 : i32
        %dma_start3A_83 = arith.constant 0 : i32
        %dma_start3A_84 = tpu.memref_slice %arg10[%dma_start3A_82, %dma_start3A_83] : memref<125x128xf32, #tpu.memory_space<vmem>> -> memref<80x128xf32, #tpu.memory_space<vmem>>
        %dma_start3A_85 = arith.constant 0 : i32
        %dma_start3A_86 = tpu.memref_slice %arg6[%add3A_81, %dma_start3A_85] : memref<20000x128xf32, #tpu.memory_space<hbm>> -> memref<80x128xf32, #tpu.memory_space<hbm>>
        %dma_start3A_87 = arith.constant 0 : i32
        %dma_start3A_88 = tpu.memref_slice %arg6[%add3A_81, %dma_start3A_87] : memref<20000x128xf32, #tpu.memory_space<hbm>> -> memref<80x128xf32, #tpu.memory_space<hbm>>
        %dma_start3A_89 = arith.constant 0 : i32
        %dma_start3A_90 = arith.constant 0 : i32
        %dma_start3A_91 = tpu.memref_slice %arg10[%dma_start3A_89, %dma_start3A_90] : memref<125x128xf32, #tpu.memory_space<vmem>> -> memref<80x128xf32, #tpu.memory_space<vmem>>
        tpu.enqueue_dma source(%dma_start3A_91 : memref<80x128xf32, #tpu.memory_space<vmem>>) target(%dma_start3A_88 : memref<80x128xf32, #tpu.memory_space<hbm>>) target_semaphore(%run_scoped3A : memref<!tpu.dma_semaphore, #tpu.memory_space<semaphore_mem>>)
        %dma_wait3A = arith.constant 0 : i32
        %dma_wait3A_92 = arith.constant 0 : i32
        %dma_wait3A_93 = tpu.memref_slice %arg10[%dma_wait3A, %dma_wait3A_92] : memref<125x128xf32, #tpu.memory_space<vmem>> -> memref<80x128xf32, #tpu.memory_space<vmem>>
        %dma_wait3A_94 = arith.constant 0 : i32
        %dma_wait3A_95 = tpu.memref_slice %arg6[%add3A_81, %dma_wait3A_94] : memref<20000x128xf32, #tpu.memory_space<hbm>> -> memref<80x128xf32, #tpu.memory_space<hbm>>
        %dma_wait3A_96 = arith.constant 0 : i32
        %dma_wait3A_97 = tpu.memref_slice %arg6[%add3A_81, %dma_wait3A_96] : memref<20000x128xf32, #tpu.memory_space<hbm>> -> memref<80x128xf32, #tpu.memory_space<hbm>>
        %dma_wait3A_98 = arith.constant 0 : i32
        %dma_wait3A_99 = arith.constant 0 : i32
        %dma_wait3A_100 = tpu.memref_slice %arg10[%dma_wait3A_98, %dma_wait3A_99] : memref<125x128xf32, #tpu.memory_space<vmem>> -> memref<80x128xf32, #tpu.memory_space<vmem>>
        tpu.wait_dma2 semaphore(%run_scoped3A : memref<!tpu.dma_semaphore, #tpu.memory_space<semaphore_mem>>) src(%dma_wait3A_100 : memref<80x128xf32, #tpu.memory_space<vmem>>) dst(%dma_wait3A_97 : memref<80x128xf32, #tpu.memory_space<hbm>>)
        tpu.yield
      }) : () -> ()
    }
    %while3A_72 = arith.constant 1 : i32
    scf.for %while3A_73 = %while3A_70 to %while3A_66 step %while3A_72  : i32 {
      %mul3A_74 = arith.constant 640 : i32
      %mul3A_75 = arith.muli %arg1, %mul3A_74 : i32
      %mul3A_76 = arith.constant 80 : i32
      %mul3A_77 = arith.muli %while3A_73, %mul3A_76 : i32
      %add3A_78 = arith.addi %mul3A_75, %mul3A_77 : i32
      "tpu.region"() ({
        %run_scoped3A = tpu.sem_alloc : memref<!tpu.dma_semaphore, #tpu.memory_space<semaphore_mem>>
        %dma_start3A_82 = arith.constant 0 : i32
        %dma_start3A_83 = arith.constant 0 : i32
        %dma_start3A_84 = tpu.memref_slice %arg10[%dma_start3A_82, %dma_start3A_83] : memref<125x128xf32, #tpu.memory_space<vmem>> -> memref<80x128xf32, #tpu.memory_space<vmem>>
        %dma_start3A_85 = arith.constant 0 : i32
        %dma_start3A_86 = tpu.memref_slice %arg7[%add3A_78, %dma_start3A_85] : memref<10000x128xf32, #tpu.memory_space<vmem_shared>> -> memref<80x128xf32, #tpu.memory_space<vmem_shared>>
        %dma_start3A_87 = arith.constant 0 : i32
        %dma_start3A_88 = arith.constant 0 : i32
        %dma_start3A_89 = tpu.memref_slice %arg10[%dma_start3A_87, %dma_start3A_88] : memref<125x128xf32, #tpu.memory_space<vmem>> -> memref<80x128xf32, #tpu.memory_space<vmem>>
        %dma_start3A_90 = arith.constant 0 : i32
        %dma_start3A_91 = tpu.memref_slice %arg7[%add3A_78, %dma_start3A_90] : memref<10000x128xf32, #tpu.memory_space<vmem_shared>> -> memref<80x128xf32, #tpu.memory_space<vmem_shared>>
        tpu.enqueue_dma source(%dma_start3A_91 : memref<80x128xf32, #tpu.memory_space<vmem_shared>>) target(%dma_start3A_89 : memref<80x128xf32, #tpu.memory_space<vmem>>) target_semaphore(%run_scoped3A : memref<!tpu.dma_semaphore, #tpu.memory_space<semaphore_mem>>)
        %dma_wait3A = arith.constant 0 : i32
        %dma_wait3A_92 = arith.constant 0 : i32
        %dma_wait3A_93 = tpu.memref_slice %arg10[%dma_wait3A, %dma_wait3A_92] : memref<125x128xf32, #tpu.memory_space<vmem>> -> memref<80x128xf32, #tpu.memory_space<vmem>>
        %dma_wait3A_94 = arith.constant 0 : i32
        %dma_wait3A_95 = tpu.memref_slice %arg7[%add3A_78, %dma_wait3A_94] : memref<10000x128xf32, #tpu.memory_space<vmem_shared>> -> memref<80x128xf32, #tpu.memory_space<vmem_shared>>
        %dma_wait3A_96 = arith.constant 0 : i32
        %dma_wait3A_97 = arith.constant 0 : i32
        %dma_wait3A_98 = tpu.memref_slice %arg10[%dma_wait3A_96, %dma_wait3A_97] : memref<125x128xf32, #tpu.memory_space<vmem>> -> memref<80x128xf32, #tpu.memory_space<vmem>>
        %dma_wait3A_99 = arith.constant 0 : i32
        %dma_wait3A_100 = tpu.memref_slice %arg7[%add3A_78, %dma_wait3A_99] : memref<10000x128xf32, #tpu.memory_space<vmem_shared>> -> memref<80x128xf32, #tpu.memory_space<vmem_shared>>
        tpu.wait_dma2 semaphore(%run_scoped3A : memref<!tpu.dma_semaphore, #tpu.memory_space<semaphore_mem>>) src(%dma_wait3A_100 : memref<80x128xf32, #tpu.memory_space<vmem_shared>>) dst(%dma_wait3A_98 : memref<80x128xf32, #tpu.memory_space<vmem>>)
        tpu.yield
      }) : () -> ()
      %mul3A_79 = arith.constant 10000 : i32
      %mul3A_80 = arith.muli %arg0, %mul3A_79 : i32
      %add3A_81 = arith.addi %mul3A_80, %add3A_78 : i32
      "tpu.region"() ({
        %run_scoped3A = tpu.sem_alloc : memref<!tpu.dma_semaphore, #tpu.memory_space<semaphore_mem>>
        %dma_start3A_82 = arith.constant 0 : i32
        %dma_start3A_83 = arith.constant 0 : i32
        %dma_start3A_84 = tpu.memref_slice %arg10[%dma_start3A_82, %dma_start3A_83] : memref<125x128xf32, #tpu.memory_space<vmem>> -> memref<80x128xf32, #tpu.memory_space<vmem>>
        %dma_start3A_85 = arith.constant 0 : i32
        %dma_start3A_86 = tpu.memref_slice %arg6[%add3A_81, %dma_start3A_85] : memref<20000x128xf32, #tpu.memory_space<hbm>> -> memref<80x128xf32, #tpu.memory_space<hbm>>
        %dma_start3A_87 = arith.constant 0 : i32
        %dma_start3A_88 = tpu.memref_slice %arg6[%add3A_81, %dma_start3A_87] : memref<20000x128xf32, #tpu.memory_space<hbm>> -> memref<80x128xf32, #tpu.memory_space<hbm>>
        %dma_start3A_89 = arith.constant 0 : i32
        %dma_start3A_90 = arith.constant 0 : i32
        %dma_start3A_91 = tpu.memref_slice %arg10[%dma_start3A_89, %dma_start3A_90] : memref<125x128xf32, #tpu.memory_space<vmem>> -> memref<80x128xf32, #tpu.memory_space<vmem>>
        tpu.enqueue_dma source(%dma_start3A_91 : memref<80x128xf32, #tpu.memory_space<vmem>>) target(%dma_start3A_88 : memref<80x128xf32, #tpu.memory_space<hbm>>) target_semaphore(%run_scoped3A : memref<!tpu.dma_semaphore, #tpu.memory_space<semaphore_mem>>)
        %dma_wait3A = arith.constant 0 : i32
        %dma_wait3A_92 = arith.constant 0 : i32
        %dma_wait3A_93 = tpu.memref_slice %arg10[%dma_wait3A, %dma_wait3A_92] : memref<125x128xf32, #tpu.memory_space<vmem>> -> memref<80x128xf32, #tpu.memory_space<vmem>>
        %dma_wait3A_94 = arith.constant 0 : i32
        %dma_wait3A_95 = tpu.memref_slice %arg6[%add3A_81, %dma_wait3A_94] : memref<20000x128xf32, #tpu.memory_space<hbm>> -> memref<80x128xf32, #tpu.memory_space<hbm>>
        %dma_wait3A_96 = arith.constant 0 : i32
        %dma_wait3A_97 = tpu.memref_slice %arg6[%add3A_81, %dma_wait3A_96] : memref<20000x128xf32, #tpu.memory_space<hbm>> -> memref<80x128xf32, #tpu.memory_space<hbm>>
        %dma_wait3A_98 = arith.constant 0 : i32
        %dma_wait3A_99 = arith.constant 0 : i32
        %dma_wait3A_100 = tpu.memref_slice %arg10[%dma_wait3A_98, %dma_wait3A_99] : memref<125x128xf32, #tpu.memory_space<vmem>> -> memref<80x128xf32, #tpu.memory_space<vmem>>
        tpu.wait_dma2 semaphore(%run_scoped3A : memref<!tpu.dma_semaphore, #tpu.memory_space<semaphore_mem>>) src(%dma_wait3A_100 : memref<80x128xf32, #tpu.memory_space<vmem>>) dst(%dma_wait3A_97 : memref<80x128xf32, #tpu.memory_space<hbm>>)
        tpu.yield
      }) : () -> ()
    }
    return
  }
}

#map = affine_map<(d0, d1) -> (0, 0)>
module attributes {stable_mosaic.version = 14 : i64} {
  func.func @_deg_body(%arg0: i32, %arg1: i32, %arg2: memref<2560x125xi32, #tpu.memory_space<hbm>>, %arg3: memref<125x128xf32, #tpu.memory_space<hbm>>, %arg4: memref<80x128xf32, #tpu.memory_space<hbm>>, %arg5: memref<20000x128xf32, #tpu.memory_space<hbm>>, %arg6: memref<10000x128xf32, #tpu.memory_space<vmem_shared>>, %arg7: memref<80x125xi32, #tpu.memory_space<vmem>>, %arg8: memref<125x128xf32, #tpu.memory_space<vmem>>, %arg9: memref<80x128xf32, #tpu.memory_space<vmem>>, %arg10: memref<!tpu.dma_semaphore, #tpu.memory_space<semaphore_mem>>) attributes {dimension_semantics = [#tpu.dimension_semantics<core_parallel>, #tpu.dimension_semantics<subcore_parallel>], iteration_bounds = array<i64: 2, 16>, scalar_prefetch = 0 : i64, scratch_operands = 5 : i64, tpu.core_type = #tpu.core_type<sc_vector_subcore>, window_params = [{transform_indices = #map}, {transform_indices = #map}, {transform_indices = #map}, {transform_indices = #map}]} {
    %mul3A = arith.constant 2 : i32
    %mul3A_0 = arith.muli %arg1, %mul3A : i32
    %add3A = arith.addi %mul3A_0, %arg0 : i32
    %mul3A_1 = arith.constant 80 : i32
    %mul3A_2 = arith.muli %add3A, %mul3A_1 : i32
    "tpu.region"() ({
      %run_scoped3A = tpu.sem_alloc : memref<!tpu.dma_semaphore, #tpu.memory_space<semaphore_mem>>
      %dma_start3A = arith.constant 0 : i32
      %dma_start3A_48 = tpu.memref_slice %arg2[%mul3A_2, %dma_start3A] : memref<2560x125xi32, #tpu.memory_space<hbm>> -> memref<80x125xi32, #tpu.memory_space<hbm>>
      %dma_start3A_49 = arith.constant 0 : i32
      %dma_start3A_50 = tpu.memref_slice %arg2[%mul3A_2, %dma_start3A_49] : memref<2560x125xi32, #tpu.memory_space<hbm>> -> memref<80x125xi32, #tpu.memory_space<hbm>>
      tpu.enqueue_dma source(%dma_start3A_50 : memref<80x125xi32, #tpu.memory_space<hbm>>) target(%arg7 : memref<80x125xi32, #tpu.memory_space<vmem>>) target_semaphore(%run_scoped3A : memref<!tpu.dma_semaphore, #tpu.memory_space<semaphore_mem>>)
      %dma_wait3A = arith.constant 0 : i32
      %dma_wait3A_51 = tpu.memref_slice %arg2[%mul3A_2, %dma_wait3A] : memref<2560x125xi32, #tpu.memory_space<hbm>> -> memref<80x125xi32, #tpu.memory_space<hbm>>
      %dma_wait3A_52 = arith.constant 0 : i32
      %dma_wait3A_53 = tpu.memref_slice %arg2[%mul3A_2, %dma_wait3A_52] : memref<2560x125xi32, #tpu.memory_space<hbm>> -> memref<80x125xi32, #tpu.memory_space<hbm>>
      tpu.wait_dma2 semaphore(%run_scoped3A : memref<!tpu.dma_semaphore, #tpu.memory_space<semaphore_mem>>) src(%dma_wait3A_53 : memref<80x125xi32, #tpu.memory_space<hbm>>) dst(%arg7 : memref<80x125xi32, #tpu.memory_space<vmem>>)
      tpu.yield
    }) : () -> ()
    "tpu.region"() ({
      %run_scoped3A = tpu.sem_alloc : memref<!tpu.dma_semaphore, #tpu.memory_space<semaphore_mem>>
      tpu.enqueue_dma source(%arg3 : memref<125x128xf32, #tpu.memory_space<hbm>>) target(%arg8 : memref<125x128xf32, #tpu.memory_space<vmem>>) target_semaphore(%run_scoped3A : memref<!tpu.dma_semaphore, #tpu.memory_space<semaphore_mem>>)
      tpu.wait_dma2 semaphore(%run_scoped3A : memref<!tpu.dma_semaphore, #tpu.memory_space<semaphore_mem>>) src(%arg3 : memref<125x128xf32, #tpu.memory_space<hbm>>) dst(%arg8 : memref<125x128xf32, #tpu.memory_space<vmem>>)
      tpu.yield
    }) : () -> ()
    "tpu.region"() ({
      %run_scoped3A = tpu.sem_alloc : memref<!tpu.dma_semaphore, #tpu.memory_space<semaphore_mem>>
      tpu.enqueue_dma source(%arg4 : memref<80x128xf32, #tpu.memory_space<hbm>>) target(%arg9 : memref<80x128xf32, #tpu.memory_space<vmem>>) target_semaphore(%run_scoped3A : memref<!tpu.dma_semaphore, #tpu.memory_space<semaphore_mem>>)
      tpu.wait_dma2 semaphore(%run_scoped3A : memref<!tpu.dma_semaphore, #tpu.memory_space<semaphore_mem>>) src(%arg4 : memref<80x128xf32, #tpu.memory_space<hbm>>) dst(%arg9 : memref<80x128xf32, #tpu.memory_space<vmem>>)
      tpu.yield
    }) : () -> ()
    %lt3A = arith.constant 15 : i32
    %lt3A_3 = arith.cmpi slt, %arg1, %lt3A : i32
    %jit3A = arith.constant 640 : i32
    %jit3A_4 = arith.constant 400 : i32
    %select_n3A = arith.select %lt3A_3, %jit3A, %jit3A_4 : i32
    %jit3A_5 = arith.constant 80 : i32
    %div3A = arith.divsi %select_n3A, %jit3A_5 : i32
    %sign3A = arith.constant 0 : i32
    %sign3A_6 = arith.cmpi sgt, %select_n3A, %sign3A : i32
    %sign3A_7 = arith.extui %sign3A_6 : i1 to i32
    %sign3A_8 = arith.constant 0 : i32
    %sign3A_9 = arith.cmpi slt, %select_n3A, %sign3A_8 : i32
    %sign3A_10 = arith.extui %sign3A_9 : i1 to i32
    %sign3A_11 = arith.subi %sign3A_7, %sign3A_10 : i32
    %sign3A_12 = arith.constant 0 : i32
    %sign3A_13 = arith.cmpi sgt, %jit3A_5, %sign3A_12 : i32
    %sign3A_14 = arith.extui %sign3A_13 : i1 to i32
    %sign3A_15 = arith.constant 0 : i32
    %sign3A_16 = arith.cmpi slt, %jit3A_5, %sign3A_15 : i32
    %sign3A_17 = arith.extui %sign3A_16 : i1 to i32
    %sign3A_18 = arith.subi %sign3A_14, %sign3A_17 : i32
    %ne3A = arith.cmpi ne, %sign3A_11, %sign3A_18 : i32
    %rem3A = arith.remsi %select_n3A, %jit3A_5 : i32
    %ne3A_19 = arith.constant 0 : i32
    %ne3A_20 = arith.cmpi ne, %rem3A, %ne3A_19 : i32
    %and3A = arith.andi %ne3A, %ne3A_20 : i1
    %sub3A = arith.constant 1 : i32
    %sub3A_21 = arith.subi %div3A, %sub3A : i32
    %select_n3A_22 = arith.select %and3A, %sub3A_21, %div3A : i32
    %while3A = arith.constant 0 : i32
    %while3A_23 = arith.constant 0 : i32
    %while3A_24 = arith.subi %select_n3A_22, %while3A_23 : i32
    %while3A_25 = arith.addi %while3A_23, %while3A_24 : i32
    %while3A_26 = arith.constant 1 : i32
    %while3A_27 = arith.divsi %while3A_24, %while3A_26 : i32
    %while3A_28 = arith.muli %while3A_27, %while3A_26 : i32
    %while3A_29 = arith.addi %while3A_23, %while3A_28 : i32
    %while3A_30 = arith.constant 1 : i32
    scf.for %while3A_48 = %while3A_23 to %while3A_29 step %while3A_30  : i32 {
      %mul3A_49 = arith.constant 640 : i32
      %mul3A_50 = arith.muli %arg1, %mul3A_49 : i32
      %mul3A_51 = arith.constant 80 : i32
      %mul3A_52 = arith.muli %while3A_48, %mul3A_51 : i32
      %add3A_53 = arith.addi %mul3A_50, %mul3A_52 : i32
      "tpu.region"() ({
        %run_scoped3A = tpu.sem_alloc : memref<!tpu.dma_semaphore, #tpu.memory_space<semaphore_mem>>
        %dma_start3A = arith.constant 0 : i32
        %dma_start3A_54 = tpu.memref_slice %arg6[%add3A_53, %dma_start3A] : memref<10000x128xf32, #tpu.memory_space<vmem_shared>> -> memref<80x128xf32, #tpu.memory_space<vmem_shared>>
        %dma_start3A_55 = arith.constant 0 : i32
        %dma_start3A_56 = tpu.memref_slice %arg6[%add3A_53, %dma_start3A_55] : memref<10000x128xf32, #tpu.memory_space<vmem_shared>> -> memref<80x128xf32, #tpu.memory_space<vmem_shared>>
        tpu.enqueue_dma source(%arg9 : memref<80x128xf32, #tpu.memory_space<vmem>>) target(%dma_start3A_56 : memref<80x128xf32, #tpu.memory_space<vmem_shared>>) target_semaphore(%run_scoped3A : memref<!tpu.dma_semaphore, #tpu.memory_space<semaphore_mem>>)
        %dma_wait3A = arith.constant 0 : i32
        %dma_wait3A_57 = tpu.memref_slice %arg6[%add3A_53, %dma_wait3A] : memref<10000x128xf32, #tpu.memory_space<vmem_shared>> -> memref<80x128xf32, #tpu.memory_space<vmem_shared>>
        %dma_wait3A_58 = arith.constant 0 : i32
        %dma_wait3A_59 = tpu.memref_slice %arg6[%add3A_53, %dma_wait3A_58] : memref<10000x128xf32, #tpu.memory_space<vmem_shared>> -> memref<80x128xf32, #tpu.memory_space<vmem_shared>>
        tpu.wait_dma2 semaphore(%run_scoped3A : memref<!tpu.dma_semaphore, #tpu.memory_space<semaphore_mem>>) src(%arg9 : memref<80x128xf32, #tpu.memory_space<vmem>>) dst(%dma_wait3A_59 : memref<80x128xf32, #tpu.memory_space<vmem_shared>>)
        tpu.yield
      }) : () -> ()
    }
    %while3A_31 = arith.constant 1 : i32
    scf.for %while3A_48 = %while3A_29 to %while3A_25 step %while3A_31  : i32 {
      %mul3A_49 = arith.constant 640 : i32
      %mul3A_50 = arith.muli %arg1, %mul3A_49 : i32
      %mul3A_51 = arith.constant 80 : i32
      %mul3A_52 = arith.muli %while3A_48, %mul3A_51 : i32
      %add3A_53 = arith.addi %mul3A_50, %mul3A_52 : i32
      "tpu.region"() ({
        %run_scoped3A = tpu.sem_alloc : memref<!tpu.dma_semaphore, #tpu.memory_space<semaphore_mem>>
        %dma_start3A = arith.constant 0 : i32
        %dma_start3A_54 = tpu.memref_slice %arg6[%add3A_53, %dma_start3A] : memref<10000x128xf32, #tpu.memory_space<vmem_shared>> -> memref<80x128xf32, #tpu.memory_space<vmem_shared>>
        %dma_start3A_55 = arith.constant 0 : i32
        %dma_start3A_56 = tpu.memref_slice %arg6[%add3A_53, %dma_start3A_55] : memref<10000x128xf32, #tpu.memory_space<vmem_shared>> -> memref<80x128xf32, #tpu.memory_space<vmem_shared>>
        tpu.enqueue_dma source(%arg9 : memref<80x128xf32, #tpu.memory_space<vmem>>) target(%dma_start3A_56 : memref<80x128xf32, #tpu.memory_space<vmem_shared>>) target_semaphore(%run_scoped3A : memref<!tpu.dma_semaphore, #tpu.memory_space<semaphore_mem>>)
        %dma_wait3A = arith.constant 0 : i32
        %dma_wait3A_57 = tpu.memref_slice %arg6[%add3A_53, %dma_wait3A] : memref<10000x128xf32, #tpu.memory_space<vmem_shared>> -> memref<80x128xf32, #tpu.memory_space<vmem_shared>>
        %dma_wait3A_58 = arith.constant 0 : i32
        %dma_wait3A_59 = tpu.memref_slice %arg6[%add3A_53, %dma_wait3A_58] : memref<10000x128xf32, #tpu.memory_space<vmem_shared>> -> memref<80x128xf32, #tpu.memory_space<vmem_shared>>
        tpu.wait_dma2 semaphore(%run_scoped3A : memref<!tpu.dma_semaphore, #tpu.memory_space<semaphore_mem>>) src(%arg9 : memref<80x128xf32, #tpu.memory_space<vmem>>) dst(%dma_wait3A_59 : memref<80x128xf32, #tpu.memory_space<vmem_shared>>)
        tpu.yield
      }) : () -> ()
    }
    %barrier3A = arith.constant 0 : index
    tpu.barrier barrier_id(%barrier3A)
    %scan3A = arith.constant 0 : i32
    %scan3A_32 = arith.constant 0 : i32
    %scan3A_33 = arith.constant 80 : i32
    %scan3A_34 = arith.addi %scan3A_32, %scan3A_33 : i32
    %scan3A_35 = arith.constant 1 : i32
    scf.for %scan3A_48 = %scan3A_32 to %scan3A_34 step %scan3A_35  : i32 {
      "tpu.region"() ({
        %run_scoped3A = tpu.sem_alloc : memref<!tpu.dma_semaphore, #tpu.memory_space<semaphore_mem>>
        %dma_start3A = arith.constant 0 : i32
        %dma_start3A_49 = tpu.memref_slice %arg7[%scan3A_48, %dma_start3A] : memref<80x125xi32, #tpu.memory_space<vmem>> -> memref<1x125xi32, #tpu.memory_space<vmem>>
        %dma_start3A_50 = tpu.memref_squeeze %dma_start3A_49 : memref<1x125xi32, #tpu.memory_space<vmem>> -> memref<125xi32, #tpu.memory_space<vmem>>
        %dma_start3A_51 = arith.constant 0 : i32
        %dma_start3A_52 = arith.constant 0 : i32
        %dma_start3A_53 = tpu.memref_slice %arg6[%dma_start3A_51, %dma_start3A_52] : memref<10000x128xf32, #tpu.memory_space<vmem_shared>> -> memref<10000x128xf32, #tpu.memory_space<vmem_shared>>
        tpu.enqueue_indirect_dma source(%arg8 : memref<125x128xf32, #tpu.memory_space<vmem>>) target(%dma_start3A_53 : memref<10000x128xf32, #tpu.memory_space<vmem_shared>>) offsets(%dma_start3A_50 : memref<125xi32, #tpu.memory_space<vmem>>) semaphore(%run_scoped3A : memref<!tpu.dma_semaphore, #tpu.memory_space<semaphore_mem>>) {add = true}
        %dma_wait3A = arith.constant 0 : i32
        %dma_wait3A_54 = tpu.memref_slice %arg7[%scan3A_48, %dma_wait3A] : memref<80x125xi32, #tpu.memory_space<vmem>> -> memref<1x125xi32, #tpu.memory_space<vmem>>
        %dma_wait3A_55 = tpu.memref_squeeze %dma_wait3A_54 : memref<1x125xi32, #tpu.memory_space<vmem>> -> memref<125xi32, #tpu.memory_space<vmem>>
        %dma_wait3A_56 = arith.constant 0 : i32
        %dma_wait3A_57 = arith.constant 0 : i32
        %dma_wait3A_58 = tpu.memref_slice %arg6[%dma_wait3A_56, %dma_wait3A_57] : memref<10000x128xf32, #tpu.memory_space<vmem_shared>> -> memref<10000x128xf32, #tpu.memory_space<vmem_shared>>
        tpu.wait_indirect_dma semaphore(%run_scoped3A : memref<!tpu.dma_semaphore, #tpu.memory_space<semaphore_mem>>) src(%arg8 : memref<125x128xf32, #tpu.memory_space<vmem>>) dst(%dma_wait3A_58 : memref<10000x128xf32, #tpu.memory_space<vmem_shared>>)
        tpu.yield
      }) : () -> ()
    }
    %scan3A_36 = arith.constant 80 : i32
    %barrier3A_37 = arith.constant 0 : index
    tpu.barrier barrier_id(%barrier3A_37)
    %while3A_38 = arith.constant 0 : i32
    %while3A_39 = arith.constant 0 : i32
    %while3A_40 = arith.subi %select_n3A_22, %while3A_39 : i32
    %while3A_41 = arith.addi %while3A_39, %while3A_40 : i32
    %while3A_42 = arith.constant 1 : i32
    %while3A_43 = arith.divsi %while3A_40, %while3A_42 : i32
    %while3A_44 = arith.muli %while3A_43, %while3A_42 : i32
    %while3A_45 = arith.addi %while3A_39, %while3A_44 : i32
    %while3A_46 = arith.constant 1 : i32
    scf.for %while3A_48 = %while3A_39 to %while3A_45 step %while3A_46  : i32 {
      %mul3A_49 = arith.constant 640 : i32
      %mul3A_50 = arith.muli %arg1, %mul3A_49 : i32
      %mul3A_51 = arith.constant 80 : i32
      %mul3A_52 = arith.muli %while3A_48, %mul3A_51 : i32
      %add3A_53 = arith.addi %mul3A_50, %mul3A_52 : i32
      "tpu.region"() ({
        %run_scoped3A = tpu.sem_alloc : memref<!tpu.dma_semaphore, #tpu.memory_space<semaphore_mem>>
        %dma_start3A = arith.constant 0 : i32
        %dma_start3A_57 = tpu.memref_slice %arg6[%add3A_53, %dma_start3A] : memref<10000x128xf32, #tpu.memory_space<vmem_shared>> -> memref<80x128xf32, #tpu.memory_space<vmem_shared>>
        %dma_start3A_58 = arith.constant 0 : i32
        %dma_start3A_59 = tpu.memref_slice %arg6[%add3A_53, %dma_start3A_58] : memref<10000x128xf32, #tpu.memory_space<vmem_shared>> -> memref<80x128xf32, #tpu.memory_space<vmem_shared>>
        tpu.enqueue_dma source(%dma_start3A_59 : memref<80x128xf32, #tpu.memory_space<vmem_shared>>) target(%arg9 : memref<80x128xf32, #tpu.memory_space<vmem>>) target_semaphore(%run_scoped3A : memref<!tpu.dma_semaphore, #tpu.memory_space<semaphore_mem>>)
        %dma_wait3A = arith.constant 0 : i32
        %dma_wait3A_60 = tpu.memref_slice %arg6[%add3A_53, %dma_wait3A] : memref<10000x128xf32, #tpu.memory_space<vmem_shared>> -> memref<80x128xf32, #tpu.memory_space<vmem_shared>>
        %dma_wait3A_61 = arith.constant 0 : i32
        %dma_wait3A_62 = tpu.memref_slice %arg6[%add3A_53, %dma_wait3A_61] : memref<10000x128xf32, #tpu.memory_space<vmem_shared>> -> memref<80x128xf32, #tpu.memory_space<vmem_shared>>
        tpu.wait_dma2 semaphore(%run_scoped3A : memref<!tpu.dma_semaphore, #tpu.memory_space<semaphore_mem>>) src(%dma_wait3A_62 : memref<80x128xf32, #tpu.memory_space<vmem_shared>>) dst(%arg9 : memref<80x128xf32, #tpu.memory_space<vmem>>)
        tpu.yield
      }) : () -> ()
      %mul3A_54 = arith.constant 10000 : i32
      %mul3A_55 = arith.muli %arg0, %mul3A_54 : i32
      %add3A_56 = arith.addi %mul3A_55, %add3A_53 : i32
      "tpu.region"() ({
        %run_scoped3A = tpu.sem_alloc : memref<!tpu.dma_semaphore, #tpu.memory_space<semaphore_mem>>
        %dma_start3A = arith.constant 0 : i32
        %dma_start3A_57 = tpu.memref_slice %arg5[%add3A_56, %dma_start3A] : memref<20000x128xf32, #tpu.memory_space<hbm>> -> memref<80x128xf32, #tpu.memory_space<hbm>>
        %dma_start3A_58 = arith.constant 0 : i32
        %dma_start3A_59 = tpu.memref_slice %arg5[%add3A_56, %dma_start3A_58] : memref<20000x128xf32, #tpu.memory_space<hbm>> -> memref<80x128xf32, #tpu.memory_space<hbm>>
        tpu.enqueue_dma source(%arg9 : memref<80x128xf32, #tpu.memory_space<vmem>>) target(%dma_start3A_59 : memref<80x128xf32, #tpu.memory_space<hbm>>) target_semaphore(%run_scoped3A : memref<!tpu.dma_semaphore, #tpu.memory_space<semaphore_mem>>)
        %dma_wait3A = arith.constant 0 : i32
        %dma_wait3A_60 = tpu.memref_slice %arg5[%add3A_56, %dma_wait3A] : memref<20000x128xf32, #tpu.memory_space<hbm>> -> memref<80x128xf32, #tpu.memory_space<hbm>>
        %dma_wait3A_61 = arith.constant 0 : i32
        %dma_wait3A_62 = tpu.memref_slice %arg5[%add3A_56, %dma_wait3A_61] : memref<20000x128xf32, #tpu.memory_space<hbm>> -> memref<80x128xf32, #tpu.memory_space<hbm>>
        tpu.wait_dma2 semaphore(%run_scoped3A : memref<!tpu.dma_semaphore, #tpu.memory_space<semaphore_mem>>) src(%arg9 : memref<80x128xf32, #tpu.memory_space<vmem>>) dst(%dma_wait3A_62 : memref<80x128xf32, #tpu.memory_space<hbm>>)
        tpu.yield
      }) : () -> ()
    }
    %while3A_47 = arith.constant 1 : i32
    scf.for %while3A_48 = %while3A_45 to %while3A_41 step %while3A_47  : i32 {
      %mul3A_49 = arith.constant 640 : i32
      %mul3A_50 = arith.muli %arg1, %mul3A_49 : i32
      %mul3A_51 = arith.constant 80 : i32
      %mul3A_52 = arith.muli %while3A_48, %mul3A_51 : i32
      %add3A_53 = arith.addi %mul3A_50, %mul3A_52 : i32
      "tpu.region"() ({
        %run_scoped3A = tpu.sem_alloc : memref<!tpu.dma_semaphore, #tpu.memory_space<semaphore_mem>>
        %dma_start3A = arith.constant 0 : i32
        %dma_start3A_57 = tpu.memref_slice %arg6[%add3A_53, %dma_start3A] : memref<10000x128xf32, #tpu.memory_space<vmem_shared>> -> memref<80x128xf32, #tpu.memory_space<vmem_shared>>
        %dma_start3A_58 = arith.constant 0 : i32
        %dma_start3A_59 = tpu.memref_slice %arg6[%add3A_53, %dma_start3A_58] : memref<10000x128xf32, #tpu.memory_space<vmem_shared>> -> memref<80x128xf32, #tpu.memory_space<vmem_shared>>
        tpu.enqueue_dma source(%dma_start3A_59 : memref<80x128xf32, #tpu.memory_space<vmem_shared>>) target(%arg9 : memref<80x128xf32, #tpu.memory_space<vmem>>) target_semaphore(%run_scoped3A : memref<!tpu.dma_semaphore, #tpu.memory_space<semaphore_mem>>)
        %dma_wait3A = arith.constant 0 : i32
        %dma_wait3A_60 = tpu.memref_slice %arg6[%add3A_53, %dma_wait3A] : memref<10000x128xf32, #tpu.memory_space<vmem_shared>> -> memref<80x128xf32, #tpu.memory_space<vmem_shared>>
        %dma_wait3A_61 = arith.constant 0 : i32
        %dma_wait3A_62 = tpu.memref_slice %arg6[%add3A_53, %dma_wait3A_61] : memref<10000x128xf32, #tpu.memory_space<vmem_shared>> -> memref<80x128xf32, #tpu.memory_space<vmem_shared>>
        tpu.wait_dma2 semaphore(%run_scoped3A : memref<!tpu.dma_semaphore, #tpu.memory_space<semaphore_mem>>) src(%dma_wait3A_62 : memref<80x128xf32, #tpu.memory_space<vmem_shared>>) dst(%arg9 : memref<80x128xf32, #tpu.memory_space<vmem>>)
        tpu.yield
      }) : () -> ()
      %mul3A_54 = arith.constant 10000 : i32
      %mul3A_55 = arith.muli %arg0, %mul3A_54 : i32
      %add3A_56 = arith.addi %mul3A_55, %add3A_53 : i32
      "tpu.region"() ({
        %run_scoped3A = tpu.sem_alloc : memref<!tpu.dma_semaphore, #tpu.memory_space<semaphore_mem>>
        %dma_start3A = arith.constant 0 : i32
        %dma_start3A_57 = tpu.memref_slice %arg5[%add3A_56, %dma_start3A] : memref<20000x128xf32, #tpu.memory_space<hbm>> -> memref<80x128xf32, #tpu.memory_space<hbm>>
        %dma_start3A_58 = arith.constant 0 : i32
        %dma_start3A_59 = tpu.memref_slice %arg5[%add3A_56, %dma_start3A_58] : memref<20000x128xf32, #tpu.memory_space<hbm>> -> memref<80x128xf32, #tpu.memory_space<hbm>>
        tpu.enqueue_dma source(%arg9 : memref<80x128xf32, #tpu.memory_space<vmem>>) target(%dma_start3A_59 : memref<80x128xf32, #tpu.memory_space<hbm>>) target_semaphore(%run_scoped3A : memref<!tpu.dma_semaphore, #tpu.memory_space<semaphore_mem>>)
        %dma_wait3A = arith.constant 0 : i32
        %dma_wait3A_60 = tpu.memref_slice %arg5[%add3A_56, %dma_wait3A] : memref<20000x128xf32, #tpu.memory_space<hbm>> -> memref<80x128xf32, #tpu.memory_space<hbm>>
        %dma_wait3A_61 = arith.constant 0 : i32
        %dma_wait3A_62 = tpu.memref_slice %arg5[%add3A_56, %dma_wait3A_61] : memref<20000x128xf32, #tpu.memory_space<hbm>> -> memref<80x128xf32, #tpu.memory_space<hbm>>
        tpu.wait_dma2 semaphore(%run_scoped3A : memref<!tpu.dma_semaphore, #tpu.memory_space<semaphore_mem>>) src(%arg9 : memref<80x128xf32, #tpu.memory_space<vmem>>) dst(%dma_wait3A_62 : memref<80x128xf32, #tpu.memory_space<hbm>>)
        tpu.yield
      }) : () -> ()
    }
    return
  }
}

#map = affine_map<(d0, d1) -> (0, 0)>
module attributes {stable_mosaic.version = 14 : i64} {
  func.func @_spmm_body(%arg0: i32, %arg1: i32, %arg2: memref<10000x128xf32, #tpu.memory_space<hbm>>, %arg3: memref<2560x125xi32, #tpu.memory_space<hbm>>, %arg4: memref<2560x125xi32, #tpu.memory_space<hbm>>, %arg5: memref<80x128xf32, #tpu.memory_space<hbm>>, %arg6: memref<20000x128xf32, #tpu.memory_space<hbm>>, %arg7: memref<10000x128xf32, #tpu.memory_space<vmem_shared>>, %arg8: memref<40x125xi32, #tpu.memory_space<vmem>>, %arg9: memref<40x125xi32, #tpu.memory_space<vmem>>, %arg10: memref<125x128xf32, #tpu.memory_space<vmem>>, %arg11: memref<125x128xf32, #tpu.memory_space<vmem>>, %arg12: memref<!tpu.dma_semaphore, #tpu.memory_space<semaphore_mem>>, %arg13: memref<!tpu.dma_semaphore, #tpu.memory_space<semaphore_mem>>) attributes {dimension_semantics = [#tpu.dimension_semantics<core_parallel>, #tpu.dimension_semantics<subcore_parallel>], iteration_bounds = array<i64: 2, 16>, scalar_prefetch = 0 : i64, scratch_operands = 7 : i64, tpu.core_type = #tpu.core_type<sc_vector_subcore>, window_params = [{transform_indices = #map}, {transform_indices = #map}, {transform_indices = #map}, {transform_indices = #map}, {transform_indices = #map}]} {
    %mul3A = arith.constant 2 : i32
    %mul3A_0 = arith.muli %arg1, %mul3A : i32
    %add3A = arith.addi %mul3A_0, %arg0 : i32
    "tpu.region"() ({
      %run_scoped3A = tpu.sem_alloc : memref<!tpu.dma_semaphore, #tpu.memory_space<semaphore_mem>>
      %dma_start3A_73 = arith.constant 0 : i32
      %dma_start3A_74 = arith.constant 0 : i32
      %dma_start3A_75 = tpu.memref_slice %arg10[%dma_start3A_73, %dma_start3A_74] : memref<125x128xf32, #tpu.memory_space<vmem>> -> memref<80x128xf32, #tpu.memory_space<vmem>>
      %dma_start3A_76 = arith.constant 0 : i32
      %dma_start3A_77 = arith.constant 0 : i32
      %dma_start3A_78 = tpu.memref_slice %arg10[%dma_start3A_76, %dma_start3A_77] : memref<125x128xf32, #tpu.memory_space<vmem>> -> memref<80x128xf32, #tpu.memory_space<vmem>>
      tpu.enqueue_dma source(%arg5 : memref<80x128xf32, #tpu.memory_space<hbm>>) target(%dma_start3A_78 : memref<80x128xf32, #tpu.memory_space<vmem>>) target_semaphore(%run_scoped3A : memref<!tpu.dma_semaphore, #tpu.memory_space<semaphore_mem>>)
      %dma_wait3A = arith.constant 0 : i32
      %dma_wait3A_79 = arith.constant 0 : i32
      %dma_wait3A_80 = tpu.memref_slice %arg10[%dma_wait3A, %dma_wait3A_79] : memref<125x128xf32, #tpu.memory_space<vmem>> -> memref<80x128xf32, #tpu.memory_space<vmem>>
      %dma_wait3A_81 = arith.constant 0 : i32
      %dma_wait3A_82 = arith.constant 0 : i32
      %dma_wait3A_83 = tpu.memref_slice %arg10[%dma_wait3A_81, %dma_wait3A_82] : memref<125x128xf32, #tpu.memory_space<vmem>> -> memref<80x128xf32, #tpu.memory_space<vmem>>
      tpu.wait_dma2 semaphore(%run_scoped3A : memref<!tpu.dma_semaphore, #tpu.memory_space<semaphore_mem>>) src(%arg5 : memref<80x128xf32, #tpu.memory_space<hbm>>) dst(%dma_wait3A_83 : memref<80x128xf32, #tpu.memory_space<vmem>>)
      tpu.yield
    }) : () -> ()
    %lt3A = arith.constant 15 : i32
    %lt3A_1 = arith.cmpi slt, %arg1, %lt3A : i32
    %jit3A = arith.constant 640 : i32
    %jit3A_2 = arith.constant 400 : i32
    %select_n3A = arith.select %lt3A_1, %jit3A, %jit3A_2 : i32
    %jit3A_3 = arith.constant 80 : i32
    %div3A = arith.divsi %select_n3A, %jit3A_3 : i32
    %sign3A = arith.constant 0 : i32
    %sign3A_4 = arith.cmpi sgt, %select_n3A, %sign3A : i32
    %sign3A_5 = arith.extui %sign3A_4 : i1 to i32
    %sign3A_6 = arith.constant 0 : i32
    %sign3A_7 = arith.cmpi slt, %select_n3A, %sign3A_6 : i32
    %sign3A_8 = arith.extui %sign3A_7 : i1 to i32
    %sign3A_9 = arith.subi %sign3A_5, %sign3A_8 : i32
    %sign3A_10 = arith.constant 0 : i32
    %sign3A_11 = arith.cmpi sgt, %jit3A_3, %sign3A_10 : i32
    %sign3A_12 = arith.extui %sign3A_11 : i1 to i32
    %sign3A_13 = arith.constant 0 : i32
    %sign3A_14 = arith.cmpi slt, %jit3A_3, %sign3A_13 : i32
    %sign3A_15 = arith.extui %sign3A_14 : i1 to i32
    %sign3A_16 = arith.subi %sign3A_12, %sign3A_15 : i32
    %ne3A = arith.cmpi ne, %sign3A_9, %sign3A_16 : i32
    %rem3A = arith.remsi %select_n3A, %jit3A_3 : i32
    %ne3A_17 = arith.constant 0 : i32
    %ne3A_18 = arith.cmpi ne, %rem3A, %ne3A_17 : i32
    %and3A = arith.andi %ne3A, %ne3A_18 : i1
    %sub3A = arith.constant 1 : i32
    %sub3A_19 = arith.subi %div3A, %sub3A : i32
    %select_n3A_20 = arith.select %and3A, %sub3A_19, %div3A : i32
    %while3A = arith.constant 0 : i32
    %while3A_21 = arith.constant 0 : i32
    %while3A_22 = arith.subi %select_n3A_20, %while3A_21 : i32
    %while3A_23 = arith.addi %while3A_21, %while3A_22 : i32
    %while3A_24 = arith.constant 1 : i32
    %while3A_25 = arith.divsi %while3A_22, %while3A_24 : i32
    %while3A_26 = arith.muli %while3A_25, %while3A_24 : i32
    %while3A_27 = arith.addi %while3A_21, %while3A_26 : i32
    %while3A_28 = arith.constant 1 : i32
    scf.for %while3A_73 = %while3A_21 to %while3A_27 step %while3A_28  : i32 {
      %mul3A_74 = arith.constant 640 : i32
      %mul3A_75 = arith.muli %arg1, %mul3A_74 : i32
      %mul3A_76 = arith.constant 80 : i32
      %mul3A_77 = arith.muli %while3A_73, %mul3A_76 : i32
      %add3A_78 = arith.addi %mul3A_75, %mul3A_77 : i32
      "tpu.region"() ({
        %run_scoped3A = tpu.sem_alloc : memref<!tpu.dma_semaphore, #tpu.memory_space<semaphore_mem>>
        %dma_start3A_79 = arith.constant 0 : i32
        %dma_start3A_80 = arith.constant 0 : i32
        %dma_start3A_81 = tpu.memref_slice %arg10[%dma_start3A_79, %dma_start3A_80] : memref<125x128xf32, #tpu.memory_space<vmem>> -> memref<80x128xf32, #tpu.memory_space<vmem>>
        %dma_start3A_82 = arith.constant 0 : i32
        %dma_start3A_83 = tpu.memref_slice %arg7[%add3A_78, %dma_start3A_82] : memref<10000x128xf32, #tpu.memory_space<vmem_shared>> -> memref<80x128xf32, #tpu.memory_space<vmem_shared>>
        %dma_start3A_84 = arith.constant 0 : i32
        %dma_start3A_85 = tpu.memref_slice %arg7[%add3A_78, %dma_start3A_84] : memref<10000x128xf32, #tpu.memory_space<vmem_shared>> -> memref<80x128xf32, #tpu.memory_space<vmem_shared>>
        %dma_start3A_86 = arith.constant 0 : i32
        %dma_start3A_87 = arith.constant 0 : i32
        %dma_start3A_88 = tpu.memref_slice %arg10[%dma_start3A_86, %dma_start3A_87] : memref<125x128xf32, #tpu.memory_space<vmem>> -> memref<80x128xf32, #tpu.memory_space<vmem>>
        tpu.enqueue_dma source(%dma_start3A_88 : memref<80x128xf32, #tpu.memory_space<vmem>>) target(%dma_start3A_85 : memref<80x128xf32, #tpu.memory_space<vmem_shared>>) target_semaphore(%run_scoped3A : memref<!tpu.dma_semaphore, #tpu.memory_space<semaphore_mem>>)
        %dma_wait3A = arith.constant 0 : i32
        %dma_wait3A_89 = arith.constant 0 : i32
        %dma_wait3A_90 = tpu.memref_slice %arg10[%dma_wait3A, %dma_wait3A_89] : memref<125x128xf32, #tpu.memory_space<vmem>> -> memref<80x128xf32, #tpu.memory_space<vmem>>
        %dma_wait3A_91 = arith.constant 0 : i32
        %dma_wait3A_92 = tpu.memref_slice %arg7[%add3A_78, %dma_wait3A_91] : memref<10000x128xf32, #tpu.memory_space<vmem_shared>> -> memref<80x128xf32, #tpu.memory_space<vmem_shared>>
        %dma_wait3A_93 = arith.constant 0 : i32
        %dma_wait3A_94 = tpu.memref_slice %arg7[%add3A_78, %dma_wait3A_93] : memref<10000x128xf32, #tpu.memory_space<vmem_shared>> -> memref<80x128xf32, #tpu.memory_space<vmem_shared>>
        %dma_wait3A_95 = arith.constant 0 : i32
        %dma_wait3A_96 = arith.constant 0 : i32
        %dma_wait3A_97 = tpu.memref_slice %arg10[%dma_wait3A_95, %dma_wait3A_96] : memref<125x128xf32, #tpu.memory_space<vmem>> -> memref<80x128xf32, #tpu.memory_space<vmem>>
        tpu.wait_dma2 semaphore(%run_scoped3A : memref<!tpu.dma_semaphore, #tpu.memory_space<semaphore_mem>>) src(%dma_wait3A_97 : memref<80x128xf32, #tpu.memory_space<vmem>>) dst(%dma_wait3A_94 : memref<80x128xf32, #tpu.memory_space<vmem_shared>>)
        tpu.yield
      }) : () -> ()
    }
    %while3A_29 = arith.constant 1 : i32
    scf.for %while3A_73 = %while3A_27 to %while3A_23 step %while3A_29  : i32 {
      %mul3A_74 = arith.constant 640 : i32
      %mul3A_75 = arith.muli %arg1, %mul3A_74 : i32
      %mul3A_76 = arith.constant 80 : i32
      %mul3A_77 = arith.muli %while3A_73, %mul3A_76 : i32
      %add3A_78 = arith.addi %mul3A_75, %mul3A_77 : i32
      "tpu.region"() ({
        %run_scoped3A = tpu.sem_alloc : memref<!tpu.dma_semaphore, #tpu.memory_space<semaphore_mem>>
        %dma_start3A_79 = arith.constant 0 : i32
        %dma_start3A_80 = arith.constant 0 : i32
        %dma_start3A_81 = tpu.memref_slice %arg10[%dma_start3A_79, %dma_start3A_80] : memref<125x128xf32, #tpu.memory_space<vmem>> -> memref<80x128xf32, #tpu.memory_space<vmem>>
        %dma_start3A_82 = arith.constant 0 : i32
        %dma_start3A_83 = tpu.memref_slice %arg7[%add3A_78, %dma_start3A_82] : memref<10000x128xf32, #tpu.memory_space<vmem_shared>> -> memref<80x128xf32, #tpu.memory_space<vmem_shared>>
        %dma_start3A_84 = arith.constant 0 : i32
        %dma_start3A_85 = tpu.memref_slice %arg7[%add3A_78, %dma_start3A_84] : memref<10000x128xf32, #tpu.memory_space<vmem_shared>> -> memref<80x128xf32, #tpu.memory_space<vmem_shared>>
        %dma_start3A_86 = arith.constant 0 : i32
        %dma_start3A_87 = arith.constant 0 : i32
        %dma_start3A_88 = tpu.memref_slice %arg10[%dma_start3A_86, %dma_start3A_87] : memref<125x128xf32, #tpu.memory_space<vmem>> -> memref<80x128xf32, #tpu.memory_space<vmem>>
        tpu.enqueue_dma source(%dma_start3A_88 : memref<80x128xf32, #tpu.memory_space<vmem>>) target(%dma_start3A_85 : memref<80x128xf32, #tpu.memory_space<vmem_shared>>) target_semaphore(%run_scoped3A : memref<!tpu.dma_semaphore, #tpu.memory_space<semaphore_mem>>)
        %dma_wait3A = arith.constant 0 : i32
        %dma_wait3A_89 = arith.constant 0 : i32
        %dma_wait3A_90 = tpu.memref_slice %arg10[%dma_wait3A, %dma_wait3A_89] : memref<125x128xf32, #tpu.memory_space<vmem>> -> memref<80x128xf32, #tpu.memory_space<vmem>>
        %dma_wait3A_91 = arith.constant 0 : i32
        %dma_wait3A_92 = tpu.memref_slice %arg7[%add3A_78, %dma_wait3A_91] : memref<10000x128xf32, #tpu.memory_space<vmem_shared>> -> memref<80x128xf32, #tpu.memory_space<vmem_shared>>
        %dma_wait3A_93 = arith.constant 0 : i32
        %dma_wait3A_94 = tpu.memref_slice %arg7[%add3A_78, %dma_wait3A_93] : memref<10000x128xf32, #tpu.memory_space<vmem_shared>> -> memref<80x128xf32, #tpu.memory_space<vmem_shared>>
        %dma_wait3A_95 = arith.constant 0 : i32
        %dma_wait3A_96 = arith.constant 0 : i32
        %dma_wait3A_97 = tpu.memref_slice %arg10[%dma_wait3A_95, %dma_wait3A_96] : memref<125x128xf32, #tpu.memory_space<vmem>> -> memref<80x128xf32, #tpu.memory_space<vmem>>
        tpu.wait_dma2 semaphore(%run_scoped3A : memref<!tpu.dma_semaphore, #tpu.memory_space<semaphore_mem>>) src(%dma_wait3A_97 : memref<80x128xf32, #tpu.memory_space<vmem>>) dst(%dma_wait3A_94 : memref<80x128xf32, #tpu.memory_space<vmem_shared>>)
        tpu.yield
      }) : () -> ()
    }
    %barrier3A = arith.constant 0 : index
    tpu.barrier barrier_id(%barrier3A)
    %mul3A_30 = arith.constant 80 : i32
    %mul3A_31 = arith.muli %add3A, %mul3A_30 : i32
    %add3A_32 = arith.constant 0 : i32
    %add3A_33 = arith.addi %mul3A_31, %add3A_32 : i32
    "tpu.region"() ({
      %run_scoped3A = tpu.sem_alloc : memref<!tpu.dma_semaphore, #tpu.memory_space<semaphore_mem>>
      %dma_start3A_73 = arith.constant 0 : i32
      %dma_start3A_74 = tpu.memref_slice %arg3[%add3A_33, %dma_start3A_73] : memref<2560x125xi32, #tpu.memory_space<hbm>> -> memref<40x125xi32, #tpu.memory_space<hbm>>
      %dma_start3A_75 = arith.constant 0 : i32
      %dma_start3A_76 = tpu.memref_slice %arg3[%add3A_33, %dma_start3A_75] : memref<2560x125xi32, #tpu.memory_space<hbm>> -> memref<40x125xi32, #tpu.memory_space<hbm>>
      tpu.enqueue_dma source(%dma_start3A_76 : memref<40x125xi32, #tpu.memory_space<hbm>>) target(%arg8 : memref<40x125xi32, #tpu.memory_space<vmem>>) target_semaphore(%run_scoped3A : memref<!tpu.dma_semaphore, #tpu.memory_space<semaphore_mem>>)
      %dma_wait3A = arith.constant 0 : i32
      %dma_wait3A_77 = tpu.memref_slice %arg3[%add3A_33, %dma_wait3A] : memref<2560x125xi32, #tpu.memory_space<hbm>> -> memref<40x125xi32, #tpu.memory_space<hbm>>
      %dma_wait3A_78 = arith.constant 0 : i32
      %dma_wait3A_79 = tpu.memref_slice %arg3[%add3A_33, %dma_wait3A_78] : memref<2560x125xi32, #tpu.memory_space<hbm>> -> memref<40x125xi32, #tpu.memory_space<hbm>>
      tpu.wait_dma2 semaphore(%run_scoped3A : memref<!tpu.dma_semaphore, #tpu.memory_space<semaphore_mem>>) src(%dma_wait3A_79 : memref<40x125xi32, #tpu.memory_space<hbm>>) dst(%arg8 : memref<40x125xi32, #tpu.memory_space<vmem>>)
      tpu.yield
    }) : () -> ()
    "tpu.region"() ({
      %run_scoped3A = tpu.sem_alloc : memref<!tpu.dma_semaphore, #tpu.memory_space<semaphore_mem>>
      %dma_start3A_73 = arith.constant 0 : i32
      %dma_start3A_74 = tpu.memref_slice %arg4[%add3A_33, %dma_start3A_73] : memref<2560x125xi32, #tpu.memory_space<hbm>> -> memref<40x125xi32, #tpu.memory_space<hbm>>
      %dma_start3A_75 = arith.constant 0 : i32
      %dma_start3A_76 = tpu.memref_slice %arg4[%add3A_33, %dma_start3A_75] : memref<2560x125xi32, #tpu.memory_space<hbm>> -> memref<40x125xi32, #tpu.memory_space<hbm>>
      tpu.enqueue_dma source(%dma_start3A_76 : memref<40x125xi32, #tpu.memory_space<hbm>>) target(%arg9 : memref<40x125xi32, #tpu.memory_space<vmem>>) target_semaphore(%run_scoped3A : memref<!tpu.dma_semaphore, #tpu.memory_space<semaphore_mem>>)
      %dma_wait3A = arith.constant 0 : i32
      %dma_wait3A_77 = tpu.memref_slice %arg4[%add3A_33, %dma_wait3A] : memref<2560x125xi32, #tpu.memory_space<hbm>> -> memref<40x125xi32, #tpu.memory_space<hbm>>
      %dma_wait3A_78 = arith.constant 0 : i32
      %dma_wait3A_79 = tpu.memref_slice %arg4[%add3A_33, %dma_wait3A_78] : memref<2560x125xi32, #tpu.memory_space<hbm>> -> memref<40x125xi32, #tpu.memory_space<hbm>>
      tpu.wait_dma2 semaphore(%run_scoped3A : memref<!tpu.dma_semaphore, #tpu.memory_space<semaphore_mem>>) src(%dma_wait3A_79 : memref<40x125xi32, #tpu.memory_space<hbm>>) dst(%arg9 : memref<40x125xi32, #tpu.memory_space<vmem>>)
      tpu.yield
    }) : () -> ()
    %dma_start3A = arith.constant 0 : i32
    %dma_start3A_34 = arith.constant 0 : i32
    %dma_start3A_35 = tpu.memref_slice %arg8[%dma_start3A, %dma_start3A_34] : memref<40x125xi32, #tpu.memory_space<vmem>> -> memref<1x125xi32, #tpu.memory_space<vmem>>
    %dma_start3A_36 = tpu.memref_squeeze %dma_start3A_35 : memref<1x125xi32, #tpu.memory_space<vmem>> -> memref<125xi32, #tpu.memory_space<vmem>>
    %dma_start3A_37 = arith.constant 0 : i32
    %dma_start3A_38 = arith.constant 0 : i32
    %dma_start3A_39 = tpu.memref_slice %arg2[%dma_start3A_37, %dma_start3A_38] : memref<10000x128xf32, #tpu.memory_space<hbm>> -> memref<10000x128xf32, #tpu.memory_space<hbm>>
    tpu.enqueue_indirect_dma source(%dma_start3A_39 : memref<10000x128xf32, #tpu.memory_space<hbm>>) target(%arg10 : memref<125x128xf32, #tpu.memory_space<vmem>>) offsets(%dma_start3A_36 : memref<125xi32, #tpu.memory_space<vmem>>) semaphore(%arg12 : memref<!tpu.dma_semaphore, #tpu.memory_space<semaphore_mem>>)
    %scan3A = arith.constant 0 : i32
    %scan3A_40 = arith.constant 0 : i32
    %scan3A_41 = arith.constant 20 : i32
    %scan3A_42 = arith.addi %scan3A_40, %scan3A_41 : i32
    %scan3A_43 = arith.constant 1 : i32
    scf.for %scan3A_73 = %scan3A_40 to %scan3A_42 step %scan3A_43  : i32 {
      %mul3A_74 = arith.constant 2 : i32
      %mul3A_75 = arith.muli %scan3A_73, %mul3A_74 : i32
      %add3A_76 = arith.constant 1 : i32
      %add3A_77 = arith.addi %mul3A_75, %add3A_76 : i32
      %dma_start3A_78 = arith.constant 0 : i32
      %dma_start3A_79 = tpu.memref_slice %arg8[%add3A_77, %dma_start3A_78] : memref<40x125xi32, #tpu.memory_space<vmem>> -> memref<1x125xi32, #tpu.memory_space<vmem>>
      %dma_start3A_80 = tpu.memref_squeeze %dma_start3A_79 : memref<1x125xi32, #tpu.memory_space<vmem>> -> memref<125xi32, #tpu.memory_space<vmem>>
      %dma_start3A_81 = arith.constant 0 : i32
      %dma_start3A_82 = arith.constant 0 : i32
      %dma_start3A_83 = tpu.memref_slice %arg2[%dma_start3A_81, %dma_start3A_82] : memref<10000x128xf32, #tpu.memory_space<hbm>> -> memref<10000x128xf32, #tpu.memory_space<hbm>>
      tpu.enqueue_indirect_dma source(%dma_start3A_83 : memref<10000x128xf32, #tpu.memory_space<hbm>>) target(%arg11 : memref<125x128xf32, #tpu.memory_space<vmem>>) offsets(%dma_start3A_80 : memref<125xi32, #tpu.memory_space<vmem>>) semaphore(%arg13 : memref<!tpu.dma_semaphore, #tpu.memory_space<semaphore_mem>>)
      %dma_wait3A = arith.constant 0 : i32
      %dma_wait3A_84 = tpu.memref_slice %arg8[%mul3A_75, %dma_wait3A] : memref<40x125xi32, #tpu.memory_space<vmem>> -> memref<1x125xi32, #tpu.memory_space<vmem>>
      %dma_wait3A_85 = tpu.memref_squeeze %dma_wait3A_84 : memref<1x125xi32, #tpu.memory_space<vmem>> -> memref<125xi32, #tpu.memory_space<vmem>>
      %dma_wait3A_86 = arith.constant 0 : i32
      %dma_wait3A_87 = arith.constant 0 : i32
      %dma_wait3A_88 = tpu.memref_slice %arg2[%dma_wait3A_86, %dma_wait3A_87] : memref<10000x128xf32, #tpu.memory_space<hbm>> -> memref<10000x128xf32, #tpu.memory_space<hbm>>
      tpu.wait_indirect_dma semaphore(%arg12 : memref<!tpu.dma_semaphore, #tpu.memory_space<semaphore_mem>>) src(%dma_wait3A_88 : memref<10000x128xf32, #tpu.memory_space<hbm>>) dst(%arg10 : memref<125x128xf32, #tpu.memory_space<vmem>>)
      "tpu.region"() ({
        %run_scoped3A = tpu.sem_alloc : memref<!tpu.dma_semaphore, #tpu.memory_space<semaphore_mem>>
        %dma_start3A_104 = arith.constant 0 : i32
        %dma_start3A_105 = tpu.memref_slice %arg9[%mul3A_75, %dma_start3A_104] : memref<40x125xi32, #tpu.memory_space<vmem>> -> memref<1x125xi32, #tpu.memory_space<vmem>>
        %dma_start3A_106 = tpu.memref_squeeze %dma_start3A_105 : memref<1x125xi32, #tpu.memory_space<vmem>> -> memref<125xi32, #tpu.memory_space<vmem>>
        %dma_start3A_107 = arith.constant 0 : i32
        %dma_start3A_108 = arith.constant 0 : i32
        %dma_start3A_109 = tpu.memref_slice %arg7[%dma_start3A_107, %dma_start3A_108] : memref<10000x128xf32, #tpu.memory_space<vmem_shared>> -> memref<10000x128xf32, #tpu.memory_space<vmem_shared>>
        tpu.enqueue_indirect_dma source(%arg10 : memref<125x128xf32, #tpu.memory_space<vmem>>) target(%dma_start3A_109 : memref<10000x128xf32, #tpu.memory_space<vmem_shared>>) offsets(%dma_start3A_106 : memref<125xi32, #tpu.memory_space<vmem>>) semaphore(%run_scoped3A : memref<!tpu.dma_semaphore, #tpu.memory_space<semaphore_mem>>) {add = true}
        %dma_wait3A_110 = arith.constant 0 : i32
        %dma_wait3A_111 = tpu.memref_slice %arg9[%mul3A_75, %dma_wait3A_110] : memref<40x125xi32, #tpu.memory_space<vmem>> -> memref<1x125xi32, #tpu.memory_space<vmem>>
        %dma_wait3A_112 = tpu.memref_squeeze %dma_wait3A_111 : memref<1x125xi32, #tpu.memory_space<vmem>> -> memref<125xi32, #tpu.memory_space<vmem>>
        %dma_wait3A_113 = arith.constant 0 : i32
        %dma_wait3A_114 = arith.constant 0 : i32
        %dma_wait3A_115 = tpu.memref_slice %arg7[%dma_wait3A_113, %dma_wait3A_114] : memref<10000x128xf32, #tpu.memory_space<vmem_shared>> -> memref<10000x128xf32, #tpu.memory_space<vmem_shared>>
        tpu.wait_indirect_dma semaphore(%run_scoped3A : memref<!tpu.dma_semaphore, #tpu.memory_space<semaphore_mem>>) src(%arg10 : memref<125x128xf32, #tpu.memory_space<vmem>>) dst(%dma_wait3A_115 : memref<10000x128xf32, #tpu.memory_space<vmem_shared>>)
        tpu.yield
      }) : () -> ()
      %add3A_89 = arith.constant 2 : i32
      %add3A_90 = arith.addi %mul3A_75, %add3A_89 : i32
      %lt3A_91 = arith.constant 40 : i32
      %lt3A_92 = arith.cmpi slt, %add3A_90, %lt3A_91 : i32
      %convert_element_type3A = arith.extui %lt3A_92 : i1 to i32
      %cond3A = arith.constant 0 : i32
      %cond3A_93 = arith.cmpi ne, %convert_element_type3A, %cond3A : i32
      scf.if %cond3A_93 {
        %add3A_104 = arith.constant 2 : i32
        %add3A_105 = arith.addi %mul3A_75, %add3A_104 : i32
        %dma_start3A_106 = arith.constant 0 : i32
        %dma_start3A_107 = tpu.memref_slice %arg8[%add3A_105, %dma_start3A_106] : memref<40x125xi32, #tpu.memory_space<vmem>> -> memref<1x125xi32, #tpu.memory_space<vmem>>
        %dma_start3A_108 = tpu.memref_squeeze %dma_start3A_107 : memref<1x125xi32, #tpu.memory_space<vmem>> -> memref<125xi32, #tpu.memory_space<vmem>>
        %dma_start3A_109 = arith.constant 0 : i32
        %dma_start3A_110 = arith.constant 0 : i32
        %dma_start3A_111 = tpu.memref_slice %arg2[%dma_start3A_109, %dma_start3A_110] : memref<10000x128xf32, #tpu.memory_space<hbm>> -> memref<10000x128xf32, #tpu.memory_space<hbm>>
        tpu.enqueue_indirect_dma source(%dma_start3A_111 : memref<10000x128xf32, #tpu.memory_space<hbm>>) target(%arg10 : memref<125x128xf32, #tpu.memory_space<vmem>>) offsets(%dma_start3A_108 : memref<125xi32, #tpu.memory_space<vmem>>) semaphore(%arg12 : memref<!tpu.dma_semaphore, #tpu.memory_space<semaphore_mem>>)
      } else {
      }
      %add3A_94 = arith.constant 1 : i32
      %add3A_95 = arith.addi %mul3A_75, %add3A_94 : i32
      %dma_wait3A_96 = arith.constant 0 : i32
      %dma_wait3A_97 = tpu.memref_slice %arg8[%add3A_95, %dma_wait3A_96] : memref<40x125xi32, #tpu.memory_space<vmem>> -> memref<1x125xi32, #tpu.memory_space<vmem>>
      %dma_wait3A_98 = tpu.memref_squeeze %dma_wait3A_97 : memref<1x125xi32, #tpu.memory_space<vmem>> -> memref<125xi32, #tpu.memory_space<vmem>>
      %dma_wait3A_99 = arith.constant 0 : i32
      %dma_wait3A_100 = arith.constant 0 : i32
      %dma_wait3A_101 = tpu.memref_slice %arg2[%dma_wait3A_99, %dma_wait3A_100] : memref<10000x128xf32, #tpu.memory_space<hbm>> -> memref<10000x128xf32, #tpu.memory_space<hbm>>
      tpu.wait_indirect_dma semaphore(%arg13 : memref<!tpu.dma_semaphore, #tpu.memory_space<semaphore_mem>>) src(%dma_wait3A_101 : memref<10000x128xf32, #tpu.memory_space<hbm>>) dst(%arg11 : memref<125x128xf32, #tpu.memory_space<vmem>>)
      %add3A_102 = arith.constant 1 : i32
      %add3A_103 = arith.addi %mul3A_75, %add3A_102 : i32
      "tpu.region"() ({
        %run_scoped3A = tpu.sem_alloc : memref<!tpu.dma_semaphore, #tpu.memory_space<semaphore_mem>>
        %dma_start3A_104 = arith.constant 0 : i32
        %dma_start3A_105 = tpu.memref_slice %arg9[%add3A_103, %dma_start3A_104] : memref<40x125xi32, #tpu.memory_space<vmem>> -> memref<1x125xi32, #tpu.memory_space<vmem>>
        %dma_start3A_106 = tpu.memref_squeeze %dma_start3A_105 : memref<1x125xi32, #tpu.memory_space<vmem>> -> memref<125xi32, #tpu.memory_space<vmem>>
        %dma_start3A_107 = arith.constant 0 : i32
        %dma_start3A_108 = arith.constant 0 : i32
        %dma_start3A_109 = tpu.memref_slice %arg7[%dma_start3A_107, %dma_start3A_108] : memref<10000x128xf32, #tpu.memory_space<vmem_shared>> -> memref<10000x128xf32, #tpu.memory_space<vmem_shared>>
        tpu.enqueue_indirect_dma source(%arg11 : memref<125x128xf32, #tpu.memory_space<vmem>>) target(%dma_start3A_109 : memref<10000x128xf32, #tpu.memory_space<vmem_shared>>) offsets(%dma_start3A_106 : memref<125xi32, #tpu.memory_space<vmem>>) semaphore(%run_scoped3A : memref<!tpu.dma_semaphore, #tpu.memory_space<semaphore_mem>>) {add = true}
        %dma_wait3A_110 = arith.constant 0 : i32
        %dma_wait3A_111 = tpu.memref_slice %arg9[%add3A_103, %dma_wait3A_110] : memref<40x125xi32, #tpu.memory_space<vmem>> -> memref<1x125xi32, #tpu.memory_space<vmem>>
        %dma_wait3A_112 = tpu.memref_squeeze %dma_wait3A_111 : memref<1x125xi32, #tpu.memory_space<vmem>> -> memref<125xi32, #tpu.memory_space<vmem>>
        %dma_wait3A_113 = arith.constant 0 : i32
        %dma_wait3A_114 = arith.constant 0 : i32
        %dma_wait3A_115 = tpu.memref_slice %arg7[%dma_wait3A_113, %dma_wait3A_114] : memref<10000x128xf32, #tpu.memory_space<vmem_shared>> -> memref<10000x128xf32, #tpu.memory_space<vmem_shared>>
        tpu.wait_indirect_dma semaphore(%run_scoped3A : memref<!tpu.dma_semaphore, #tpu.memory_space<semaphore_mem>>) src(%arg11 : memref<125x128xf32, #tpu.memory_space<vmem>>) dst(%dma_wait3A_115 : memref<10000x128xf32, #tpu.memory_space<vmem_shared>>)
        tpu.yield
      }) : () -> ()
    }
    %scan3A_44 = arith.constant 20 : i32
    %mul3A_45 = arith.constant 80 : i32
    %mul3A_46 = arith.muli %add3A, %mul3A_45 : i32
    %add3A_47 = arith.constant 40 : i32
    %add3A_48 = arith.addi %mul3A_46, %add3A_47 : i32
    "tpu.region"() ({
      %run_scoped3A = tpu.sem_alloc : memref<!tpu.dma_semaphore, #tpu.memory_space<semaphore_mem>>
      %dma_start3A_73 = arith.constant 0 : i32
      %dma_start3A_74 = tpu.memref_slice %arg3[%add3A_48, %dma_start3A_73] : memref<2560x125xi32, #tpu.memory_space<hbm>> -> memref<40x125xi32, #tpu.memory_space<hbm>>
      %dma_start3A_75 = arith.constant 0 : i32
      %dma_start3A_76 = tpu.memref_slice %arg3[%add3A_48, %dma_start3A_75] : memref<2560x125xi32, #tpu.memory_space<hbm>> -> memref<40x125xi32, #tpu.memory_space<hbm>>
      tpu.enqueue_dma source(%dma_start3A_76 : memref<40x125xi32, #tpu.memory_space<hbm>>) target(%arg8 : memref<40x125xi32, #tpu.memory_space<vmem>>) target_semaphore(%run_scoped3A : memref<!tpu.dma_semaphore, #tpu.memory_space<semaphore_mem>>)
      %dma_wait3A = arith.constant 0 : i32
      %dma_wait3A_77 = tpu.memref_slice %arg3[%add3A_48, %dma_wait3A] : memref<2560x125xi32, #tpu.memory_space<hbm>> -> memref<40x125xi32, #tpu.memory_space<hbm>>
      %dma_wait3A_78 = arith.constant 0 : i32
      %dma_wait3A_79 = tpu.memref_slice %arg3[%add3A_48, %dma_wait3A_78] : memref<2560x125xi32, #tpu.memory_space<hbm>> -> memref<40x125xi32, #tpu.memory_space<hbm>>
      tpu.wait_dma2 semaphore(%run_scoped3A : memref<!tpu.dma_semaphore, #tpu.memory_space<semaphore_mem>>) src(%dma_wait3A_79 : memref<40x125xi32, #tpu.memory_space<hbm>>) dst(%arg8 : memref<40x125xi32, #tpu.memory_space<vmem>>)
      tpu.yield
    }) : () -> ()
    "tpu.region"() ({
      %run_scoped3A = tpu.sem_alloc : memref<!tpu.dma_semaphore, #tpu.memory_space<semaphore_mem>>
      %dma_start3A_73 = arith.constant 0 : i32
      %dma_start3A_74 = tpu.memref_slice %arg4[%add3A_48, %dma_start3A_73] : memref<2560x125xi32, #tpu.memory_space<hbm>> -> memref<40x125xi32, #tpu.memory_space<hbm>>
      %dma_start3A_75 = arith.constant 0 : i32
      %dma_start3A_76 = tpu.memref_slice %arg4[%add3A_48, %dma_start3A_75] : memref<2560x125xi32, #tpu.memory_space<hbm>> -> memref<40x125xi32, #tpu.memory_space<hbm>>
      tpu.enqueue_dma source(%dma_start3A_76 : memref<40x125xi32, #tpu.memory_space<hbm>>) target(%arg9 : memref<40x125xi32, #tpu.memory_space<vmem>>) target_semaphore(%run_scoped3A : memref<!tpu.dma_semaphore, #tpu.memory_space<semaphore_mem>>)
      %dma_wait3A = arith.constant 0 : i32
      %dma_wait3A_77 = tpu.memref_slice %arg4[%add3A_48, %dma_wait3A] : memref<2560x125xi32, #tpu.memory_space<hbm>> -> memref<40x125xi32, #tpu.memory_space<hbm>>
      %dma_wait3A_78 = arith.constant 0 : i32
      %dma_wait3A_79 = tpu.memref_slice %arg4[%add3A_48, %dma_wait3A_78] : memref<2560x125xi32, #tpu.memory_space<hbm>> -> memref<40x125xi32, #tpu.memory_space<hbm>>
      tpu.wait_dma2 semaphore(%run_scoped3A : memref<!tpu.dma_semaphore, #tpu.memory_space<semaphore_mem>>) src(%dma_wait3A_79 : memref<40x125xi32, #tpu.memory_space<hbm>>) dst(%arg9 : memref<40x125xi32, #tpu.memory_space<vmem>>)
      tpu.yield
    }) : () -> ()
    %dma_start3A_49 = arith.constant 0 : i32
    %dma_start3A_50 = arith.constant 0 : i32
    %dma_start3A_51 = tpu.memref_slice %arg8[%dma_start3A_49, %dma_start3A_50] : memref<40x125xi32, #tpu.memory_space<vmem>> -> memref<1x125xi32, #tpu.memory_space<vmem>>
    %dma_start3A_52 = tpu.memref_squeeze %dma_start3A_51 : memref<1x125xi32, #tpu.memory_space<vmem>> -> memref<125xi32, #tpu.memory_space<vmem>>
    %dma_start3A_53 = arith.constant 0 : i32
    %dma_start3A_54 = arith.constant 0 : i32
    %dma_start3A_55 = tpu.memref_slice %arg2[%dma_start3A_53, %dma_start3A_54] : memref<10000x128xf32, #tpu.memory_space<hbm>> -> memref<10000x128xf32, #tpu.memory_space<hbm>>
    tpu.enqueue_indirect_dma source(%dma_start3A_55 : memref<10000x128xf32, #tpu.memory_space<hbm>>) target(%arg10 : memref<125x128xf32, #tpu.memory_space<vmem>>) offsets(%dma_start3A_52 : memref<125xi32, #tpu.memory_space<vmem>>) semaphore(%arg12 : memref<!tpu.dma_semaphore, #tpu.memory_space<semaphore_mem>>)
    %scan3A_56 = arith.constant 0 : i32
    %scan3A_57 = arith.constant 0 : i32
    %scan3A_58 = arith.constant 20 : i32
    %scan3A_59 = arith.addi %scan3A_57, %scan3A_58 : i32
    %scan3A_60 = arith.constant 1 : i32
    scf.for %scan3A_73 = %scan3A_57 to %scan3A_59 step %scan3A_60  : i32 {
      %mul3A_74 = arith.constant 2 : i32
      %mul3A_75 = arith.muli %scan3A_73, %mul3A_74 : i32
      %add3A_76 = arith.constant 1 : i32
      %add3A_77 = arith.addi %mul3A_75, %add3A_76 : i32
      %dma_start3A_78 = arith.constant 0 : i32
      %dma_start3A_79 = tpu.memref_slice %arg8[%add3A_77, %dma_start3A_78] : memref<40x125xi32, #tpu.memory_space<vmem>> -> memref<1x125xi32, #tpu.memory_space<vmem>>
      %dma_start3A_80 = tpu.memref_squeeze %dma_start3A_79 : memref<1x125xi32, #tpu.memory_space<vmem>> -> memref<125xi32, #tpu.memory_space<vmem>>
      %dma_start3A_81 = arith.constant 0 : i32
      %dma_start3A_82 = arith.constant 0 : i32
      %dma_start3A_83 = tpu.memref_slice %arg2[%dma_start3A_81, %dma_start3A_82] : memref<10000x128xf32, #tpu.memory_space<hbm>> -> memref<10000x128xf32, #tpu.memory_space<hbm>>
      tpu.enqueue_indirect_dma source(%dma_start3A_83 : memref<10000x128xf32, #tpu.memory_space<hbm>>) target(%arg11 : memref<125x128xf32, #tpu.memory_space<vmem>>) offsets(%dma_start3A_80 : memref<125xi32, #tpu.memory_space<vmem>>) semaphore(%arg13 : memref<!tpu.dma_semaphore, #tpu.memory_space<semaphore_mem>>)
      %dma_wait3A = arith.constant 0 : i32
      %dma_wait3A_84 = tpu.memref_slice %arg8[%mul3A_75, %dma_wait3A] : memref<40x125xi32, #tpu.memory_space<vmem>> -> memref<1x125xi32, #tpu.memory_space<vmem>>
      %dma_wait3A_85 = tpu.memref_squeeze %dma_wait3A_84 : memref<1x125xi32, #tpu.memory_space<vmem>> -> memref<125xi32, #tpu.memory_space<vmem>>
      %dma_wait3A_86 = arith.constant 0 : i32
      %dma_wait3A_87 = arith.constant 0 : i32
      %dma_wait3A_88 = tpu.memref_slice %arg2[%dma_wait3A_86, %dma_wait3A_87] : memref<10000x128xf32, #tpu.memory_space<hbm>> -> memref<10000x128xf32, #tpu.memory_space<hbm>>
      tpu.wait_indirect_dma semaphore(%arg12 : memref<!tpu.dma_semaphore, #tpu.memory_space<semaphore_mem>>) src(%dma_wait3A_88 : memref<10000x128xf32, #tpu.memory_space<hbm>>) dst(%arg10 : memref<125x128xf32, #tpu.memory_space<vmem>>)
      "tpu.region"() ({
        %run_scoped3A = tpu.sem_alloc : memref<!tpu.dma_semaphore, #tpu.memory_space<semaphore_mem>>
        %dma_start3A_104 = arith.constant 0 : i32
        %dma_start3A_105 = tpu.memref_slice %arg9[%mul3A_75, %dma_start3A_104] : memref<40x125xi32, #tpu.memory_space<vmem>> -> memref<1x125xi32, #tpu.memory_space<vmem>>
        %dma_start3A_106 = tpu.memref_squeeze %dma_start3A_105 : memref<1x125xi32, #tpu.memory_space<vmem>> -> memref<125xi32, #tpu.memory_space<vmem>>
        %dma_start3A_107 = arith.constant 0 : i32
        %dma_start3A_108 = arith.constant 0 : i32
        %dma_start3A_109 = tpu.memref_slice %arg7[%dma_start3A_107, %dma_start3A_108] : memref<10000x128xf32, #tpu.memory_space<vmem_shared>> -> memref<10000x128xf32, #tpu.memory_space<vmem_shared>>
        tpu.enqueue_indirect_dma source(%arg10 : memref<125x128xf32, #tpu.memory_space<vmem>>) target(%dma_start3A_109 : memref<10000x128xf32, #tpu.memory_space<vmem_shared>>) offsets(%dma_start3A_106 : memref<125xi32, #tpu.memory_space<vmem>>) semaphore(%run_scoped3A : memref<!tpu.dma_semaphore, #tpu.memory_space<semaphore_mem>>) {add = true}
        %dma_wait3A_110 = arith.constant 0 : i32
        %dma_wait3A_111 = tpu.memref_slice %arg9[%mul3A_75, %dma_wait3A_110] : memref<40x125xi32, #tpu.memory_space<vmem>> -> memref<1x125xi32, #tpu.memory_space<vmem>>
        %dma_wait3A_112 = tpu.memref_squeeze %dma_wait3A_111 : memref<1x125xi32, #tpu.memory_space<vmem>> -> memref<125xi32, #tpu.memory_space<vmem>>
        %dma_wait3A_113 = arith.constant 0 : i32
        %dma_wait3A_114 = arith.constant 0 : i32
        %dma_wait3A_115 = tpu.memref_slice %arg7[%dma_wait3A_113, %dma_wait3A_114] : memref<10000x128xf32, #tpu.memory_space<vmem_shared>> -> memref<10000x128xf32, #tpu.memory_space<vmem_shared>>
        tpu.wait_indirect_dma semaphore(%run_scoped3A : memref<!tpu.dma_semaphore, #tpu.memory_space<semaphore_mem>>) src(%arg10 : memref<125x128xf32, #tpu.memory_space<vmem>>) dst(%dma_wait3A_115 : memref<10000x128xf32, #tpu.memory_space<vmem_shared>>)
        tpu.yield
      }) : () -> ()
      %add3A_89 = arith.constant 2 : i32
      %add3A_90 = arith.addi %mul3A_75, %add3A_89 : i32
      %lt3A_91 = arith.constant 40 : i32
      %lt3A_92 = arith.cmpi slt, %add3A_90, %lt3A_91 : i32
      %convert_element_type3A = arith.extui %lt3A_92 : i1 to i32
      %cond3A = arith.constant 0 : i32
      %cond3A_93 = arith.cmpi ne, %convert_element_type3A, %cond3A : i32
      scf.if %cond3A_93 {
        %add3A_104 = arith.constant 2 : i32
        %add3A_105 = arith.addi %mul3A_75, %add3A_104 : i32
        %dma_start3A_106 = arith.constant 0 : i32
        %dma_start3A_107 = tpu.memref_slice %arg8[%add3A_105, %dma_start3A_106] : memref<40x125xi32, #tpu.memory_space<vmem>> -> memref<1x125xi32, #tpu.memory_space<vmem>>
        %dma_start3A_108 = tpu.memref_squeeze %dma_start3A_107 : memref<1x125xi32, #tpu.memory_space<vmem>> -> memref<125xi32, #tpu.memory_space<vmem>>
        %dma_start3A_109 = arith.constant 0 : i32
        %dma_start3A_110 = arith.constant 0 : i32
        %dma_start3A_111 = tpu.memref_slice %arg2[%dma_start3A_109, %dma_start3A_110] : memref<10000x128xf32, #tpu.memory_space<hbm>> -> memref<10000x128xf32, #tpu.memory_space<hbm>>
        tpu.enqueue_indirect_dma source(%dma_start3A_111 : memref<10000x128xf32, #tpu.memory_space<hbm>>) target(%arg10 : memref<125x128xf32, #tpu.memory_space<vmem>>) offsets(%dma_start3A_108 : memref<125xi32, #tpu.memory_space<vmem>>) semaphore(%arg12 : memref<!tpu.dma_semaphore, #tpu.memory_space<semaphore_mem>>)
      } else {
      }
      %add3A_94 = arith.constant 1 : i32
      %add3A_95 = arith.addi %mul3A_75, %add3A_94 : i32
      %dma_wait3A_96 = arith.constant 0 : i32
      %dma_wait3A_97 = tpu.memref_slice %arg8[%add3A_95, %dma_wait3A_96] : memref<40x125xi32, #tpu.memory_space<vmem>> -> memref<1x125xi32, #tpu.memory_space<vmem>>
      %dma_wait3A_98 = tpu.memref_squeeze %dma_wait3A_97 : memref<1x125xi32, #tpu.memory_space<vmem>> -> memref<125xi32, #tpu.memory_space<vmem>>
      %dma_wait3A_99 = arith.constant 0 : i32
      %dma_wait3A_100 = arith.constant 0 : i32
      %dma_wait3A_101 = tpu.memref_slice %arg2[%dma_wait3A_99, %dma_wait3A_100] : memref<10000x128xf32, #tpu.memory_space<hbm>> -> memref<10000x128xf32, #tpu.memory_space<hbm>>
      tpu.wait_indirect_dma semaphore(%arg13 : memref<!tpu.dma_semaphore, #tpu.memory_space<semaphore_mem>>) src(%dma_wait3A_101 : memref<10000x128xf32, #tpu.memory_space<hbm>>) dst(%arg11 : memref<125x128xf32, #tpu.memory_space<vmem>>)
      %add3A_102 = arith.constant 1 : i32
      %add3A_103 = arith.addi %mul3A_75, %add3A_102 : i32
      "tpu.region"() ({
        %run_scoped3A = tpu.sem_alloc : memref<!tpu.dma_semaphore, #tpu.memory_space<semaphore_mem>>
        %dma_start3A_104 = arith.constant 0 : i32
        %dma_start3A_105 = tpu.memref_slice %arg9[%add3A_103, %dma_start3A_104] : memref<40x125xi32, #tpu.memory_space<vmem>> -> memref<1x125xi32, #tpu.memory_space<vmem>>
        %dma_start3A_106 = tpu.memref_squeeze %dma_start3A_105 : memref<1x125xi32, #tpu.memory_space<vmem>> -> memref<125xi32, #tpu.memory_space<vmem>>
        %dma_start3A_107 = arith.constant 0 : i32
        %dma_start3A_108 = arith.constant 0 : i32
        %dma_start3A_109 = tpu.memref_slice %arg7[%dma_start3A_107, %dma_start3A_108] : memref<10000x128xf32, #tpu.memory_space<vmem_shared>> -> memref<10000x128xf32, #tpu.memory_space<vmem_shared>>
        tpu.enqueue_indirect_dma source(%arg11 : memref<125x128xf32, #tpu.memory_space<vmem>>) target(%dma_start3A_109 : memref<10000x128xf32, #tpu.memory_space<vmem_shared>>) offsets(%dma_start3A_106 : memref<125xi32, #tpu.memory_space<vmem>>) semaphore(%run_scoped3A : memref<!tpu.dma_semaphore, #tpu.memory_space<semaphore_mem>>) {add = true}
        %dma_wait3A_110 = arith.constant 0 : i32
        %dma_wait3A_111 = tpu.memref_slice %arg9[%add3A_103, %dma_wait3A_110] : memref<40x125xi32, #tpu.memory_space<vmem>> -> memref<1x125xi32, #tpu.memory_space<vmem>>
        %dma_wait3A_112 = tpu.memref_squeeze %dma_wait3A_111 : memref<1x125xi32, #tpu.memory_space<vmem>> -> memref<125xi32, #tpu.memory_space<vmem>>
        %dma_wait3A_113 = arith.constant 0 : i32
        %dma_wait3A_114 = arith.constant 0 : i32
        %dma_wait3A_115 = tpu.memref_slice %arg7[%dma_wait3A_113, %dma_wait3A_114] : memref<10000x128xf32, #tpu.memory_space<vmem_shared>> -> memref<10000x128xf32, #tpu.memory_space<vmem_shared>>
        tpu.wait_indirect_dma semaphore(%run_scoped3A : memref<!tpu.dma_semaphore, #tpu.memory_space<semaphore_mem>>) src(%arg11 : memref<125x128xf32, #tpu.memory_space<vmem>>) dst(%dma_wait3A_115 : memref<10000x128xf32, #tpu.memory_space<vmem_shared>>)
        tpu.yield
      }) : () -> ()
    }
    %scan3A_61 = arith.constant 20 : i32
    %barrier3A_62 = arith.constant 0 : index
    tpu.barrier barrier_id(%barrier3A_62)
    %while3A_63 = arith.constant 0 : i32
    %while3A_64 = arith.constant 0 : i32
    %while3A_65 = arith.subi %select_n3A_20, %while3A_64 : i32
    %while3A_66 = arith.addi %while3A_64, %while3A_65 : i32
    %while3A_67 = arith.constant 1 : i32
    %while3A_68 = arith.divsi %while3A_65, %while3A_67 : i32
    %while3A_69 = arith.muli %while3A_68, %while3A_67 : i32
    %while3A_70 = arith.addi %while3A_64, %while3A_69 : i32
    %while3A_71 = arith.constant 1 : i32
    scf.for %while3A_73 = %while3A_64 to %while3A_70 step %while3A_71  : i32 {
      %mul3A_74 = arith.constant 640 : i32
      %mul3A_75 = arith.muli %arg1, %mul3A_74 : i32
      %mul3A_76 = arith.constant 80 : i32
      %mul3A_77 = arith.muli %while3A_73, %mul3A_76 : i32
      %add3A_78 = arith.addi %mul3A_75, %mul3A_77 : i32
      "tpu.region"() ({
        %run_scoped3A = tpu.sem_alloc : memref<!tpu.dma_semaphore, #tpu.memory_space<semaphore_mem>>
        %dma_start3A_82 = arith.constant 0 : i32
        %dma_start3A_83 = arith.constant 0 : i32
        %dma_start3A_84 = tpu.memref_slice %arg10[%dma_start3A_82, %dma_start3A_83] : memref<125x128xf32, #tpu.memory_space<vmem>> -> memref<80x128xf32, #tpu.memory_space<vmem>>
        %dma_start3A_85 = arith.constant 0 : i32
        %dma_start3A_86 = tpu.memref_slice %arg7[%add3A_78, %dma_start3A_85] : memref<10000x128xf32, #tpu.memory_space<vmem_shared>> -> memref<80x128xf32, #tpu.memory_space<vmem_shared>>
        %dma_start3A_87 = arith.constant 0 : i32
        %dma_start3A_88 = arith.constant 0 : i32
        %dma_start3A_89 = tpu.memref_slice %arg10[%dma_start3A_87, %dma_start3A_88] : memref<125x128xf32, #tpu.memory_space<vmem>> -> memref<80x128xf32, #tpu.memory_space<vmem>>
        %dma_start3A_90 = arith.constant 0 : i32
        %dma_start3A_91 = tpu.memref_slice %arg7[%add3A_78, %dma_start3A_90] : memref<10000x128xf32, #tpu.memory_space<vmem_shared>> -> memref<80x128xf32, #tpu.memory_space<vmem_shared>>
        tpu.enqueue_dma source(%dma_start3A_91 : memref<80x128xf32, #tpu.memory_space<vmem_shared>>) target(%dma_start3A_89 : memref<80x128xf32, #tpu.memory_space<vmem>>) target_semaphore(%run_scoped3A : memref<!tpu.dma_semaphore, #tpu.memory_space<semaphore_mem>>)
        %dma_wait3A = arith.constant 0 : i32
        %dma_wait3A_92 = arith.constant 0 : i32
        %dma_wait3A_93 = tpu.memref_slice %arg10[%dma_wait3A, %dma_wait3A_92] : memref<125x128xf32, #tpu.memory_space<vmem>> -> memref<80x128xf32, #tpu.memory_space<vmem>>
        %dma_wait3A_94 = arith.constant 0 : i32
        %dma_wait3A_95 = tpu.memref_slice %arg7[%add3A_78, %dma_wait3A_94] : memref<10000x128xf32, #tpu.memory_space<vmem_shared>> -> memref<80x128xf32, #tpu.memory_space<vmem_shared>>
        %dma_wait3A_96 = arith.constant 0 : i32
        %dma_wait3A_97 = arith.constant 0 : i32
        %dma_wait3A_98 = tpu.memref_slice %arg10[%dma_wait3A_96, %dma_wait3A_97] : memref<125x128xf32, #tpu.memory_space<vmem>> -> memref<80x128xf32, #tpu.memory_space<vmem>>
        %dma_wait3A_99 = arith.constant 0 : i32
        %dma_wait3A_100 = tpu.memref_slice %arg7[%add3A_78, %dma_wait3A_99] : memref<10000x128xf32, #tpu.memory_space<vmem_shared>> -> memref<80x128xf32, #tpu.memory_space<vmem_shared>>
        tpu.wait_dma2 semaphore(%run_scoped3A : memref<!tpu.dma_semaphore, #tpu.memory_space<semaphore_mem>>) src(%dma_wait3A_100 : memref<80x128xf32, #tpu.memory_space<vmem_shared>>) dst(%dma_wait3A_98 : memref<80x128xf32, #tpu.memory_space<vmem>>)
        tpu.yield
      }) : () -> ()
      %mul3A_79 = arith.constant 10000 : i32
      %mul3A_80 = arith.muli %arg0, %mul3A_79 : i32
      %add3A_81 = arith.addi %mul3A_80, %add3A_78 : i32
      "tpu.region"() ({
        %run_scoped3A = tpu.sem_alloc : memref<!tpu.dma_semaphore, #tpu.memory_space<semaphore_mem>>
        %dma_start3A_82 = arith.constant 0 : i32
        %dma_start3A_83 = arith.constant 0 : i32
        %dma_start3A_84 = tpu.memref_slice %arg10[%dma_start3A_82, %dma_start3A_83] : memref<125x128xf32, #tpu.memory_space<vmem>> -> memref<80x128xf32, #tpu.memory_space<vmem>>
        %dma_start3A_85 = arith.constant 0 : i32
        %dma_start3A_86 = tpu.memref_slice %arg6[%add3A_81, %dma_start3A_85] : memref<20000x128xf32, #tpu.memory_space<hbm>> -> memref<80x128xf32, #tpu.memory_space<hbm>>
        %dma_start3A_87 = arith.constant 0 : i32
        %dma_start3A_88 = tpu.memref_slice %arg6[%add3A_81, %dma_start3A_87] : memref<20000x128xf32, #tpu.memory_space<hbm>> -> memref<80x128xf32, #tpu.memory_space<hbm>>
        %dma_start3A_89 = arith.constant 0 : i32
        %dma_start3A_90 = arith.constant 0 : i32
        %dma_start3A_91 = tpu.memref_slice %arg10[%dma_start3A_89, %dma_start3A_90] : memref<125x128xf32, #tpu.memory_space<vmem>> -> memref<80x128xf32, #tpu.memory_space<vmem>>
        tpu.enqueue_dma source(%dma_start3A_91 : memref<80x128xf32, #tpu.memory_space<vmem>>) target(%dma_start3A_88 : memref<80x128xf32, #tpu.memory_space<hbm>>) target_semaphore(%run_scoped3A : memref<!tpu.dma_semaphore, #tpu.memory_space<semaphore_mem>>)
        %dma_wait3A = arith.constant 0 : i32
        %dma_wait3A_92 = arith.constant 0 : i32
        %dma_wait3A_93 = tpu.memref_slice %arg10[%dma_wait3A, %dma_wait3A_92] : memref<125x128xf32, #tpu.memory_space<vmem>> -> memref<80x128xf32, #tpu.memory_space<vmem>>
        %dma_wait3A_94 = arith.constant 0 : i32
        %dma_wait3A_95 = tpu.memref_slice %arg6[%add3A_81, %dma_wait3A_94] : memref<20000x128xf32, #tpu.memory_space<hbm>> -> memref<80x128xf32, #tpu.memory_space<hbm>>
        %dma_wait3A_96 = arith.constant 0 : i32
        %dma_wait3A_97 = tpu.memref_slice %arg6[%add3A_81, %dma_wait3A_96] : memref<20000x128xf32, #tpu.memory_space<hbm>> -> memref<80x128xf32, #tpu.memory_space<hbm>>
        %dma_wait3A_98 = arith.constant 0 : i32
        %dma_wait3A_99 = arith.constant 0 : i32
        %dma_wait3A_100 = tpu.memref_slice %arg10[%dma_wait3A_98, %dma_wait3A_99] : memref<125x128xf32, #tpu.memory_space<vmem>> -> memref<80x128xf32, #tpu.memory_space<vmem>>
        tpu.wait_dma2 semaphore(%run_scoped3A : memref<!tpu.dma_semaphore, #tpu.memory_space<semaphore_mem>>) src(%dma_wait3A_100 : memref<80x128xf32, #tpu.memory_space<vmem>>) dst(%dma_wait3A_97 : memref<80x128xf32, #tpu.memory_space<hbm>>)
        tpu.yield
      }) : () -> ()
    }
    %while3A_72 = arith.constant 1 : i32
    scf.for %while3A_73 = %while3A_70 to %while3A_66 step %while3A_72  : i32 {
      %mul3A_74 = arith.constant 640 : i32
      %mul3A_75 = arith.muli %arg1, %mul3A_74 : i32
      %mul3A_76 = arith.constant 80 : i32
      %mul3A_77 = arith.muli %while3A_73, %mul3A_76 : i32
      %add3A_78 = arith.addi %mul3A_75, %mul3A_77 : i32
      "tpu.region"() ({
        %run_scoped3A = tpu.sem_alloc : memref<!tpu.dma_semaphore, #tpu.memory_space<semaphore_mem>>
        %dma_start3A_82 = arith.constant 0 : i32
        %dma_start3A_83 = arith.constant 0 : i32
        %dma_start3A_84 = tpu.memref_slice %arg10[%dma_start3A_82, %dma_start3A_83] : memref<125x128xf32, #tpu.memory_space<vmem>> -> memref<80x128xf32, #tpu.memory_space<vmem>>
        %dma_start3A_85 = arith.constant 0 : i32
        %dma_start3A_86 = tpu.memref_slice %arg7[%add3A_78, %dma_start3A_85] : memref<10000x128xf32, #tpu.memory_space<vmem_shared>> -> memref<80x128xf32, #tpu.memory_space<vmem_shared>>
        %dma_start3A_87 = arith.constant 0 : i32
        %dma_start3A_88 = arith.constant 0 : i32
        %dma_start3A_89 = tpu.memref_slice %arg10[%dma_start3A_87, %dma_start3A_88] : memref<125x128xf32, #tpu.memory_space<vmem>> -> memref<80x128xf32, #tpu.memory_space<vmem>>
        %dma_start3A_90 = arith.constant 0 : i32
        %dma_start3A_91 = tpu.memref_slice %arg7[%add3A_78, %dma_start3A_90] : memref<10000x128xf32, #tpu.memory_space<vmem_shared>> -> memref<80x128xf32, #tpu.memory_space<vmem_shared>>
        tpu.enqueue_dma source(%dma_start3A_91 : memref<80x128xf32, #tpu.memory_space<vmem_shared>>) target(%dma_start3A_89 : memref<80x128xf32, #tpu.memory_space<vmem>>) target_semaphore(%run_scoped3A : memref<!tpu.dma_semaphore, #tpu.memory_space<semaphore_mem>>)
        %dma_wait3A = arith.constant 0 : i32
        %dma_wait3A_92 = arith.constant 0 : i32
        %dma_wait3A_93 = tpu.memref_slice %arg10[%dma_wait3A, %dma_wait3A_92] : memref<125x128xf32, #tpu.memory_space<vmem>> -> memref<80x128xf32, #tpu.memory_space<vmem>>
        %dma_wait3A_94 = arith.constant 0 : i32
        %dma_wait3A_95 = tpu.memref_slice %arg7[%add3A_78, %dma_wait3A_94] : memref<10000x128xf32, #tpu.memory_space<vmem_shared>> -> memref<80x128xf32, #tpu.memory_space<vmem_shared>>
        %dma_wait3A_96 = arith.constant 0 : i32
        %dma_wait3A_97 = arith.constant 0 : i32
        %dma_wait3A_98 = tpu.memref_slice %arg10[%dma_wait3A_96, %dma_wait3A_97] : memref<125x128xf32, #tpu.memory_space<vmem>> -> memref<80x128xf32, #tpu.memory_space<vmem>>
        %dma_wait3A_99 = arith.constant 0 : i32
        %dma_wait3A_100 = tpu.memref_slice %arg7[%add3A_78, %dma_wait3A_99] : memref<10000x128xf32, #tpu.memory_space<vmem_shared>> -> memref<80x128xf32, #tpu.memory_space<vmem_shared>>
        tpu.wait_dma2 semaphore(%run_scoped3A : memref<!tpu.dma_semaphore, #tpu.memory_space<semaphore_mem>>) src(%dma_wait3A_100 : memref<80x128xf32, #tpu.memory_space<vmem_shared>>) dst(%dma_wait3A_98 : memref<80x128xf32, #tpu.memory_space<vmem>>)
        tpu.yield
      }) : () -> ()
      %mul3A_79 = arith.constant 10000 : i32
      %mul3A_80 = arith.muli %arg0, %mul3A_79 : i32
      %add3A_81 = arith.addi %mul3A_80, %add3A_78 : i32
      "tpu.region"() ({
        %run_scoped3A = tpu.sem_alloc : memref<!tpu.dma_semaphore, #tpu.memory_space<semaphore_mem>>
        %dma_start3A_82 = arith.constant 0 : i32
        %dma_start3A_83 = arith.constant 0 : i32
        %dma_start3A_84 = tpu.memref_slice %arg10[%dma_start3A_82, %dma_start3A_83] : memref<125x128xf32, #tpu.memory_space<vmem>> -> memref<80x128xf32, #tpu.memory_space<vmem>>
        %dma_start3A_85 = arith.constant 0 : i32
        %dma_start3A_86 = tpu.memref_slice %arg6[%add3A_81, %dma_start3A_85] : memref<20000x128xf32, #tpu.memory_space<hbm>> -> memref<80x128xf32, #tpu.memory_space<hbm>>
        %dma_start3A_87 = arith.constant 0 : i32
        %dma_start3A_88 = tpu.memref_slice %arg6[%add3A_81, %dma_start3A_87] : memref<20000x128xf32, #tpu.memory_space<hbm>> -> memref<80x128xf32, #tpu.memory_space<hbm>>
        %dma_start3A_89 = arith.constant 0 : i32
        %dma_start3A_90 = arith.constant 0 : i32
        %dma_start3A_91 = tpu.memref_slice %arg10[%dma_start3A_89, %dma_start3A_90] : memref<125x128xf32, #tpu.memory_space<vmem>> -> memref<80x128xf32, #tpu.memory_space<vmem>>
        tpu.enqueue_dma source(%dma_start3A_91 : memref<80x128xf32, #tpu.memory_space<vmem>>) target(%dma_start3A_88 : memref<80x128xf32, #tpu.memory_space<hbm>>) target_semaphore(%run_scoped3A : memref<!tpu.dma_semaphore, #tpu.memory_space<semaphore_mem>>)
        %dma_wait3A = arith.constant 0 : i32
        %dma_wait3A_92 = arith.constant 0 : i32
        %dma_wait3A_93 = tpu.memref_slice %arg10[%dma_wait3A, %dma_wait3A_92] : memref<125x128xf32, #tpu.memory_space<vmem>> -> memref<80x128xf32, #tpu.memory_space<vmem>>
        %dma_wait3A_94 = arith.constant 0 : i32
        %dma_wait3A_95 = tpu.memref_slice %arg6[%add3A_81, %dma_wait3A_94] : memref<20000x128xf32, #tpu.memory_space<hbm>> -> memref<80x128xf32, #tpu.memory_space<hbm>>
        %dma_wait3A_96 = arith.constant 0 : i32
        %dma_wait3A_97 = tpu.memref_slice %arg6[%add3A_81, %dma_wait3A_96] : memref<20000x128xf32, #tpu.memory_space<hbm>> -> memref<80x128xf32, #tpu.memory_space<hbm>>
        %dma_wait3A_98 = arith.constant 0 : i32
        %dma_wait3A_99 = arith.constant 0 : i32
        %dma_wait3A_100 = tpu.memref_slice %arg10[%dma_wait3A_98, %dma_wait3A_99] : memref<125x128xf32, #tpu.memory_space<vmem>> -> memref<80x128xf32, #tpu.memory_space<vmem>>
        tpu.wait_dma2 semaphore(%run_scoped3A : memref<!tpu.dma_semaphore, #tpu.memory_space<semaphore_mem>>) src(%dma_wait3A_100 : memref<80x128xf32, #tpu.memory_space<vmem>>) dst(%dma_wait3A_97 : memref<80x128xf32, #tpu.memory_space<hbm>>)
        tpu.yield
      }) : () -> ()
    }
    return
  }
}

module attributes {stable_mosaic.version = 14 : i64} {
  func.func @_k2_body(%arg0: i32, %arg1: memref<1000x128xf32, #tpu.memory_space<vmem>>, %arg2: memref<128x128xf32, #tpu.memory_space<vmem>>, %arg3: memref<1000x128xf32, #tpu.memory_space<vmem>>, %arg4: memref<1000x128xf32, #tpu.memory_space<vmem>>, %arg5: memref<1000x128xf32, #tpu.memory_space<vmem>>) attributes {dimension_semantics = [#tpu.dimension_semantics<arbitrary>], iteration_bounds = array<i64: 10>, scalar_prefetch = 0 : i64, scratch_operands = 0 : i64, tpu.core_type = #tpu.core_type<tc>, window_params = [{transform_indices = @transform_0, window_bounds = array<i64: 1000, 128>}, {pipeline_mode = #tpu.pipeline_mode<synchronous>, transform_indices = @transform_1, window_bounds = array<i64: 128, 128>}, {transform_indices = @transform_2, window_bounds = array<i64: 1000, 128>}, {transform_indices = @transform_3, window_bounds = array<i64: 1000, 128>}, {transform_indices = @transform_4, window_bounds = array<i64: 1000, 128>}]} {
    %get3A = arith.constant 0 : index
    %get3A_0 = arith.constant 0 : index
    %get3A_1 = vector.load %arg3[%get3A, %get3A_0] : memref<1000x128xf32, #tpu.memory_space<vmem>>, vector<1000x128xf32>
    %get3A_2 = arith.constant 0 : index
    %get3A_3 = arith.constant 0 : index
    %get3A_4 = vector.load %arg4[%get3A_2, %get3A_3] : memref<1000x128xf32, #tpu.memory_space<vmem>>, vector<1000x128xf32>
    %slice3A = vector.extract_strided_slice %get3A_1 {offsets = [0, 0], sizes = [1000, 1], strides = [1, 1]} : vector<1000x128xf32> to vector<1000x1xf32>
    %slice3A_5 = vector.extract_strided_slice %get3A_4 {offsets = [0, 0], sizes = [1000, 1], strides = [1, 1]} : vector<1000x128xf32> to vector<1000x1xf32>
    %add3A = arith.addf %slice3A, %slice3A_5 : vector<1000x1xf32>
    %add3A_6 = arith.constant 1.000000e+00 : f32
    %add3A_7 = vector.broadcast %add3A_6 : f32 to vector<1000x1xf32>
    %add3A_8 = arith.addf %add3A, %add3A_7 : vector<1000x1xf32>
    %rsqrt3A = math.rsqrt %add3A_8 : vector<1000x1xf32>
    %get3A_9 = arith.constant 0 : index
    %get3A_10 = arith.constant 0 : index
    %get3A_11 = vector.load %arg1[%get3A_9, %get3A_10] : memref<1000x128xf32, #tpu.memory_space<vmem>>, vector<1000x128xf32>
    %get3A_12 = arith.constant 0 : index
    %get3A_13 = arith.constant 0 : index
    %get3A_14 = vector.load %arg2[%get3A_12, %get3A_13] : memref<128x128xf32, #tpu.memory_space<vmem>>, vector<128x128xf32>
    %dot_general3A = arith.constant dense<0.000000e+00> : vector<1000x128xf32>
    %dot_general3A_15 = tpu.matmul %get3A_11, %get3A_14, %dot_general3A {dimension_numbers = #tpu.dot_dimension_numbers<[1], [0], [0], [1], [0, 0, 1, 1], [], []>, transpose_lhs_hint = false} : vector<1000x128xf32>, vector<128x128xf32>, vector<1000x128xf32> -> vector<1000x128xf32>
    %mul3A = vector.broadcast %rsqrt3A : vector<1000x1xf32> to vector<1000x128xf32>
    %mul3A_16 = arith.mulf %mul3A, %dot_general3A_15 : vector<1000x128xf32>
    %swap3A = arith.constant 0 : index
    %swap3A_17 = arith.constant 0 : index
    %swap3A_18 = vector.load %arg5[%swap3A, %swap3A_17] : memref<1000x128xf32, #tpu.memory_space<vmem>>, vector<1000x128xf32>
    tpu.vector_store %arg5[%swap3A, %swap3A_17], %mul3A_16 {strides = array<i32>} : memref<1000x128xf32, #tpu.memory_space<vmem>>, vector<1000x128xf32>,
    return
  }
  func.func @transform_0(%arg0: i32) -> (i32, i32) {
    %c0_i32 = arith.constant 0 : i32
    %c0_i32_0 = arith.constant 0 : i32
    return %arg0, %c0_i32 : i32, i32
  }
  func.func @transform_1(%arg0: i32) -> (i32, i32) {
    %c0_i32 = arith.constant 0 : i32
    %c0_i32_0 = arith.constant 0 : i32
    %c0_i32_1 = arith.constant 0 : i32
    return %c0_i32, %c0_i32_0 : i32, i32
  }
  func.func @transform_2(%arg0: i32) -> (i32, i32) {
    %c0_i32 = arith.constant 0 : i32
    %c0_i32_0 = arith.constant 0 : i32
    return %arg0, %c0_i32 : i32, i32
  }
  func.func @transform_3(%arg0: i32) -> (i32, i32) {
    %add3A = arith.constant 10 : i32
    %add3A_0 = arith.addi %arg0, %add3A : i32
    %c0_i32 = arith.constant 0 : i32
    %c0_i32_1 = arith.constant 0 : i32
    return %add3A_0, %c0_i32 : i32, i32
  }
  func.func @transform_4(%arg0: i32) -> (i32, i32) {
    %c0_i32 = arith.constant 0 : i32
    %c0_i32_0 = arith.constant 0 : i32
    return %arg0, %c0_i32 : i32, i32
  }
}

module attributes {stable_mosaic.version = 14 : i64} {
  func.func @_k4_body(%arg0: i32, %arg1: memref<1000x128xf32, #tpu.memory_space<vmem>>, %arg2: memref<1000x128xf32, #tpu.memory_space<vmem>>, %arg3: memref<1000x128xf32, #tpu.memory_space<vmem>>, %arg4: memref<1000x128xf32, #tpu.memory_space<vmem>>, %arg5: memref<1000x128xf32, #tpu.memory_space<vmem>>, %arg6: memref<1x128xf32, #tpu.memory_space<vmem>>, %arg7: memref<128x128xf32, #tpu.memory_space<vmem>>, %arg8: memref<1000x128xf32, #tpu.memory_space<vmem>>, %arg9: memref<1x128xf32, #tpu.memory_space<vmem>>) attributes {dimension_semantics = [#tpu.dimension_semantics<arbitrary>], iteration_bounds = array<i64: 10>, scalar_prefetch = 0 : i64, scratch_operands = 0 : i64, tpu.core_type = #tpu.core_type<tc>, window_params = [{transform_indices = @transform_0, window_bounds = array<i64: 1000, 128>}, {transform_indices = @transform_1, window_bounds = array<i64: 1000, 128>}, {transform_indices = @transform_2, window_bounds = array<i64: 1000, 128>}, {transform_indices = @transform_3, window_bounds = array<i64: 1000, 128>}, {transform_indices = @transform_4, window_bounds = array<i64: 1000, 128>}, {pipeline_mode = #tpu.pipeline_mode<synchronous>, transform_indices = @transform_5, window_bounds = array<i64: 1, 128>}, {pipeline_mode = #tpu.pipeline_mode<synchronous>, transform_indices = @transform_6, window_bounds = array<i64: 128, 128>}, {transform_indices = @transform_7, window_bounds = array<i64: 1000, 128>}, {pipeline_mode = #tpu.pipeline_mode<synchronous>, transform_indices = @transform_8, window_bounds = array<i64: 1, 128>}]} {
    %get3A = arith.constant 0 : index
    %get3A_0 = arith.constant 0 : index
    %get3A_1 = vector.load %arg4[%get3A, %get3A_0] : memref<1000x128xf32, #tpu.memory_space<vmem>>, vector<1000x128xf32>
    %get3A_2 = arith.constant 0 : index
    %get3A_3 = arith.constant 0 : index
    %get3A_4 = vector.load %arg5[%get3A_2, %get3A_3] : memref<1000x128xf32, #tpu.memory_space<vmem>>, vector<1000x128xf32>
    %slice3A = vector.extract_strided_slice %get3A_1 {offsets = [0, 0], sizes = [1000, 1], strides = [1, 1]} : vector<1000x128xf32> to vector<1000x1xf32>
    %slice3A_5 = vector.extract_strided_slice %get3A_4 {offsets = [0, 0], sizes = [1000, 1], strides = [1, 1]} : vector<1000x128xf32> to vector<1000x1xf32>
    %add3A = arith.addf %slice3A, %slice3A_5 : vector<1000x1xf32>
    %add3A_6 = arith.constant 1.000000e+00 : f32
    %add3A_7 = vector.broadcast %add3A_6 : f32 to vector<1000x1xf32>
    %add3A_8 = arith.addf %add3A, %add3A_7 : vector<1000x1xf32>
    %rsqrt3A = math.rsqrt %add3A_8 : vector<1000x1xf32>
    %get3A_9 = arith.constant 0 : index
    %get3A_10 = arith.constant 0 : index
    %get3A_11 = vector.load %arg1[%get3A_9, %get3A_10] : memref<1000x128xf32, #tpu.memory_space<vmem>>, vector<1000x128xf32>
    %get3A_12 = arith.constant 0 : index
    %get3A_13 = arith.constant 0 : index
    %get3A_14 = vector.load %arg2[%get3A_12, %get3A_13] : memref<1000x128xf32, #tpu.memory_space<vmem>>, vector<1000x128xf32>
    %add3A_15 = arith.addf %get3A_11, %get3A_14 : vector<1000x128xf32>
    %get3A_16 = arith.constant 0 : index
    %get3A_17 = arith.constant 0 : index
    %get3A_18 = vector.load %arg3[%get3A_16, %get3A_17] : memref<1000x128xf32, #tpu.memory_space<vmem>>, vector<1000x128xf32>
    %add3A_19 = arith.addf %add3A_15, %get3A_18 : vector<1000x128xf32>
    %mul3A = vector.broadcast %rsqrt3A : vector<1000x1xf32> to vector<1000x128xf32>
    %mul3A_20 = arith.mulf %mul3A, %add3A_19 : vector<1000x128xf32>
    %get3A_21 = arith.constant 0 : index
    %get3A_22 = arith.constant 0 : index
    %get3A_23 = vector.load %arg6[%get3A_21, %get3A_22] : memref<1x128xf32, #tpu.memory_space<vmem>>, vector<1x128xf32>
    %add3A_24 = vector.broadcast %get3A_23 : vector<1x128xf32> to vector<1000x128xf32>
    %add3A_25 = arith.addf %mul3A_20, %add3A_24 : vector<1000x128xf32>
    %max3A = arith.constant 0.000000e+00 : f32
    %max3A_26 = vector.broadcast %max3A : f32 to vector<1000x128xf32>
    %max3A_27 = arith.maximumf %add3A_25, %max3A_26 : vector<1000x128xf32>
    %reduce_sum3A = arith.constant dense<0.000000e+00> : vector<128xf32>
    %reduce_sum3A_28 = vector.multi_reduction <add>, %max3A_27, %reduce_sum3A [0] : vector<1000x128xf32> to vector<128xf32>
    %broadcast_in_dim3A = vector.shape_cast %reduce_sum3A_28 : vector<128xf32> to vector<1x128xf32>
    %eq3A = arith.constant 0 : i32
    %eq3A_29 = arith.cmpi eq, %arg0, %eq3A : i32
    %convert_element_type3A = arith.extui %eq3A_29 : i1 to i32
    %cond3A = arith.constant 0 : i32
    %cond3A_30 = arith.cmpi ne, %convert_element_type3A, %cond3A : i32
    scf.if %cond3A_30 {
      %swap3A_43 = arith.constant 0 : index
      %swap3A_44 = arith.constant 0 : index
      %swap3A_45 = vector.load %arg9[%swap3A_43, %swap3A_44] : memref<1x128xf32, #tpu.memory_space<vmem>>, vector<1x128xf32>
      tpu.vector_store %arg9[%swap3A_43, %swap3A_44], %broadcast_in_dim3A {strides = array<i32>} : memref<1x128xf32, #tpu.memory_space<vmem>>, vector<1x128xf32>,
    } else {
    }
    %gt3A = arith.constant 0 : i32
    %gt3A_31 = arith.cmpi sgt, %arg0, %gt3A : i32
    %convert_element_type3A_32 = arith.extui %gt3A_31 : i1 to i32
    %cond3A_33 = arith.constant 0 : i32
    %cond3A_34 = arith.cmpi ne, %convert_element_type3A_32, %cond3A_33 : i32
    scf.if %cond3A_34 {
      %get3A_43 = arith.constant 0 : index
      %get3A_44 = arith.constant 0 : index
      %get3A_45 = vector.load %arg9[%get3A_43, %get3A_44] : memref<1x128xf32, #tpu.memory_space<vmem>>, vector<1x128xf32>
      %add3A_46 = arith.addf %get3A_45, %broadcast_in_dim3A : vector<1x128xf32>
      %swap3A_47 = arith.constant 0 : index
      %swap3A_48 = arith.constant 0 : index
      %swap3A_49 = vector.load %arg9[%swap3A_47, %swap3A_48] : memref<1x128xf32, #tpu.memory_space<vmem>>, vector<1x128xf32>
      tpu.vector_store %arg9[%swap3A_47, %swap3A_48], %add3A_46 {strides = array<i32>} : memref<1x128xf32, #tpu.memory_space<vmem>>, vector<1x128xf32>,
    } else {
    }
    %get3A_35 = arith.constant 0 : index
    %get3A_36 = arith.constant 0 : index
    %get3A_37 = vector.load %arg7[%get3A_35, %get3A_36] : memref<128x128xf32, #tpu.memory_space<vmem>>, vector<128x128xf32>
    %dot_general3A = arith.constant dense<0.000000e+00> : vector<1000x128xf32>
    %dot_general3A_38 = tpu.matmul %max3A_27, %get3A_37, %dot_general3A {dimension_numbers = #tpu.dot_dimension_numbers<[1], [0], [0], [1], [0, 0, 1, 1], [], []>, transpose_lhs_hint = false} : vector<1000x128xf32>, vector<128x128xf32>, vector<1000x128xf32> -> vector<1000x128xf32>
    %mul3A_39 = vector.broadcast %rsqrt3A : vector<1000x1xf32> to vector<1000x128xf32>
    %mul3A_40 = arith.mulf %mul3A_39, %dot_general3A_38 : vector<1000x128xf32>
    %swap3A = arith.constant 0 : index
    %swap3A_41 = arith.constant 0 : index
    %swap3A_42 = vector.load %arg8[%swap3A, %swap3A_41] : memref<1000x128xf32, #tpu.memory_space<vmem>>, vector<1000x128xf32>
    tpu.vector_store %arg8[%swap3A, %swap3A_41], %mul3A_40 {strides = array<i32>} : memref<1000x128xf32, #tpu.memory_space<vmem>>, vector<1000x128xf32>,
    return
  }
  func.func @transform_0(%arg0: i32) -> (i32, i32) {
    %c0_i32 = arith.constant 0 : i32
    %c0_i32_0 = arith.constant 0 : i32
    return %arg0, %c0_i32 : i32, i32
  }
  func.func @transform_1(%arg0: i32) -> (i32, i32) {
    %add3A = arith.constant 10 : i32
    %add3A_0 = arith.addi %arg0, %add3A : i32
    %c0_i32 = arith.constant 0 : i32
    %c0_i32_1 = arith.constant 0 : i32
    return %add3A_0, %c0_i32 : i32, i32
  }
  func.func @transform_2(%arg0: i32) -> (i32, i32) {
    %c0_i32 = arith.constant 0 : i32
    %c0_i32_0 = arith.constant 0 : i32
    return %arg0, %c0_i32 : i32, i32
  }
  func.func @transform_3(%arg0: i32) -> (i32, i32) {
    %c0_i32 = arith.constant 0 : i32
    %c0_i32_0 = arith.constant 0 : i32
    return %arg0, %c0_i32 : i32, i32
  }
  func.func @transform_4(%arg0: i32) -> (i32, i32) {
    %add3A = arith.constant 10 : i32
    %add3A_0 = arith.addi %arg0, %add3A : i32
    %c0_i32 = arith.constant 0 : i32
    %c0_i32_1 = arith.constant 0 : i32
    return %add3A_0, %c0_i32 : i32, i32
  }
  func.func @transform_5(%arg0: i32) -> (i32, i32) {
    %c0_i32 = arith.constant 0 : i32
    %c0_i32_0 = arith.constant 0 : i32
    %c0_i32_1 = arith.constant 0 : i32
    return %c0_i32, %c0_i32_0 : i32, i32
  }
  func.func @transform_6(%arg0: i32) -> (i32, i32) {
    %c0_i32 = arith.constant 0 : i32
    %c0_i32_0 = arith.constant 0 : i32
    %c0_i32_1 = arith.constant 0 : i32
    return %c0_i32, %c0_i32_0 : i32, i32
  }
  func.func @transform_7(%arg0: i32) -> (i32, i32) {
    %c0_i32 = arith.constant 0 : i32
    %c0_i32_0 = arith.constant 0 : i32
    return %arg0, %c0_i32 : i32, i32
  }
  func.func @transform_8(%arg0: i32) -> (i32, i32) {
    %c0_i32 = arith.constant 0 : i32
    %c0_i32_0 = arith.constant 0 : i32
    %c0_i32_1 = arith.constant 0 : i32
    return %c0_i32, %c0_i32_0 : i32, i32
  }
}

module attributes {stable_mosaic.version = 14 : i64} {
  func.func @_k6_body(%arg0: i32, %arg1: memref<1000x128xf32, #tpu.memory_space<vmem>>, %arg2: memref<1000x128xf32, #tpu.memory_space<vmem>>, %arg3: memref<1000x128xf32, #tpu.memory_space<vmem>>, %arg4: memref<1000x128xf32, #tpu.memory_space<vmem>>, %arg5: memref<1000x128xf32, #tpu.memory_space<vmem>>, %arg6: memref<1x128xf32, #tpu.memory_space<vmem>>, %arg7: memref<1x128xf32, #tpu.memory_space<vmem>>, %arg8: memref<256x128xf32, #tpu.memory_space<vmem>>, %arg9: memref<1x128xf32, #tpu.memory_space<vmem>>, %arg10: memref<128x40xf32, #tpu.memory_space<vmem>>, %arg11: memref<1x40xf32, #tpu.memory_space<vmem>>, %arg12: memref<1x40xf32, #tpu.memory_space<vmem>>, %arg13: memref<1x128xf32, #tpu.memory_space<vmem>>) attributes {dimension_semantics = [#tpu.dimension_semantics<arbitrary>], iteration_bounds = array<i64: 10>, scalar_prefetch = 0 : i64, scratch_operands = 1 : i64, tpu.core_type = #tpu.core_type<tc>, window_params = [{transform_indices = @transform_0, window_bounds = array<i64: 1000, 128>}, {transform_indices = @transform_1, window_bounds = array<i64: 1000, 128>}, {transform_indices = @transform_2, window_bounds = array<i64: 1000, 128>}, {transform_indices = @transform_3, window_bounds = array<i64: 1000, 128>}, {transform_indices = @transform_4, window_bounds = array<i64: 1000, 128>}, {pipeline_mode = #tpu.pipeline_mode<synchronous>, transform_indices = @transform_5, window_bounds = array<i64: 1, 128>}, {pipeline_mode = #tpu.pipeline_mode<synchronous>, transform_indices = @transform_6, window_bounds = array<i64: 1, 128>}, {pipeline_mode = #tpu.pipeline_mode<synchronous>, transform_indices = @transform_7, window_bounds = array<i64: 256, 128>}, {pipeline_mode = #tpu.pipeline_mode<synchronous>, transform_indices = @transform_8, window_bounds = array<i64: 1, 128>}, {pipeline_mode = #tpu.pipeline_mode<synchronous>, transform_indices = @transform_9, window_bounds = array<i64: 128, 40>}, {pipeline_mode = #tpu.pipeline_mode<synchronous>, transform_indices = @transform_10, window_bounds = array<i64: 1, 40>}, {pipeline_mode = #tpu.pipeline_mode<synchronous>, transform_indices = @transform_11, window_bounds = array<i64: 1, 40>}]} {
    %get3A = arith.constant 0 : index
    %get3A_0 = arith.constant 0 : index
    %get3A_1 = vector.load %arg4[%get3A, %get3A_0] : memref<1000x128xf32, #tpu.memory_space<vmem>>, vector<1000x128xf32>
    %get3A_2 = arith.constant 0 : index
    %get3A_3 = arith.constant 0 : index
    %get3A_4 = vector.load %arg5[%get3A_2, %get3A_3] : memref<1000x128xf32, #tpu.memory_space<vmem>>, vector<1000x128xf32>
    %slice3A = vector.extract_strided_slice %get3A_1 {offsets = [0, 0], sizes = [1000, 1], strides = [1, 1]} : vector<1000x128xf32> to vector<1000x1xf32>
    %slice3A_5 = vector.extract_strided_slice %get3A_4 {offsets = [0, 0], sizes = [1000, 1], strides = [1, 1]} : vector<1000x128xf32> to vector<1000x1xf32>
    %add3A = arith.addf %slice3A, %slice3A_5 : vector<1000x1xf32>
    %add3A_6 = arith.constant 1.000000e+00 : f32
    %add3A_7 = vector.broadcast %add3A_6 : f32 to vector<1000x1xf32>
    %add3A_8 = arith.addf %add3A, %add3A_7 : vector<1000x1xf32>
    %rsqrt3A = math.rsqrt %add3A_8 : vector<1000x1xf32>
    %get3A_9 = arith.constant 0 : index
    %get3A_10 = arith.constant 0 : index
    %get3A_11 = vector.load %arg1[%get3A_9, %get3A_10] : memref<1000x128xf32, #tpu.memory_space<vmem>>, vector<1000x128xf32>
    %get3A_12 = arith.constant 0 : index
    %get3A_13 = arith.constant 0 : index
    %get3A_14 = vector.load %arg2[%get3A_12, %get3A_13] : memref<1000x128xf32, #tpu.memory_space<vmem>>, vector<1000x128xf32>
    %add3A_15 = arith.addf %get3A_11, %get3A_14 : vector<1000x128xf32>
    %get3A_16 = arith.constant 0 : index
    %get3A_17 = arith.constant 0 : index
    %get3A_18 = vector.load %arg3[%get3A_16, %get3A_17] : memref<1000x128xf32, #tpu.memory_space<vmem>>, vector<1000x128xf32>
    %add3A_19 = arith.addf %add3A_15, %get3A_18 : vector<1000x128xf32>
    %mul3A = vector.broadcast %rsqrt3A : vector<1000x1xf32> to vector<1000x128xf32>
    %mul3A_20 = arith.mulf %mul3A, %add3A_19 : vector<1000x128xf32>
    %get3A_21 = arith.constant 0 : index
    %get3A_22 = arith.constant 0 : index
    %get3A_23 = vector.load %arg6[%get3A_21, %get3A_22] : memref<1x128xf32, #tpu.memory_space<vmem>>, vector<1x128xf32>
    %add3A_24 = vector.broadcast %get3A_23 : vector<1x128xf32> to vector<1000x128xf32>
    %add3A_25 = arith.addf %mul3A_20, %add3A_24 : vector<1000x128xf32>
    %max3A = arith.constant 0.000000e+00 : f32
    %max3A_26 = vector.broadcast %max3A : f32 to vector<1000x128xf32>
    %max3A_27 = arith.maximumf %add3A_25, %max3A_26 : vector<1000x128xf32>
    %reduce_sum3A = arith.constant dense<0.000000e+00> : vector<128xf32>
    %reduce_sum3A_28 = vector.multi_reduction <add>, %max3A_27, %reduce_sum3A [0] : vector<1000x128xf32> to vector<128xf32>
    %broadcast_in_dim3A = vector.shape_cast %reduce_sum3A_28 : vector<128xf32> to vector<1x128xf32>
    %eq3A = arith.constant 0 : i32
    %eq3A_29 = arith.cmpi eq, %arg0, %eq3A : i32
    %convert_element_type3A = arith.extui %eq3A_29 : i1 to i32
    %cond3A = arith.constant 0 : i32
    %cond3A_30 = arith.cmpi ne, %convert_element_type3A, %cond3A : i32
    scf.if %cond3A_30 {
      %swap3A = arith.constant 0 : index
      %swap3A_40 = arith.constant 0 : index
      %swap3A_41 = vector.load %arg13[%swap3A, %swap3A_40] : memref<1x128xf32, #tpu.memory_space<vmem>>, vector<1x128xf32>
      tpu.vector_store %arg13[%swap3A, %swap3A_40], %broadcast_in_dim3A {strides = array<i32>} : memref<1x128xf32, #tpu.memory_space<vmem>>, vector<1x128xf32>,
    } else {
    }
    %gt3A = arith.constant 0 : i32
    %gt3A_31 = arith.cmpi sgt, %arg0, %gt3A : i32
    %convert_element_type3A_32 = arith.extui %gt3A_31 : i1 to i32
    %cond3A_33 = arith.constant 0 : i32
    %cond3A_34 = arith.cmpi ne, %convert_element_type3A_32, %cond3A_33 : i32
    scf.if %cond3A_34 {
      %get3A_40 = arith.constant 0 : index
      %get3A_41 = arith.constant 0 : index
      %get3A_42 = vector.load %arg13[%get3A_40, %get3A_41] : memref<1x128xf32, #tpu.memory_space<vmem>>, vector<1x128xf32>
      %add3A_43 = arith.addf %get3A_42, %broadcast_in_dim3A : vector<1x128xf32>
      %swap3A = arith.constant 0 : index
      %swap3A_44 = arith.constant 0 : index
      %swap3A_45 = vector.load %arg13[%swap3A, %swap3A_44] : memref<1x128xf32, #tpu.memory_space<vmem>>, vector<1x128xf32>
      tpu.vector_store %arg13[%swap3A, %swap3A_44], %add3A_43 {strides = array<i32>} : memref<1x128xf32, #tpu.memory_space<vmem>>, vector<1x128xf32>,
    } else {
    }
    %eq3A_35 = arith.constant 9 : i32
    %eq3A_36 = arith.cmpi eq, %arg0, %eq3A_35 : i32
    %convert_element_type3A_37 = arith.extui %eq3A_36 : i1 to i32
    %cond3A_38 = arith.constant 0 : i32
    %cond3A_39 = arith.cmpi ne, %convert_element_type3A_37, %cond3A_38 : i32
    scf.if %cond3A_39 {
      %get3A_40 = arith.constant 0 : index
      %get3A_41 = arith.constant 0 : index
      %get3A_42 = vector.load %arg7[%get3A_40, %get3A_41] : memref<1x128xf32, #tpu.memory_space<vmem>>, vector<1x128xf32>
      %mul3A_43 = arith.constant 9.99999974E-5 : f32
      %mul3A_44 = vector.broadcast %mul3A_43 : f32 to vector<1x128xf32>
      %mul3A_45 = arith.mulf %get3A_42, %mul3A_44 : vector<1x128xf32>
      %get3A_46 = arith.constant 0 : index
      %get3A_47 = arith.constant 0 : index
      %get3A_48 = vector.load %arg13[%get3A_46, %get3A_47] : memref<1x128xf32, #tpu.memory_space<vmem>>, vector<1x128xf32>
      %mul3A_49 = arith.constant 9.99999974E-5 : f32
      %mul3A_50 = vector.broadcast %mul3A_49 : f32 to vector<1x128xf32>
      %mul3A_51 = arith.mulf %get3A_48, %mul3A_50 : vector<1x128xf32>
      %get3A_52 = arith.constant 0 : index
      %get3A_53 = arith.constant 0 : index
      %get3A_54 = vector.load %arg8[%get3A_52, %get3A_53] : memref<256x128xf32, #tpu.memory_space<vmem>>, vector<128x128xf32>
      %dot_general3A = arith.constant dense<0.000000e+00> : vector<1x128xf32>
      %dot_general3A_55 = tpu.matmul %mul3A_45, %get3A_54, %dot_general3A {dimension_numbers = #tpu.dot_dimension_numbers<[1], [0], [0], [1], [0, 0, 1, 1], [], []>, transpose_lhs_hint = false} : vector<1x128xf32>, vector<128x128xf32>, vector<1x128xf32> -> vector<1x128xf32>
      %get3A_56 = arith.constant 128 : index
      %get3A_57 = arith.constant 0 : index
      %get3A_58 = vector.load %arg8[%get3A_56, %get3A_57] : memref<256x128xf32, #tpu.memory_space<vmem>>, vector<128x128xf32>
      %dot_general3A_59 = arith.constant dense<0.000000e+00> : vector<1x128xf32>
      %dot_general3A_60 = tpu.matmul %mul3A_51, %get3A_58, %dot_general3A_59 {dimension_numbers = #tpu.dot_dimension_numbers<[1], [0], [0], [1], [0, 0, 1, 1], [], []>, transpose_lhs_hint = false} : vector<1x128xf32>, vector<128x128xf32>, vector<1x128xf32> -> vector<1x128xf32>
      %add3A_61 = arith.addf %dot_general3A_55, %dot_general3A_60 : vector<1x128xf32>
      %get3A_62 = arith.constant 0 : index
      %get3A_63 = arith.constant 0 : index
      %get3A_64 = vector.load %arg9[%get3A_62, %get3A_63] : memref<1x128xf32, #tpu.memory_space<vmem>>, vector<1x128xf32>
      %add3A_65 = arith.addf %add3A_61, %get3A_64 : vector<1x128xf32>
      %get3A_66 = arith.constant 0 : index
      %get3A_67 = arith.constant 0 : index
      %get3A_68 = vector.load %arg10[%get3A_66, %get3A_67] : memref<128x40xf32, #tpu.memory_space<vmem>>, vector<128x40xf32>
      %dot_general3A_69 = arith.constant dense<0.000000e+00> : vector<1x40xf32>
      %dot_general3A_70 = tpu.matmul %add3A_65, %get3A_68, %dot_general3A_69 {dimension_numbers = #tpu.dot_dimension_numbers<[1], [0], [0], [1], [0, 0, 1, 1], [], []>, transpose_lhs_hint = false} : vector<1x128xf32>, vector<128x40xf32>, vector<1x40xf32> -> vector<1x40xf32>
      %get3A_71 = arith.constant 0 : index
      %get3A_72 = arith.constant 0 : index
      %get3A_73 = vector.load %arg11[%get3A_71, %get3A_72] : memref<1x40xf32, #tpu.memory_space<vmem>>, vector<1x40xf32>
      %add3A_74 = arith.addf %dot_general3A_70, %get3A_73 : vector<1x40xf32>
      %reduce_max3A = arith.constant dense<0xFF800000> : vector<1xf32>
      %reduce_max3A_75 = vector.multi_reduction <maximumf>, %add3A_74, %reduce_max3A [1] : vector<1x40xf32> to vector<1xf32>
      %broadcast_in_dim3A_76 = vector.shape_cast %reduce_max3A_75 : vector<1xf32> to vector<1x1xf32>
      %sub3A = vector.broadcast %broadcast_in_dim3A_76 : vector<1x1xf32> to vector<1x40xf32>
      %sub3A_77 = arith.subf %add3A_74, %sub3A : vector<1x40xf32>
      %exp3A = math.exp %sub3A_77 : vector<1x40xf32>
      %reduce_sum3A_78 = arith.constant dense<0.000000e+00> : vector<1xf32>
      %reduce_sum3A_79 = vector.multi_reduction <add>, %exp3A, %reduce_sum3A_78 [1] : vector<1x40xf32> to vector<1xf32>
      %broadcast_in_dim3A_80 = vector.shape_cast %reduce_sum3A_79 : vector<1xf32> to vector<1x1xf32>
      %div3A = vector.broadcast %broadcast_in_dim3A_80 : vector<1x1xf32> to vector<1x40xf32>
      %div3A_81 = arith.divf %exp3A, %div3A : vector<1x40xf32>
      %swap3A = arith.constant 0 : index
      %swap3A_82 = arith.constant 0 : index
      %swap3A_83 = vector.load %arg12[%swap3A, %swap3A_82] : memref<1x40xf32, #tpu.memory_space<vmem>>, vector<1x40xf32>
      tpu.vector_store %arg12[%swap3A, %swap3A_82], %div3A_81 {strides = array<i32>} : memref<1x40xf32, #tpu.memory_space<vmem>>, vector<1x40xf32>,
    } else {
    }
    return
  }
  func.func @transform_0(%arg0: i32) -> (i32, i32) {
    %c0_i32 = arith.constant 0 : i32
    %c0_i32_0 = arith.constant 0 : i32
    return %arg0, %c0_i32 : i32, i32
  }
  func.func @transform_1(%arg0: i32) -> (i32, i32) {
    %add3A = arith.constant 10 : i32
    %add3A_0 = arith.addi %arg0, %add3A : i32
    %c0_i32 = arith.constant 0 : i32
    %c0_i32_1 = arith.constant 0 : i32
    return %add3A_0, %c0_i32 : i32, i32
  }
  func.func @transform_2(%arg0: i32) -> (i32, i32) {
    %c0_i32 = arith.constant 0 : i32
    %c0_i32_0 = arith.constant 0 : i32
    return %arg0, %c0_i32 : i32, i32
  }
  func.func @transform_3(%arg0: i32) -> (i32, i32) {
    %c0_i32 = arith.constant 0 : i32
    %c0_i32_0 = arith.constant 0 : i32
    return %arg0, %c0_i32 : i32, i32
  }
  func.func @transform_4(%arg0: i32) -> (i32, i32) {
    %add3A = arith.constant 10 : i32
    %add3A_0 = arith.addi %arg0, %add3A : i32
    %c0_i32 = arith.constant 0 : i32
    %c0_i32_1 = arith.constant 0 : i32
    return %add3A_0, %c0_i32 : i32, i32
  }
  func.func @transform_5(%arg0: i32) -> (i32, i32) {
    %c0_i32 = arith.constant 0 : i32
    %c0_i32_0 = arith.constant 0 : i32
    %c0_i32_1 = arith.constant 0 : i32
    return %c0_i32, %c0_i32_0 : i32, i32
  }
  func.func @transform_6(%arg0: i32) -> (i32, i32) {
    %c0_i32 = arith.constant 0 : i32
    %c0_i32_0 = arith.constant 0 : i32
    %c0_i32_1 = arith.constant 0 : i32
    return %c0_i32, %c0_i32_0 : i32, i32
  }
  func.func @transform_7(%arg0: i32) -> (i32, i32) {
    %c0_i32 = arith.constant 0 : i32
    %c0_i32_0 = arith.constant 0 : i32
    %c0_i32_1 = arith.constant 0 : i32
    return %c0_i32, %c0_i32_0 : i32, i32
  }
  func.func @transform_8(%arg0: i32) -> (i32, i32) {
    %c0_i32 = arith.constant 0 : i32
    %c0_i32_0 = arith.constant 0 : i32
    %c0_i32_1 = arith.constant 0 : i32
    return %c0_i32, %c0_i32_0 : i32, i32
  }
  func.func @transform_9(%arg0: i32) -> (i32, i32) {
    %c0_i32 = arith.constant 0 : i32
    %c0_i32_0 = arith.constant 0 : i32
    %c0_i32_1 = arith.constant 0 : i32
    return %c0_i32, %c0_i32_0 : i32, i32
  }
  func.func @transform_10(%arg0: i32) -> (i32, i32) {
    %c0_i32 = arith.constant 0 : i32
    %c0_i32_0 = arith.constant 0 : i32
    %c0_i32_1 = arith.constant 0 : i32
    return %c0_i32, %c0_i32_0 : i32, i32
  }
  func.func @transform_11(%arg0: i32) -> (i32, i32) {
    %c0_i32 = arith.constant 0 : i32
    %c0_i32_0 = arith.constant 0 : i32
    %c0_i32_1 = arith.constant 0 : i32
    return %c0_i32, %c0_i32_0 : i32, i32
  }
}

</mosaic_0001>

<sc_bundles>
// kernel: kernel.11.cloned.1.call-start
scs
__scs_entry_jumppad:
0x0: {  	(pc) =	sbr.rel $0x88, $3  }
0x1: {  	(tag) =	ssettag $0x0;
	lr =	simm.s32 $0x1  }
0x2: {  	[smem:$0x3F97] =	sst lr;
	_ =	strace $0xD0000000  }
0x3: {  	_ = 	snop  }
0x4: {  	_ = 	snop  }
0x5: {  	_ = 	snop  }
0x6: {  	_ = 	snop  }
0x7: {  	_ = 	snop  }
__scs_overlays_trampoline_lowered:
0x8: {  	[smem:$0x3FA6] =	sst s0  }
0x9: {  	[smem:$0x3FA7] =	sst s1  }
0xa: {  	[smem:$0x3FA8] =	sst s2  }
0xb: {  	[smem:$0x3FA9] =	sst s3  }
0xc: {  	[smem:$0x3FAA] =	sst s4  }
0xd: {  	[smem:$0x3FAB] =	sst s5  }
0xe: {  	[smem:$0x3FAC] =	sst s6  }
0xf: {  	[smem:$0x3FAD] =	sst s7  }
0x10: {  	[smem:$0x3FAE] =	sst s8  }
0x11: {  	[smem:$0x3FAF] =	sst s9;
	s0 =	simm.s32 @!p0 $0x0  }
0x12: {  	s1 =	sld [smem:$0x3F95];
	s0 =	simm.s32 @p0 $0x1  }
0x13: {  	[smem:$0x3FB0] =	sst s0;
	s0 =	simm.s32 @!p1 $0x0  }
0x14: {  	s2 =	sld [smem:$0x3F94];
	s0 =	simm.s32 @p1 $0x1  }
0x15: {  	[smem:$0x3FB1] =	sst s0;
	s0 =	simm.s32 @!p2 $0x0  }
0x16: {  	s3 =	sld [smem:$0x3FDB];
	s0 =	simm.s32 @p2 $0x1  }
0x17: {  	s4 =	simm.s32 $0x1BF5;
	[smem:$0x3FB3] =	sst s0  }
0x18: {  	s0 =	sld [smem:$0x3F96];
	_ =	swait.ge [sflag:s4], $0x0  }
0x19: {  	s7 =	sld [smem:$0x3F97]  }
0x1a: {  	s8 =	sadd.s32 $0xFFFFE003, lr  }
0x1b: {  	s9 =	sadd.s32 $0xFFFFFEF7, lr;
	s5 =	simm.s32 $0xFFFFFFFF;
	p2 =	slt.u32 s8, $0xFFFFF086  }
0x1c: {  	p1 =	slt.u32 s9, $0xF7A;
	s5 =	simm.s32 @!p2 $0x0  }
0x1d: {  	s5 =	simm.s32 @p1 $0x1;
	p0 =	seq.s32 s7, s2  }
0x1e: {  	s7 =	smul.u32 @!p0 $0xF7A, s2;
	p2 =	seq.s32 @!p0 s5, $0x0  }
0x1f: {  	s9 =	smul.u32 $0xF7A, s1;
	s8 =	simm.s32 @!p0 $0x1BF5;
	p2 =	por !p2, p0  }
0x20: {  	[sflag:s8] =	ssyncset.s32 @!p0 $0xFFFFF086;
	s6 =	sadd.s32 @!p0 s3, s7;
	s7 =	simm.s32 @!p0 $0x108  }
0x21: {  	s3 =	sadd.s32 s3, s9;
	s6 =	sadd.s32 @!p0 $0x88, s6;
	s7 =	simm.s32 @p2 $0x1082  }
0x22: {  	[simem:s7], [sflag:s8] =	dma.local @!p0 [hbm:s6], $0xF7A  }
0x23: {  	s9 =	sor.u32 $0xD0000000, s2;
	s6 =	simm.s32 $0x108;
	_ =	swait.ge @!p0 [sflag:s8], $0x0  }
0x24: {  	s3 =	sadd.s32 $0x88, s3;
	s6 =	simm.s32 @!p1 $0x1082;
	[sflag:s4] =	ssyncset.s32 $0xFFFFF086  }
0x25: {  	[simem:s6], [sflag:s4] =	dma.local [hbm:s3], $0xF7A  }
0x26: {  	[smem:$0x3F97] =	sst s1;
	(tag) =	ssettag s2;
	_ =	strace s9  }
0x27: {  	s1 =	sld [smem:$0x3FA7]  }
0x28: {  	s2 =	sld [smem:$0x3FA8]  }
0x29: {  	s4 =	sld [smem:$0x3FAA]  }
0x2a: {  	p0 =	seq.s32 s5, $0x0;
	s5 =	sld [smem:$0x3FAB]  }
0x2b: {  	s6 =	sld [smem:$0x3FAC]  }
0x2c: {  	s7 =	sld [smem:$0x3FAD]  }
0x2d: {  	s3 =	simm.s32 $0x108;
	s8 =	sld [smem:$0x3FAE]  }
0x2e: {  	s3 =	simm.s32 @!p0 $0x1082;
	s9 =	sld [smem:$0x3FAF]  }
0x2f: {  	lr =	sadd.s32 s0, s3;
	s0 =	sld [smem:$0x3FA6]  }
0x30: {  	s3 =	sld [smem:$0x3FA9]  }
0x31: {  	[smem:$0x3FB2] =	sst s10  }
0x32: {  	s10 =	sld [smem:$0x3FB0];
	_ =	sdelay $0x3  }
0x33: {  	p0 =	seq.s32 s10, $0x1;
	s10 =	sld [smem:$0x3FB2];
	_ =	sdelay $0x3  }
0x34: {  	[smem:$0x3FB2] =	sst s10  }
0x35: {  	s10 =	sld [smem:$0x3FB1];
	_ =	sdelay $0x3  }
0x36: {  	p1 =	seq.s32 s10, $0x1;
	s10 =	sld [smem:$0x3FB2];
	_ =	sdelay $0x3  }
0x37: {  	[smem:$0x3FB2] =	sst s10  }
0x38: {  	s10 =	sld [smem:$0x3FB3]  }
0x39: {  	_ = 	snop;
	(pc) =	sbr.ind lr, $3  }
0x3a: {  	_ = 	snop  }
0x3b: {  	_ = 	snop  }
0x3c: {  	p2 =	seq.s32 s10, $0x1;
	s10 =	sld [smem:$0x3FB2]  }
0x3d: {  	_ =	shalt  }
0x3e: {  	_ =	shalt  }
0x3f: {  	_ =	shalt  }
0x40: {  	_ =	shalt  }
0x41: {  	_ =	shalt  }
0x42: {  	_ =	shalt  }
0x43: {  	_ =	shalt  }
0x44: {  	_ =	shalt  }
0x45: {  	_ =	shalt  }
0x46: {  	_ =	shalt  }
0x47: {  	_ =	shalt  }
0x48: {  	_ =	shalt  }
0x49: {  	_ =	shalt  }
0x4a: {  	_ =	shalt  }
0x4b: {  	_ =	shalt  }
0x4c: {  	_ =	shalt  }
0x4d: {  	_ =	shalt  }
0x4e: {  	_ =	shalt  }
0x4f: {  	_ =	shalt  }
0x50: {  	_ =	shalt  }
0x51: {  	_ =	shalt  }
0x52: {  	_ =	shalt  }
0x53: {  	_ =	shalt  }
0x54: {  	_ =	shalt  }
0x55: {  	_ =	shalt  }
0x56: {  	_ =	shalt  }
0x57: {  	_ =	shalt  }
0x58: {  	_ =	shalt  }
0x59: {  	_ =	shalt  }
0x5a: {  	_ =	shalt  }
0x5b: {  	_ =	shalt  }
0x5c: {  	_ =	shalt  }
0x5d: {  	_ =	shalt  }
0x5e: {  	_ =	shalt  }
0x5f: {  	_ =	shalt  }
0x60: {  	_ =	shalt  }
0x61: {  	_ =	shalt  }
0x62: {  	_ =	shalt  }
0x63: {  	_ =	shalt  }
0x64: {  	_ =	shalt  }
0x65: {  	_ =	shalt  }
0x66: {  	_ =	shalt  }
0x67: {  	_ =	shalt  }
0x68: {  	_ =	shalt  }
0x69: {  	_ =	shalt  }
0x6a: {  	_ =	shalt  }
0x6b: {  	_ =	shalt  }
0x6c: {  	_ =	shalt  }
0x6d: {  	_ =	shalt  }
0x6e: {  	_ =	shalt  }
0x6f: {  	_ =	shalt  }
0x70: {  	_ =	shalt  }
0x71: {  	_ =	shalt  }
0x72: {  	_ =	shalt  }
0x73: {  	_ =	shalt  }
0x74: {  	_ =	shalt  }
0x75: {  	_ =	shalt  }
0x76: {  	_ =	shalt  }
0x77: {  	_ =	shalt  }
0x78: {  	_ =	shalt  }
0x79: {  	_ =	shalt  }
0x7a: {  	_ =	shalt  }
0x7b: {  	_ =	shalt  }
0x7c: {  	_ =	shalt  }
0x7d: {  	_ =	shalt  }
0x7e: {  	_ =	shalt  }
0x7f: {  	_ =	shalt  }
0x80: {  	_ =	shalt  }
0x81: {  	_ =	shalt  }
0x82: {  	_ =	shalt  }
0x83: {  	_ =	shalt  }
0x84: {  	_ =	shalt  }
0x85: {  	_ =	shalt  }
0x86: {  	_ =	shalt  }
0x87: {  	_ =	shalt  }
.Lfunc_end0:
.L_simem_size_0:
called_computation.1_lowered:
.L_overlay_start_0:
0x88: {  	s2 =	sld [smem:$0x3FD9]  }
0x89: {  	s3 =	sld [smem:$0x3FFE];
	_ =	sdelay $0x1  }
0x8a: {  	s1 =	srdreg.scid  }
0x8b: {  	s0 =	sand.u32 $0x1, s1  }
0x8c: {  	s16 =	sshll.u32 s0, $0xA;
	s2 =	sadd.s32 s3, s2  }
0x8d: {  	s2 =	sadd.s32 s2, s16  }
0x8e: {  	[smem:$0x3FBE] =	sst s2  }
0x8f: {  	_ = 	snop  }
0x90: {  	(tm) =	ssettm $0x1  }
0x91: {  	s17 =	sld [smem:$0x3FFB];
	_ =	sdelay $0x3  }
0x92: {  	_ =	strace s17  }
0x93: {  	s2 =	sld [smem:$0x3FFC];
	_ =	sdelay $0x3  }
0x94: {  	_ =	strace s2  }
0x95: {  	s2 =	sld [smem:$0x3FFD];
	_ =	sdelay $0x3  }
0x96: {  	_ =	strace s2  }
0x97: {  	_ =	strace $0x8FFFFFFF  }
0x98: {  	s18 =	sld [smem:$0x3FDB];
	_ =	sdelay $0x1  }
0x99: {  	s19 =	simm.s32 $_scs_section_size  }
0x9a: {  	s4 =	simm.s32 $_size__tile_overlayer_lowered;
	s5 =	simm.s32 $_tile_overlayer_lowered  }
0x9b: {  	s22 =	simm.s32 $0x1BFF;
	s21 =	sshll.u32 s5, $0x1;
	s2 =	sadd.s32 s19, s18  }
0x9c: {  	s6 =	simm.s32 $0x0;
	s20 =	sshll.u32 s4, $0x1;
	s4 =	sadd.s32 s21, s2  }
0x9d: {  	[timem:s6], [sflag:s22] =	dma.local [hbm:s4], s20  }
0x9e: {  	_ =	swait.ge [sflag:s22], s20  }
0x9f: {  	s3 =	ssub.s32 $0x0, s20;
	[sflag:s22] =	ssyncset.done $0x0  }
0xa0: {  	[sflag:s22] =	ssyncadd.s32 s3;
	_ =	sdelay $0x1  }
0xa1: {  	s23 =	simm.s32 $0x1B8B  }
0xa2: {  	_ =	swait.ge [sflag:s23], $0x1  }
0xa3: {  	[sflag:s23] =	ssyncset.done $0x0  }
0xa4: {  	s25 =	simm.s32 $0x1B8E;
	s24 =	sld [smem:$0x3FFE];
	[sflag:s23] =	ssyncadd.s32 $0xFFFFFFFF  }
0xa5: {  	s26 =	simm.s32 $execute0_lowered;
	[smem:$0x3FD2] =	sst s25  }
0xa6: {  	s4 =	sshll.u32 s26, $0x1;
	_ =	strace $0x80000049;
	[dreg:$0x1] =	wrdreg $0xFFFFFFFF  }
0xa7: {  	s28 =	simm.s32 $_size_execute0_lowered;
	s2 =	sadd.s32 s2, s4;
	[dreg:$0x0] =	wrdreg $0x0  }
0xa8: {  	s4 =	sshll.u32 s28, $0x1;
	[dreg:$0x2] =	wrdreg s2  }
0xa9: {  	[dreg:$0x3] =	wrdreg s4  }
0xaa: {  	[dreg:$0x4] =	wrdreg $0xC0  }
0xab: {  	_ =	task [dreg:s6], $0x5FFFF  }
0xac: {  	[dreg:$0x1] =	wrdreg $0xFFFFFFFF  }
0xad: {  	[dreg:$0x0] =	wrdreg $0x60  }
0xae: {  	[dreg:$0x2] =	wrdreg s24  }
0xaf: {  	[dreg:$0x3] =	wrdreg $0x0  }
0xb0: {  	[dreg:$0x4] =	wrdreg $0x9  }
0xb1: {  	_ =	task.clear_ibuf [dreg:s6], $0x5FFFF;
	_ =	strace $0x90000049  }
0xb2: {  	s29 =	simm.s32 $0x9;
	_ =	strace $0x8000004B  }
0xb3: {  	_ =	swait.ge [sflag:s29], $0x1  }
0xb4: {  	[sflag:s29] =	ssyncadd.s32 $0xFFFFFFFF  }
0xb5: {  	_ =	strace $0x9000004B  }
0xb6: {  	_ =	sfence  }
0xb7: {  	s30 =	sld [smem:$0x0];
	_ =	sdelay $0x2  }
0xb8: {  	s31 =	sshll.u32 s1, $0xD;
	s1 =	sshrl.u32 s1, $0x2  }
0xb9: {  	s3 =	sand.u32 $0x4000, s31;
	s1 =	sadd.s32 s1, s30  }
0xba: {  	s0 =	sor.u32 s3, s0;
	s1 =	sshll.u32 s1, $0x11  }
0xbb: {  	s0 =	sor.u32 s1, s0  }
0xbc: {  	s0 =	sadd.s32 $0x8F2B, s0  }
0xbd: {  	[sflag:s0] =	ssyncadd.remote.s32 $0x1  }
0xbe: {  	_ =	sfence.sel $0xFFFF  }
0xbf: {  	[dreg:$0x0] =	wrdreg $0xFFFFFFFF;
	(pc) =	sbr.abs _section_cstart, $3  }
0xc0: {  	[dreg:$0x1] =	wrdreg $0xFFFFFFFF  }
0xc1: {  	_ =	task.clear_ibuf [dreg:s6], $0x2FFFF;
	_ =	strace $0x9FFFFFFF  }
0xc2: {  	(tm) =	ssettm $0x7FFFFFFF  }
0xc3: {  	_ =	shalt  }
tec
execute0_lowered:
.L_overlay_start_1:
0x0: {  	(tag) =	ssettag $0x1  }
0x1: {  	s6 =	rddreg [dreg:$0x0]  }
0x2: {  	s1 =	rddreg [dreg:$0x1]  }
0x3: {  	s0 =	rddreg [dreg:$0x2];
	s2 =	simm.s32 $0x0;
	s3 =	srdreg.scid  }
0x4: {  	s17 =	simm.s32 $0x14C80;
	s18 =	simm.s32 $0x7D;
	s19 =	simm.s32 $0x1A080  }
0x5: {  	s20 =	simm.s32 $0x1;
	s21 =	simm.s32 $0x2;
	s22 =	simm.s32 $0x14C00  }
0x6: {  	s23 =	simm.s32 $0x15F80;
	s24 =	simm.s32 $0x16000;
	[smem:$0x7FF] =	sst s2  }
0x7: {  	s4 =	sadd.s32 $0x65C00, s6;
	s9 =	sadd.s32 $0x5BC00, s6;
	s7 =	sand.u32 $0x1, s3  }
0x8: {  	s3 =	stileid.u32;
	s10 =	sadd.s32 $0x2C00, s6;
	s5 =	sadd.s32 $0xD400, s6  }
0x9: {  	_ =	strace $0x8000004A;
	s8 =	smul.u32 $0x27100, s7;
	s11 =	sshll.u32 s3, $0x1  }
0xa: {  	s12 =	ssub.s32 $0x2, s7;
	p0 =	seq.s32 s3, $0xF;
	s14 =	smul.u32 $0x50000, s3  }
0xb: {  	s16 =	smul.u32 $0x2800, s3;
	s7 =	sor.u32 s7, s11;
	s26 =	sshrl.u32 s12, $0x1  }
0xc: {  	s25 =	sadd.s32 s8, s6;
	s28 =	smul.u32 $0x2800, s7;
	s12 =	ssub.s32 s12, s26  }
0xd: {  	s13 =	smul.u32 $0x500, s7;
	s6 =	simm.s32 $0x5;
	s30 =	sshrl.u32 s14, $0x2  }
0xe: {  	s14 =	simm.s32 $0x16080;
	s6 =	simm.s32 @!p0 $0x8;
	s31 =	sadd.s32 s16, s25  }
0xf: {  	s11 =	smax.u32 s12, $0x1;
	s12 =	sadd.s32 s30, s1;
	s16 =	simm.s32 $0x13880  }
0x10: {  	s25 =	simm.s32 $0x0;
	s29 =	sshrl.u32 s28, $0x3;
	s7 =	sadd.s32 s9, s13  }
0x11: {  	s8 =	sadd.s32 s10, s13;
	s13 =	sadd.s32 $0x8CE00, s31;
	s15 =	sadd.s32 $0x280, s29  }
0x12: {  	s9 =	sadd.s32 s9, s15;
	s10 =	sadd.s32 s10, s15;
	s15 =	simm.s32 $0x3  }
.LBB2_1:
0x13: {  	[tilespmem:s14], [sflag:$0x3] =	stream.linear.gather [hbm4b:s5+s2], $0x2800, $0x38;
	[tilespmem:$0x1E080] =	vst v63  }
0x14: {  	p0 =	sne.s32 s6, $0x1;
	_ =	swait.ge [sflag:s15], $0x2800  }
.Ltmp0:
0x15: {  	[sflag:s15] =	ssyncset.done $0x0;
	(pc) =	sbr.rel @!p0 .LBB2_3-.Ltmp0, $4  }
0x16: {  	[sflag:s15] =	ssyncadd.s32 $0xFFFFD800  }
0x17: {  	[spmem:s12] =	stream.linear.scatter [tilespmem:s14], [sflag:$0x3], $0x2800, $0x38;
	[tilespmem:$0x1E080] =	vst v63  }
0x18: {  	_ =	swait.ge [sflag:s15], $0x2800  }
0x19: {  	s26 =	sadd.s32 $0xFFFFFFFF, s6;
	s28 =	smov.u32 s12;
	[sflag:s15] =	ssyncset.done $0x0  }
.LBB2_2:
0x1a: {  	p1 =	sne.s32 s26, $0x1;
	[sflag:s15] =	ssyncadd.s32 $0xFFFFD800;
	s28 =	sadd.s32 $0x2800, s28  }
.Ltmp1:
0x1b: {  	s26 =	sadd.s32 $0xFFFFFFFF, s26;
	(pc) =	sbr.rel @p1 .LBB2_2-.Ltmp1, $4  }
0x1c: {  	_ = 	snop  }
0x1d: {  	[spmem:s28] =	stream.linear.scatter [tilespmem:s14], [sflag:$0x3], $0x2800, $0x38;
	[tilespmem:$0x1E080] =	vst v63  }
0x1e: {  	_ =	swait.ge [sflag:s15], $0x2800  }
0x1f: {  	[sflag:s15] =	ssyncset.done $0x0  }
.LBB2_3:
0x20: {  	[sflag:s15] =	ssyncadd.s32 $0xFFFFD800  }
0x21: {  	s26 =	simm.s32 $0x0;
	[bflag:$0x0] =	sbarrier.arrive $0xFFFF  }
0x22: {  	[tilespmem:s16], [sflag:$0x3] =	stream.linear.gather [hbm4b:s7+s26], $0x1400, $0x38;
	[tilespmem:$0x1E080] =	vst v63  }
0x23: {  	_ =	swait.ge [sflag:s15], $0x1400  }
0x24: {  	[sflag:s15] =	ssyncset.done $0x0  }
0x25: {  	[sflag:s15] =	ssyncadd.s32 $0xFFFFEC00  }
0x26: {  	[tilespmem:s17], [sflag:$0x3] =	stream.linear.gather [hbm4b:s8+s26], $0x1400, $0x38;
	[tilespmem:$0x1E080] =	vst v63  }
0x27: {  	_ =	swait.ge [sflag:s15], $0x1400  }
0x28: {  	[sflag:s15] =	ssyncset.done $0x0  }
0x29: {  	[sflag:s15] =	ssyncadd.s32 $0xFFFFEC00  }
0x2a: {  	[tilespmem:s14], [sflag:$0x1] =	stream.indirect.gather [hbm4b:s4+s18], $0x80, s16, s18, $0xb8;
	[tilespmem:$0x1E080] =	vst v63  }
0x2b: {  	s31 =	simm.s32 $0x13900  }
0x2c: {  	[tilespmem:s19], [sflag:$0x2] =	stream.indirect.gather [hbm4b:s4+s18], $0x80, s31, s18, $0xb8;
	[tilespmem:$0x1E080] =	vst v63  }
0x2d: {  	_ =	swait.ge [sflag:s20], $0x3E80  }
0x2e: {  	[sflag:s20] =	ssyncset.done $0x0  }
0x2f: {  	s29 =	simm.s32 $0x14C80;
	[sflag:s20] =	ssyncadd.s32 $0xFFFFC180  }
0x30: {  	[spmem:s1] =	stream.indirect.scatter.add.f32 [tilespmem:s14], [sflag:$0x3], $0x80, s29, s18, $0xb8;
	[tilespmem:$0x1E080] =	vst v63  }
0x31: {  	_ =	swait.ge [sflag:s15], $0x3E80  }
0x32: {  	[sflag:s15] =	ssyncset.done $0x0  }
0x33: {  	s30 =	simm.s32 $0x13980;
	[sflag:s15] =	ssyncadd.s32 $0xFFFFC180  }
0x34: {  	[tilespmem:s14], [sflag:$0x1] =	stream.indirect.gather [hbm4b:s4+s18], $0x80, s30, s18, $0xb8;
	[tilespmem:$0x1E080] =	vst v63  }
0x35: {  	_ =	swait.ge [sflag:s21], $0x3E80  }
0x36: {  	[sflag:s21] =	ssyncset.done $0x0  }
0x37: {  	s31 =	simm.s32 $0x14D00;
	[sflag:s21] =	ssyncadd.s32 $0xFFFFC180  }
0x38: {  	[spmem:s1] =	stream.indirect.scatter.add.f32 [tilespmem:s19], [sflag:$0x3], $0x80, s31, s18, $0xb8;
	[tilespmem:$0x1E080] =	vst v63  }
0x39: {  	_ =	swait.ge [sflag:s15], $0x3E80  }
0x3a: {  	s28 =	simm.s32 $0x800;
	s26 =	simm.s32 $0x100;
	[sflag:s15] =	ssyncset.done $0x0  }
.LBB2_4:
0x3b: {  	s29 =	sadd.s32 $0x13900, s26  }
0x3c: {  	[sflag:s15] =	ssyncadd.s32 $0xFFFFC180;
	s30 =	smov.u32 s28;
	s31 =	sadd.s32 $0x400, s28  }
0x3d: {  	[tilespmem:s19], [sflag:$0x2] =	stream.indirect.gather [hbm4b:s4+s18], $0x80, s29, s18, $0xb8;
	[tilespmem:$0x1E080] =	vst v63  }
0x3e: {  	p1 =	sne.s32 s28, $0x4800;
	_ =	swait.ge [sflag:s20], $0x3E80  }
0x3f: {  	[sflag:s20] =	ssyncset.done $0x0  }
0x40: {  	s28 =	sadd.s32 $0x14C80, s26;
	[sflag:s20] =	ssyncadd.s32 $0xFFFFC180  }
0x41: {  	[spmem:s1] =	stream.indirect.scatter.add.f32 [tilespmem:s14], [sflag:$0x3], $0x80, s28, s18, $0xb8;
	[tilespmem:$0x1E080] =	vst v63  }
0x42: {  	_ =	swait.ge [sflag:s15], $0x3E80  }
0x43: {  	[sflag:s15] =	ssyncset.done $0x0  }
0x44: {  	s28 =	sadd.s32 $0x13980, s26;
	[sflag:s15] =	ssyncadd.s32 $0xFFFFC180  }
0x45: {  	[tilespmem:s14], [sflag:$0x1] =	stream.indirect.gather [hbm4b:s4+s18], $0x80, s28, s18, $0xb8;
	[tilespmem:$0x1E080] =	vst v63  }
0x46: {  	_ =	swait.ge [sflag:s21], $0x3E80  }
.Ltmp2:
0x47: {  	[sflag:s21] =	ssyncset.done $0x0;
	(pc) =	sbr.rel @p1 .LBB2_4-.Ltmp2, $4  }
0x48: {  	s26 =	sadd.s32 $0x14D00, s26;
	[sflag:s21] =	ssyncadd.s32 $0xFFFFC180  }
0x49: {  	[spmem:s1] =	stream.indirect.scatter.add.f32 [tilespmem:s19], [sflag:$0x3], $0x80, s26, s18, $0xb8;
	[tilespmem:$0x1E080] =	vst v63  }
0x4a: {  	_ =	swait.ge [sflag:s15], $0x3E80  }
0x4b: {  	s28 =	smov.u32 s31;
	s26 =	sshra.s32 s30, $0x2;
	[sflag:s15] =	ssyncset.done $0x0  }
0x4c: {  	s28 =	sadd.s32 $0x13900, s26;
	[sflag:s15] =	ssyncadd.s32 $0xFFFFC180  }
0x4d: {  	[tilespmem:s19], [sflag:$0x2] =	stream.indirect.gather [hbm4b:s4+s18], $0x80, s28, s18, $0xb8;
	[tilespmem:$0x1E080] =	vst v63  }
0x4e: {  	_ =	swait.ge [sflag:s20], $0x3E80  }
0x4f: {  	[sflag:s20] =	ssyncset.done $0x0  }
0x50: {  	s28 =	sadd.s32 $0x14C80, s26;
	[sflag:s20] =	ssyncadd.s32 $0xFFFFC180  }
0x51: {  	[spmem:s1] =	stream.indirect.scatter.add.f32 [tilespmem:s14], [sflag:$0x3], $0x80, s28, s18, $0xb8;
	[tilespmem:$0x1E080] =	vst v63  }
0x52: {  	_ =	swait.ge [sflag:s15], $0x3E80  }
0x53: {  	[sflag:s15] =	ssyncset.done $0x0  }
0x54: {  	s28 =	sadd.s32 $0x13980, s26;
	[sflag:s15] =	ssyncadd.s32 $0xFFFFC180  }
0x55: {  	[tilespmem:s14], [sflag:$0x1] =	stream.indirect.gather [hbm4b:s4+s18], $0x80, s28, s18, $0xb8;
	[tilespmem:$0x1E080] =	vst v63  }
0x56: {  	_ =	swait.ge [sflag:s21], $0x3E80  }
0x57: {  	[sflag:s21] =	ssyncset.done $0x0  }
0x58: {  	s29 =	sadd.s32 $0x14D00, s26;
	[sflag:s21] =	ssyncadd.s32 $0xFFFFC180  }
0x59: {  	[spmem:s1] =	stream.indirect.scatter.add.f32 [tilespmem:s19], [sflag:$0x3], $0x80, s29, s18, $0xb8;
	[tilespmem:$0x1E080] =	vst v63  }
0x5a: {  	_ =	swait.ge [sflag:s15], $0x3E80  }
0x5b: {  	[sflag:s15] =	ssyncset.done $0x0  }
0x5c: {  	[sflag:s15] =	ssyncadd.s32 $0xFFFFC180  }
0x5d: {  	[tilespmem:s19], [sflag:$0x2] =	stream.indirect.gather [hbm4b:s4+s18], $0x80, s22, s18, $0xb8;
	[tilespmem:$0x1E080] =	vst v63  }
0x5e: {  	_ =	swait.ge [sflag:s20], $0x3E80  }
0x5f: {  	[sflag:s20] =	ssyncset.done $0x0  }
0x60: {  	[sflag:s20] =	ssyncadd.s32 $0xFFFFC180  }
0x61: {  	[spmem:s1] =	stream.indirect.scatter.add.f32 [tilespmem:s14], [sflag:$0x3], $0x80, s23, s18, $0xb8;
	[tilespmem:$0x1E080] =	vst v63  }
0x62: {  	_ =	swait.ge [sflag:s15], $0x3E80  }
0x63: {  	[sflag:s15] =	ssyncset.done $0x0  }
0x64: {  	[sflag:s15] =	ssyncadd.s32 $0xFFFFC180  }
0x65: {  	_ =	swait.ge [sflag:s21], $0x3E80  }
0x66: {  	[sflag:s21] =	ssyncset.done $0x0  }
0x67: {  	[sflag:s21] =	ssyncadd.s32 $0xFFFFC180  }
0x68: {  	[spmem:s1] =	stream.indirect.scatter.add.f32 [tilespmem:s19], [sflag:$0x3], $0x80, s24, s18, $0xb8;
	[tilespmem:$0x1E080] =	vst v63  }
0x69: {  	_ =	swait.ge [sflag:s15], $0x3E80  }
0x6a: {  	[sflag:s15] =	ssyncset.done $0x0  }
0x6b: {  	s30 =	simm.s32 $0x0;
	[sflag:s15] =	ssyncadd.s32 $0xFFFFC180  }
0x6c: {  	[tilespmem:s16], [sflag:$0x3] =	stream.linear.gather [hbm4b:s9+s30], $0x1400, $0x38;
	[tilespmem:$0x1E080] =	vst v63  }
0x6d: {  	_ =	swait.ge [sflag:s15], $0x1400  }
0x6e: {  	[sflag:s15] =	ssyncset.done $0x0  }
0x6f: {  	[sflag:s15] =	ssyncadd.s32 $0xFFFFEC00  }
0x70: {  	[tilespmem:s17], [sflag:$0x3] =	stream.linear.gather [hbm4b:s10+s30], $0x1400, $0x38;
	[tilespmem:$0x1E080] =	vst v63  }
0x71: {  	_ =	swait.ge [sflag:s15], $0x1400  }
0x72: {  	[sflag:s15] =	ssyncset.done $0x0  }
0x73: {  	[sflag:s15] =	ssyncadd.s32 $0xFFFFEC00  }
0x74: {  	[tilespmem:s14], [sflag:$0x1] =	stream.indirect.gather [hbm4b:s4+s18], $0x80, s16, s18, $0xb8;
	[tilespmem:$0x1E080] =	vst v63  }
0x75: {  	s31 =	simm.s32 $0x13900  }
0x76: {  	[tilespmem:s19], [sflag:$0x2] =	stream.indirect.gather [hbm4b:s4+s18], $0x80, s31, s18, $0xb8;
	[tilespmem:$0x1E080] =	vst v63  }
0x77: {  	_ =	swait.ge [sflag:s20], $0x3E80  }
0x78: {  	[sflag:s20] =	ssyncset.done $0x0  }
0x79: {  	s29 =	simm.s32 $0x14C80;
	[sflag:s20] =	ssyncadd.s32 $0xFFFFC180  }
0x7a: {  	[spmem:s1] =	stream.indirect.scatter.add.f32 [tilespmem:s14], [sflag:$0x3], $0x80, s29, s18, $0xb8;
	[tilespmem:$0x1E080] =	vst v63  }
0x7b: {  	_ =	swait.ge [sflag:s15], $0x3E80  }
0x7c: {  	[sflag:s15] =	ssyncset.done $0x0  }
0x7d: {  	s30 =	simm.s32 $0x13980;
	[sflag:s15] =	ssyncadd.s32 $0xFFFFC180  }
0x7e: {  	[tilespmem:s14], [sflag:$0x1] =	stream.indirect.gather [hbm4b:s4+s18], $0x80, s30, s18, $0xb8;
	[tilespmem:$0x1E080] =	vst v63  }
0x7f: {  	_ =	swait.ge [sflag:s21], $0x3E80  }
0x80: {  	[sflag:s21] =	ssyncset.done $0x0  }
0x81: {  	s31 =	simm.s32 $0x14D00;
	[sflag:s21] =	ssyncadd.s32 $0xFFFFC180  }
0x82: {  	[spmem:s1] =	stream.indirect.scatter.add.f32 [tilespmem:s19], [sflag:$0x3], $0x80, s31, s18, $0xb8;
	[tilespmem:$0x1E080] =	vst v63  }
0x83: {  	_ =	swait.ge [sflag:s15], $0x3E80  }
0x84: {  	s26 =	simm.s32 $0x100;
	s28 =	simm.s32 $0x800;
	[sflag:s15] =	ssyncset.done $0x0  }
.LBB2_6:
0x85: {  	s29 =	sadd.s32 $0x13900, s26  }
0x86: {  	[sflag:s15] =	ssyncadd.s32 $0xFFFFC180;
	s30 =	smov.u32 s28;
	s31 =	sadd.s32 $0x400, s28  }
0x87: {  	[tilespmem:s19], [sflag:$0x2] =	stream.indirect.gather [hbm4b:s4+s18], $0x80, s29, s18, $0xb8;
	[tilespmem:$0x1E080] =	vst v63  }
0x88: {  	p1 =	sne.s32 s28, $0x4800;
	_ =	swait.ge [sflag:s20], $0x3E80  }
0x89: {  	[sflag:s20] =	ssyncset.done $0x0  }
0x8a: {  	s28 =	sadd.s32 $0x14C80, s26;
	[sflag:s20] =	ssyncadd.s32 $0xFFFFC180  }
0x8b: {  	[spmem:s1] =	stream.indirect.scatter.add.f32 [tilespmem:s14], [sflag:$0x3], $0x80, s28, s18, $0xb8;
	[tilespmem:$0x1E080] =	vst v63  }
0x8c: {  	_ =	swait.ge [sflag:s15], $0x3E80  }
0x8d: {  	[sflag:s15] =	ssyncset.done $0x0  }
0x8e: {  	s28 =	sadd.s32 $0x13980, s26;
	[sflag:s15] =	ssyncadd.s32 $0xFFFFC180  }
0x8f: {  	[tilespmem:s14], [sflag:$0x1] =	stream.indirect.gather [hbm4b:s4+s18], $0x80, s28, s18, $0xb8;
	[tilespmem:$0x1E080] =	vst v63  }
0x90: {  	_ =	swait.ge [sflag:s21], $0x3E80  }
.Ltmp3:
0x91: {  	[sflag:s21] =	ssyncset.done $0x0;
	(pc) =	sbr.rel @p1 .LBB2_6-.Ltmp3, $4  }
0x92: {  	s26 =	sadd.s32 $0x14D00, s26;
	[sflag:s21] =	ssyncadd.s32 $0xFFFFC180  }
0x93: {  	[spmem:s1] =	stream.indirect.scatter.add.f32 [tilespmem:s19], [sflag:$0x3], $0x80, s26, s18, $0xb8;
	[tilespmem:$0x1E080] =	vst v63  }
0x94: {  	_ =	swait.ge [sflag:s15], $0x3E80  }
0x95: {  	s28 =	smov.u32 s31;
	s26 =	sshra.s32 s30, $0x2;
	[sflag:s15] =	ssyncset.done $0x0  }
0x96: {  	s28 =	sadd.s32 $0x13900, s26;
	[sflag:s15] =	ssyncadd.s32 $0xFFFFC180  }
0x97: {  	[tilespmem:s19], [sflag:$0x2] =	stream.indirect.gather [hbm4b:s4+s18], $0x80, s28, s18, $0xb8;
	[tilespmem:$0x1E080] =	vst v63  }
0x98: {  	_ =	swait.ge [sflag:s20], $0x3E80  }
0x99: {  	[sflag:s20] =	ssyncset.done $0x0  }
0x9a: {  	s28 =	sadd.s32 $0x14C80, s26;
	[sflag:s20] =	ssyncadd.s32 $0xFFFFC180  }
0x9b: {  	[spmem:s1] =	stream.indirect.scatter.add.f32 [tilespmem:s14], [sflag:$0x3], $0x80, s28, s18, $0xb8;
	[tilespmem:$0x1E080] =	vst v63  }
0x9c: {  	_ =	swait.ge [sflag:s15], $0x3E80  }
0x9d: {  	[sflag:s15] =	ssyncset.done $0x0  }
0x9e: {  	s28 =	sadd.s32 $0x13980, s26;
	[sflag:s15] =	ssyncadd.s32 $0xFFFFC180  }
0x9f: {  	[tilespmem:s14], [sflag:$0x1] =	stream.indirect.gather [hbm4b:s4+s18], $0x80, s28, s18, $0xb8;
	[tilespmem:$0x1E080] =	vst v63  }
0xa0: {  	_ =	swait.ge [sflag:s21], $0x3E80  }
0xa1: {  	[sflag:s21] =	ssyncset.done $0x0  }
0xa2: {  	s31 =	sadd.s32 $0x14D00, s26;
	[sflag:s21] =	ssyncadd.s32 $0xFFFFC180  }
0xa3: {  	[spmem:s1] =	stream.indirect.scatter.add.f32 [tilespmem:s19], [sflag:$0x3], $0x80, s31, s18, $0xb8;
	[tilespmem:$0x1E080] =	vst v63  }
0xa4: {  	_ =	swait.ge [sflag:s15], $0x3E80  }
0xa5: {  	[sflag:s15] =	ssyncset.done $0x0  }
0xa6: {  	[sflag:s15] =	ssyncadd.s32 $0xFFFFC180  }
0xa7: {  	[tilespmem:s19], [sflag:$0x2] =	stream.indirect.gather [hbm4b:s4+s18], $0x80, s22, s18, $0xb8;
	[tilespmem:$0x1E080] =	vst v63  }
0xa8: {  	_ =	swait.ge [sflag:s20], $0x3E80  }
0xa9: {  	[sflag:s20] =	ssyncset.done $0x0  }
0xaa: {  	[sflag:s20] =	ssyncadd.s32 $0xFFFFC180  }
0xab: {  	[spmem:s1] =	stream.indirect.scatter.add.f32 [tilespmem:s14], [sflag:$0x3], $0x80, s23, s18, $0xb8;
	[tilespmem:$0x1E080] =	vst v63  }
0xac: {  	_ =	swait.ge [sflag:s15], $0x3E80  }
0xad: {  	[sflag:s15] =	ssyncset.done $0x0  }
0xae: {  	[sflag:s15] =	ssyncadd.s32 $0xFFFFC180  }
0xaf: {  	_ =	swait.ge [sflag:s21], $0x3E80  }
0xb0: {  	[sflag:s21] =	ssyncset.done $0x0  }
0xb1: {  	[sflag:s21] =	ssyncadd.s32 $0xFFFFC180  }
0xb2: {  	[spmem:s1] =	stream.indirect.scatter.add.f32 [tilespmem:s19], [sflag:$0x3], $0x80, s24, s18, $0xb8;
	[tilespmem:$0x1E080] =	vst v63  }
0xb3: {  	_ =	swait.ge [sflag:s15], $0x3E80  }
0xb4: {  	[sflag:s15] =	ssyncset.done $0x0  }
0xb5: {  	[sflag:s15] =	ssyncadd.s32 $0xFFFFC180  }
0xb6: {  	[bflag:$0x0] =	sbarrier.arrive $0xFFFF  }
0xb7: {  	[tilespmem:s14], [sflag:$0x3] =	stream.linear.gather [spmem:s12], $0x2800, $0x38;
	[tilespmem:$0x1E080] =	vst v63  }
0xb8: {  	_ =	swait.ge [sflag:s15], $0x2800  }
.Ltmp4:
0xb9: {  	[sflag:s15] =	ssyncset.done $0x0;
	(pc) =	sbr.rel @!p0 .LBB2_9-.Ltmp4, $4  }
0xba: {  	[sflag:s15] =	ssyncadd.s32 $0xFFFFD800  }
0xbb: {  	[hbm4b:s13+s2] =	stream.linear.scatter [tilespmem:s14], [sflag:$0x3], $0x2800, $0x38;
	[tilespmem:$0x1E080] =	vst v63  }
0xbc: {  	s29 =	smov.u32 s13;
	_ =	swait.ge [sflag:s15], $0x2800  }
0xbd: {  	s26 =	sadd.s32 $0xFFFFFFFF, s6;
	s28 =	smov.u32 s12;
	[sflag:s15] =	ssyncset.done $0x0  }
.LBB2_8:
0xbe: {  	[sflag:s15] =	ssyncadd.s32 $0xFFFFD800;
	s28 =	sadd.s32 $0x2800, s28;
	s29 =	sadd.s32 $0x500, s29  }
0xbf: {  	[tilespmem:s14], [sflag:$0x3] =	stream.linear.gather [spmem:s28], $0x2800, $0x38;
	[tilespmem:$0x1E080] =	vst v63  }
0xc0: {  	p0 =	sne.s32 s26, $0x1;
	s26 =	sadd.s32 $0xFFFFFFFF, s26;
	_ =	swait.ge [sflag:s15], $0x2800  }
.Ltmp5:
0xc1: {  	[sflag:s15] =	ssyncset.done $0x0;
	(pc) =	sbr.rel @p0 .LBB2_8-.Ltmp5, $4  }
0xc2: {  	[sflag:s15] =	ssyncadd.s32 $0xFFFFD800  }
0xc3: {  	[hbm4b:s29+s2] =	stream.linear.scatter [tilespmem:s14], [sflag:$0x3], $0x2800, $0x38;
	[tilespmem:$0x1E080] =	vst v63  }
0xc4: {  	_ =	swait.ge [sflag:s15], $0x2800  }
0xc5: {  	[sflag:s15] =	ssyncset.done $0x0  }
.LBB2_9:
0xc6: {  	s25 =	sadd.s32 $0x1, s25  }
0xc7: {  	p0 =	sne.s32 s25, s11  }
.Ltmp6:
0xc8: {  	_ = 	snop;
	(pc) =	sbr.rel @p0 .LBB2_1-.Ltmp6, $2  }
0xc9: {  	_ =	sdelay $0x2  }
0xca: {  	[sflag:s15] =	ssyncadd.s32 $0xFFFFD800  }
0xcb: {  	_ =	sfence.sel $0x180000  }
0xcc: {  	[bflag:$0x0] =	sbarrier.arrive $0xFFFF  }
0xcd: {  	p0 =	sne.s32 s3, $0x0;
	_ =	strace $0x9000004A  }
0xce: {  	s0 =	sadd.s32 @!p0 $0x100000, s0;
	[bflag:$0x2] =	sbarrier.arrive $0xFFFF  }
0xcf: {  	[sflag:s0] =	ssyncadd.tile.s32 @!p0 $0x1;
	_ =	shalt  }
.Lfunc_end2:
_tile_overlayer_lowered:
.L_overlay_start_2:
0xd0: {  	(tag) =	ssettag $0x2  }
0xd1: {  	s0 =	rddreg [dreg:$0x0];
	s2 =	stileid.u32  }
0xd2: {  	s1 =	rddreg [dreg:$0x1];
	p0 =	sne.s32 s2, $0x0  }
0xd3: {  	s3 =	rddreg [dreg:$0x2];
	[bflag:$0x3] =	sbarrier.arrive $0xFFFF;
	s2 =	simm.s32 @!p0 $0x1C03  }
0xd4: {  	[timem:s3], [sflag:s2] =	dma.local @!p0 [hbm:s0], s1  }
0xd5: {  	s0 =	simm.s32 @!p0 $0x3  }
0xd6: {  	_ =	swait.ge @!p0 [sflag:s0], s1  }
0xd7: {  	s1 =	ssub.s32 @!p0 $0x0, s1;
	[sflag:s0] =	ssyncset.done @!p0 $0x0  }
0xd8: {  	[sflag:s0] =	ssyncadd.s32 @!p0 s1  }
0xd9: {  	[bflag:$0x3] =	sbarrier.arrive $0xFFFF  }
0xda: {  	_ =	shalt  }

// kernel: kernel.14.cloned.1.call-start
scs
__scs_entry_jumppad:
0x0: {  	(pc) =	sbr.rel $0x88, $3  }
0x1: {  	(tag) =	ssettag $0x0;
	lr =	simm.s32 $0x1  }
0x2: {  	[smem:$0x3F97] =	sst lr;
	_ =	strace $0xD0000000  }
0x3: {  	_ = 	snop  }
0x4: {  	_ = 	snop  }
0x5: {  	_ = 	snop  }
0x6: {  	_ = 	snop  }
0x7: {  	_ = 	snop  }
__scs_overlays_trampoline_lowered:
0x8: {  	[smem:$0x3FA6] =	sst s0  }
0x9: {  	[smem:$0x3FA7] =	sst s1  }
0xa: {  	[smem:$0x3FA8] =	sst s2  }
0xb: {  	[smem:$0x3FA9] =	sst s3  }
0xc: {  	[smem:$0x3FAA] =	sst s4  }
0xd: {  	[smem:$0x3FAB] =	sst s5  }
0xe: {  	[smem:$0x3FAC] =	sst s6  }
0xf: {  	[smem:$0x3FAD] =	sst s7  }
0x10: {  	[smem:$0x3FAE] =	sst s8  }
0x11: {  	[smem:$0x3FAF] =	sst s9;
	s0 =	simm.s32 @!p0 $0x0  }
0x12: {  	s1 =	sld [smem:$0x3F95];
	s0 =	simm.s32 @p0 $0x1  }
0x13: {  	[smem:$0x3FB0] =	sst s0;
	s0 =	simm.s32 @!p1 $0x0  }
0x14: {  	s2 =	sld [smem:$0x3F94];
	s0 =	simm.s32 @p1 $0x1  }
0x15: {  	[smem:$0x3FB1] =	sst s0;
	s0 =	simm.s32 @!p2 $0x0  }
0x16: {  	s3 =	sld [smem:$0x3FDB];
	s0 =	simm.s32 @p2 $0x1  }
0x17: {  	s4 =	simm.s32 $0x1BF5;
	[smem:$0x3FB3] =	sst s0  }
0x18: {  	s0 =	sld [smem:$0x3F96];
	_ =	swait.ge [sflag:s4], $0x0  }
0x19: {  	s7 =	sld [smem:$0x3F97]  }
0x1a: {  	s8 =	sadd.s32 $0xFFFFE003, lr  }
0x1b: {  	s9 =	sadd.s32 $0xFFFFFEF7, lr;
	s5 =	simm.s32 $0xFFFFFFFF;
	p2 =	slt.u32 s8, $0xFFFFF086  }
0x1c: {  	p1 =	slt.u32 s9, $0xF7A;
	s5 =	simm.s32 @!p2 $0x0  }
0x1d: {  	s5 =	simm.s32 @p1 $0x1;
	p0 =	seq.s32 s7, s2  }
0x1e: {  	s7 =	smul.u32 @!p0 $0xF7A, s2;
	p2 =	seq.s32 @!p0 s5, $0x0  }
0x1f: {  	s9 =	smul.u32 $0xF7A, s1;
	s8 =	simm.s32 @!p0 $0x1BF5;
	p2 =	por !p2, p0  }
0x20: {  	[sflag:s8] =	ssyncset.s32 @!p0 $0xFFFFF086;
	s6 =	sadd.s32 @!p0 s3, s7;
	s7 =	simm.s32 @!p0 $0x108  }
0x21: {  	s3 =	sadd.s32 s3, s9;
	s6 =	sadd.s32 @!p0 $0x88, s6;
	s7 =	simm.s32 @p2 $0x1082  }
0x22: {  	[simem:s7], [sflag:s8] =	dma.local @!p0 [hbm:s6], $0xF7A  }
0x23: {  	s9 =	sor.u32 $0xD0000000, s2;
	s6 =	simm.s32 $0x108;
	_ =	swait.ge @!p0 [sflag:s8], $0x0  }
0x24: {  	s3 =	sadd.s32 $0x88, s3;
	s6 =	simm.s32 @!p1 $0x1082;
	[sflag:s4] =	ssyncset.s32 $0xFFFFF086  }
0x25: {  	[simem:s6], [sflag:s4] =	dma.local [hbm:s3], $0xF7A  }
0x26: {  	[smem:$0x3F97] =	sst s1;
	(tag) =	ssettag s2;
	_ =	strace s9  }
0x27: {  	s1 =	sld [smem:$0x3FA7]  }
0x28: {  	s2 =	sld [smem:$0x3FA8]  }
0x29: {  	s4 =	sld [smem:$0x3FAA]  }
0x2a: {  	p0 =	seq.s32 s5, $0x0;
	s5 =	sld [smem:$0x3FAB]  }
0x2b: {  	s6 =	sld [smem:$0x3FAC]  }
0x2c: {  	s7 =	sld [smem:$0x3FAD]  }
0x2d: {  	s3 =	simm.s32 $0x108;
	s8 =	sld [smem:$0x3FAE]  }
0x2e: {  	s3 =	simm.s32 @!p0 $0x1082;
	s9 =	sld [smem:$0x3FAF]  }
0x2f: {  	lr =	sadd.s32 s0, s3;
	s0 =	sld [smem:$0x3FA6]  }
0x30: {  	s3 =	sld [smem:$0x3FA9]  }
0x31: {  	[smem:$0x3FB2] =	sst s10  }
0x32: {  	s10 =	sld [smem:$0x3FB0];
	_ =	sdelay $0x3  }
0x33: {  	p0 =	seq.s32 s10, $0x1;
	s10 =	sld [smem:$0x3FB2];
	_ =	sdelay $0x3  }
0x34: {  	[smem:$0x3FB2] =	sst s10  }
0x35: {  	s10 =	sld [smem:$0x3FB1];
	_ =	sdelay $0x3  }
0x36: {  	p1 =	seq.s32 s10, $0x1;
	s10 =	sld [smem:$0x3FB2];
	_ =	sdelay $0x3  }
0x37: {  	[smem:$0x3FB2] =	sst s10  }
0x38: {  	s10 =	sld [smem:$0x3FB3]  }
0x39: {  	_ = 	snop;
	(pc) =	sbr.ind lr, $3  }
0x3a: {  	_ = 	snop  }
0x3b: {  	_ = 	snop  }
0x3c: {  	p2 =	seq.s32 s10, $0x1;
	s10 =	sld [smem:$0x3FB2]  }
0x3d: {  	_ =	shalt  }
0x3e: {  	_ =	shalt  }
0x3f: {  	_ =	shalt  }
0x40: {  	_ =	shalt  }
0x41: {  	_ =	shalt  }
0x42: {  	_ =	shalt  }
0x43: {  	_ =	shalt  }
0x44: {  	_ =	shalt  }
0x45: {  	_ =	shalt  }
0x46: {  	_ =	shalt  }
0x47: {  	_ =	shalt  }
0x48: {  	_ =	shalt  }
0x49: {  	_ =	shalt  }
0x4a: {  	_ =	shalt  }
0x4b: {  	_ =	shalt  }
0x4c: {  	_ =	shalt  }
0x4d: {  	_ =	shalt  }
0x4e: {  	_ =	shalt  }
0x4f: {  	_ =	shalt  }
0x50: {  	_ =	shalt  }
0x51: {  	_ =	shalt  }
0x52: {  	_ =	shalt  }
0x53: {  	_ =	shalt  }
0x54: {  	_ =	shalt  }
0x55: {  	_ =	shalt  }
0x56: {  	_ =	shalt  }
0x57: {  	_ =	shalt  }
0x58: {  	_ =	shalt  }
0x59: {  	_ =	shalt  }
0x5a: {  	_ =	shalt  }
0x5b: {  	_ =	shalt  }
0x5c: {  	_ =	shalt  }
0x5d: {  	_ =	shalt  }
0x5e: {  	_ =	shalt  }
0x5f: {  	_ =	shalt  }
0x60: {  	_ =	shalt  }
0x61: {  	_ =	shalt  }
0x62: {  	_ =	shalt  }
0x63: {  	_ =	shalt  }
0x64: {  	_ =	shalt  }
0x65: {  	_ =	shalt  }
0x66: {  	_ =	shalt  }
0x67: {  	_ =	shalt  }
0x68: {  	_ =	shalt  }
0x69: {  	_ =	shalt  }
0x6a: {  	_ =	shalt  }
0x6b: {  	_ =	shalt  }
0x6c: {  	_ =	shalt  }
0x6d: {  	_ =	shalt  }
0x6e: {  	_ =	shalt  }
0x6f: {  	_ =	shalt  }
0x70: {  	_ =	shalt  }
0x71: {  	_ =	shalt  }
0x72: {  	_ =	shalt  }
0x73: {  	_ =	shalt  }
0x74: {  	_ =	shalt  }
0x75: {  	_ =	shalt  }
0x76: {  	_ =	shalt  }
0x77: {  	_ =	shalt  }
0x78: {  	_ =	shalt  }
0x79: {  	_ =	shalt  }
0x7a: {  	_ =	shalt  }
0x7b: {  	_ =	shalt  }
0x7c: {  	_ =	shalt  }
0x7d: {  	_ =	shalt  }
0x7e: {  	_ =	shalt  }
0x7f: {  	_ =	shalt  }
0x80: {  	_ =	shalt  }
0x81: {  	_ =	shalt  }
0x82: {  	_ =	shalt  }
0x83: {  	_ =	shalt  }
0x84: {  	_ =	shalt  }
0x85: {  	_ =	shalt  }
0x86: {  	_ =	shalt  }
0x87: {  	_ =	shalt  }
.Lfunc_end0:
.L_simem_size_0:
called_computation.2_lowered:
.L_overlay_start_0:
0x88: {  	s2 =	sld [smem:$0x3FD9]  }
0x89: {  	s3 =	sld [smem:$0x3FFE];
	_ =	sdelay $0x1  }
0x8a: {  	s1 =	srdreg.scid  }
0x8b: {  	s0 =	sand.u32 $0x1, s1  }
0x8c: {  	s16 =	sshll.u32 s0, $0xA;
	s2 =	sadd.s32 s3, s2  }
0x8d: {  	s2 =	sadd.s32 s2, s16  }
0x8e: {  	[smem:$0x3FBE] =	sst s2  }
0x8f: {  	_ = 	snop  }
0x90: {  	(tm) =	ssettm $0x1  }
0x91: {  	s17 =	sld [smem:$0x3FFB];
	_ =	sdelay $0x3  }
0x92: {  	_ =	strace s17  }
0x93: {  	s2 =	sld [smem:$0x3FFC];
	_ =	sdelay $0x3  }
0x94: {  	_ =	strace s2  }
0x95: {  	s2 =	sld [smem:$0x3FFD];
	_ =	sdelay $0x3  }
0x96: {  	_ =	strace s2  }
0x97: {  	_ =	strace $0x8FFFFFFF  }
0x98: {  	s18 =	sld [smem:$0x3FDB];
	_ =	sdelay $0x1  }
0x99: {  	s19 =	simm.s32 $_scs_section_size  }
0x9a: {  	s4 =	simm.s32 $_size__tile_overlayer_lowered;
	s5 =	simm.s32 $_tile_overlayer_lowered  }
0x9b: {  	s22 =	simm.s32 $0x1BFF;
	s21 =	sshll.u32 s5, $0x1;
	s2 =	sadd.s32 s19, s18  }
0x9c: {  	s6 =	simm.s32 $0x0;
	s20 =	sshll.u32 s4, $0x1;
	s4 =	sadd.s32 s21, s2  }
0x9d: {  	[timem:s6], [sflag:s22] =	dma.local [hbm:s4], s20  }
0x9e: {  	_ =	swait.ge [sflag:s22], s20  }
0x9f: {  	s3 =	ssub.s32 $0x0, s20;
	[sflag:s22] =	ssyncset.done $0x0  }
0xa0: {  	[sflag:s22] =	ssyncadd.s32 s3;
	_ =	sdelay $0x1  }
0xa1: {  	s23 =	simm.s32 $0x1B8B  }
0xa2: {  	_ =	swait.ge [sflag:s23], $0x1  }
0xa3: {  	[sflag:s23] =	ssyncset.done $0x0  }
0xa4: {  	s25 =	simm.s32 $0x1B8E;
	s24 =	sld [smem:$0x3FFE];
	[sflag:s23] =	ssyncadd.s32 $0xFFFFFFFF  }
0xa5: {  	s26 =	simm.s32 $execute0_lowered;
	[smem:$0x3FD2] =	sst s25  }
0xa6: {  	s4 =	sshll.u32 s26, $0x1;
	_ =	strace $0x8000004C;
	[dreg:$0x1] =	wrdreg $0xFFFFFFFF  }
0xa7: {  	s28 =	simm.s32 $_size_execute0_lowered;
	s2 =	sadd.s32 s2, s4;
	[dreg:$0x0] =	wrdreg $0x0  }
0xa8: {  	s4 =	sshll.u32 s28, $0x1;
	[dreg:$0x2] =	wrdreg s2  }
0xa9: {  	[dreg:$0x3] =	wrdreg s4  }
0xaa: {  	[dreg:$0x4] =	wrdreg $0xC0  }
0xab: {  	_ =	task [dreg:s6], $0x5FFFF  }
0xac: {  	[dreg:$0x1] =	wrdreg $0xFFFFFFFF  }
0xad: {  	[dreg:$0x0] =	wrdreg $0x60  }
0xae: {  	[dreg:$0x2] =	wrdreg s24  }
0xaf: {  	[dreg:$0x3] =	wrdreg $0x0  }
0xb0: {  	[dreg:$0x4] =	wrdreg $0x9  }
0xb1: {  	_ =	task.clear_ibuf [dreg:s6], $0x5FFFF;
	_ =	strace $0x9000004C  }
0xb2: {  	s29 =	simm.s32 $0x9;
	_ =	strace $0x8000004E  }
0xb3: {  	_ =	swait.ge [sflag:s29], $0x1  }
0xb4: {  	[sflag:s29] =	ssyncadd.s32 $0xFFFFFFFF  }
0xb5: {  	_ =	strace $0x9000004E  }
0xb6: {  	_ =	sfence  }
0xb7: {  	s30 =	sld [smem:$0x0];
	_ =	sdelay $0x2  }
0xb8: {  	s31 =	sshll.u32 s1, $0xD;
	s1 =	sshrl.u32 s1, $0x2  }
0xb9: {  	s3 =	sand.u32 $0x4000, s31;
	s1 =	sadd.s32 s1, s30  }
0xba: {  	s0 =	sor.u32 s3, s0;
	s1 =	sshll.u32 s1, $0x11  }
0xbb: {  	s0 =	sor.u32 s1, s0  }
0xbc: {  	s0 =	sadd.s32 $0x8F2B, s0  }
0xbd: {  	[sflag:s0] =	ssyncadd.remote.s32 $0x1  }
0xbe: {  	_ =	sfence.sel $0xFFFF  }
0xbf: {  	[dreg:$0x0] =	wrdreg $0xFFFFFFFF;
	(pc) =	sbr.abs _section_cstart, $3  }
0xc0: {  	[dreg:$0x1] =	wrdreg $0xFFFFFFFF  }
0xc1: {  	_ =	task.clear_ibuf [dreg:s6], $0x2FFFF;
	_ =	strace $0x9FFFFFFF  }
0xc2: {  	(tm) =	ssettm $0x7FFFFFFF  }
0xc3: {  	_ =	shalt  }
tec
execute0_lowered:
.L_overlay_start_1:
0x0: {  	(tag) =	ssettag $0x1  }
0x1: {  	s6 =	rddreg [dreg:$0x0]  }
0x2: {  	s1 =	rddreg [dreg:$0x1]  }
0x3: {  	s0 =	rddreg [dreg:$0x2];
	s2 =	simm.s32 $0x0;
	s3 =	srdreg.scid  }
0x4: {  	s17 =	simm.s32 $0x14C80;
	s18 =	simm.s32 $0x7D;
	s19 =	simm.s32 $0x1A080  }
0x5: {  	s20 =	simm.s32 $0x1;
	s21 =	simm.s32 $0x2;
	s22 =	simm.s32 $0x14C00  }
0x6: {  	s23 =	simm.s32 $0x15F80;
	s24 =	simm.s32 $0x16000;
	[smem:$0x7FF] =	sst s2  }
0x7: {  	s4 =	sadd.s32 $0x65C00, s6;
	s9 =	sadd.s32 $0x5BC00, s6;
	s7 =	sand.u32 $0x1, s3  }
0x8: {  	s3 =	stileid.u32;
	s10 =	sadd.s32 $0x2C00, s6;
	s5 =	sadd.s32 $0xD400, s6  }
0x9: {  	_ =	strace $0x8000004D;
	s8 =	smul.u32 $0x27100, s7;
	s11 =	sshll.u32 s3, $0x1  }
0xa: {  	s12 =	ssub.s32 $0x2, s7;
	p0 =	seq.s32 s3, $0xF;
	s14 =	smul.u32 $0x50000, s3  }
0xb: {  	s16 =	smul.u32 $0x2800, s3;
	s7 =	sor.u32 s7, s11;
	s26 =	sshrl.u32 s12, $0x1  }
0xc: {  	s25 =	sadd.s32 s8, s6;
	s28 =	smul.u32 $0x2800, s7;
	s12 =	ssub.s32 s12, s26  }
0xd: {  	s13 =	smul.u32 $0x500, s7;
	s6 =	simm.s32 $0x5;
	s30 =	sshrl.u32 s14, $0x2  }
0xe: {  	s14 =	simm.s32 $0x16080;
	s6 =	simm.s32 @!p0 $0x8;
	s31 =	sadd.s32 s16, s25  }
0xf: {  	s11 =	smax.u32 s12, $0x1;
	s12 =	sadd.s32 s30, s1;
	s16 =	simm.s32 $0x13880  }
0x10: {  	s25 =	simm.s32 $0x0;
	s29 =	sshrl.u32 s28, $0x3;
	s7 =	sadd.s32 s9, s13  }
0x11: {  	s8 =	sadd.s32 s10, s13;
	s13 =	sadd.s32 $0x8CE00, s31;
	s15 =	sadd.s32 $0x280, s29  }
0x12: {  	s9 =	sadd.s32 s9, s15;
	s10 =	sadd.s32 s10, s15;
	s15 =	simm.s32 $0x3  }
.LBB2_1:
0x13: {  	[tilespmem:s14], [sflag:$0x3] =	stream.linear.gather [hbm4b:s5+s2], $0x2800, $0x38;
	[tilespmem:$0x1E080] =	vst v63  }
0x14: {  	p0 =	sne.s32 s6, $0x1;
	_ =	swait.ge [sflag:s15], $0x2800  }
.Ltmp0:
0x15: {  	[sflag:s15] =	ssyncset.done $0x0;
	(pc) =	sbr.rel @!p0 .LBB2_3-.Ltmp0, $4  }
0x16: {  	[sflag:s15] =	ssyncadd.s32 $0xFFFFD800  }
0x17: {  	[spmem:s12] =	stream.linear.scatter [tilespmem:s14], [sflag:$0x3], $0x2800, $0x38;
	[tilespmem:$0x1E080] =	vst v63  }
0x18: {  	_ =	swait.ge [sflag:s15], $0x2800  }
0x19: {  	s26 =	sadd.s32 $0xFFFFFFFF, s6;
	s28 =	smov.u32 s12;
	[sflag:s15] =	ssyncset.done $0x0  }
.LBB2_2:
0x1a: {  	p1 =	sne.s32 s26, $0x1;
	[sflag:s15] =	ssyncadd.s32 $0xFFFFD800;
	s28 =	sadd.s32 $0x2800, s28  }
.Ltmp1:
0x1b: {  	s26 =	sadd.s32 $0xFFFFFFFF, s26;
	(pc) =	sbr.rel @p1 .LBB2_2-.Ltmp1, $4  }
0x1c: {  	_ = 	snop  }
0x1d: {  	[spmem:s28] =	stream.linear.scatter [tilespmem:s14], [sflag:$0x3], $0x2800, $0x38;
	[tilespmem:$0x1E080] =	vst v63  }
0x1e: {  	_ =	swait.ge [sflag:s15], $0x2800  }
0x1f: {  	[sflag:s15] =	ssyncset.done $0x0  }
.LBB2_3:
0x20: {  	[sflag:s15] =	ssyncadd.s32 $0xFFFFD800  }
0x21: {  	s26 =	simm.s32 $0x0;
	[bflag:$0x0] =	sbarrier.arrive $0xFFFF  }
0x22: {  	[tilespmem:s16], [sflag:$0x3] =	stream.linear.gather [hbm4b:s7+s26], $0x1400, $0x38;
	[tilespmem:$0x1E080] =	vst v63  }
0x23: {  	_ =	swait.ge [sflag:s15], $0x1400  }
0x24: {  	[sflag:s15] =	ssyncset.done $0x0  }
0x25: {  	[sflag:s15] =	ssyncadd.s32 $0xFFFFEC00  }
0x26: {  	[tilespmem:s17], [sflag:$0x3] =	stream.linear.gather [hbm4b:s8+s26], $0x1400, $0x38;
	[tilespmem:$0x1E080] =	vst v63  }
0x27: {  	_ =	swait.ge [sflag:s15], $0x1400  }
0x28: {  	[sflag:s15] =	ssyncset.done $0x0  }
0x29: {  	[sflag:s15] =	ssyncadd.s32 $0xFFFFEC00  }
0x2a: {  	[tilespmem:s14], [sflag:$0x1] =	stream.indirect.gather [hbm4b:s4+s18], $0x80, s16, s18, $0xb8;
	[tilespmem:$0x1E080] =	vst v63  }
0x2b: {  	s31 =	simm.s32 $0x13900  }
0x2c: {  	[tilespmem:s19], [sflag:$0x2] =	stream.indirect.gather [hbm4b:s4+s18], $0x80, s31, s18, $0xb8;
	[tilespmem:$0x1E080] =	vst v63  }
0x2d: {  	_ =	swait.ge [sflag:s20], $0x3E80  }
0x2e: {  	[sflag:s20] =	ssyncset.done $0x0  }
0x2f: {  	s29 =	simm.s32 $0x14C80;
	[sflag:s20] =	ssyncadd.s32 $0xFFFFC180  }
0x30: {  	[spmem:s1] =	stream.indirect.scatter.add.f32 [tilespmem:s14], [sflag:$0x3], $0x80, s29, s18, $0xb8;
	[tilespmem:$0x1E080] =	vst v63  }
0x31: {  	_ =	swait.ge [sflag:s15], $0x3E80  }
0x32: {  	[sflag:s15] =	ssyncset.done $0x0  }
0x33: {  	s30 =	simm.s32 $0x13980;
	[sflag:s15] =	ssyncadd.s32 $0xFFFFC180  }
0x34: {  	[tilespmem:s14], [sflag:$0x1] =	stream.indirect.gather [hbm4b:s4+s18], $0x80, s30, s18, $0xb8;
	[tilespmem:$0x1E080] =	vst v63  }
0x35: {  	_ =	swait.ge [sflag:s21], $0x3E80  }
0x36: {  	[sflag:s21] =	ssyncset.done $0x0  }
0x37: {  	s31 =	simm.s32 $0x14D00;
	[sflag:s21] =	ssyncadd.s32 $0xFFFFC180  }
0x38: {  	[spmem:s1] =	stream.indirect.scatter.add.f32 [tilespmem:s19], [sflag:$0x3], $0x80, s31, s18, $0xb8;
	[tilespmem:$0x1E080] =	vst v63  }
0x39: {  	_ =	swait.ge [sflag:s15], $0x3E80  }
0x3a: {  	s28 =	simm.s32 $0x800;
	s26 =	simm.s32 $0x100;
	[sflag:s15] =	ssyncset.done $0x0  }
.LBB2_4:
0x3b: {  	s29 =	sadd.s32 $0x13900, s26  }
0x3c: {  	[sflag:s15] =	ssyncadd.s32 $0xFFFFC180;
	s30 =	smov.u32 s28;
	s31 =	sadd.s32 $0x400, s28  }
0x3d: {  	[tilespmem:s19], [sflag:$0x2] =	stream.indirect.gather [hbm4b:s4+s18], $0x80, s29, s18, $0xb8;
	[tilespmem:$0x1E080] =	vst v63  }
0x3e: {  	p1 =	sne.s32 s28, $0x4800;
	_ =	swait.ge [sflag:s20], $0x3E80  }
0x3f: {  	[sflag:s20] =	ssyncset.done $0x0  }
0x40: {  	s28 =	sadd.s32 $0x14C80, s26;
	[sflag:s20] =	ssyncadd.s32 $0xFFFFC180  }
0x41: {  	[spmem:s1] =	stream.indirect.scatter.add.f32 [tilespmem:s14], [sflag:$0x3], $0x80, s28, s18, $0xb8;
	[tilespmem:$0x1E080] =	vst v63  }
0x42: {  	_ =	swait.ge [sflag:s15], $0x3E80  }
0x43: {  	[sflag:s15] =	ssyncset.done $0x0  }
0x44: {  	s28 =	sadd.s32 $0x13980, s26;
	[sflag:s15] =	ssyncadd.s32 $0xFFFFC180  }
0x45: {  	[tilespmem:s14], [sflag:$0x1] =	stream.indirect.gather [hbm4b:s4+s18], $0x80, s28, s18, $0xb8;
	[tilespmem:$0x1E080] =	vst v63  }
0x46: {  	_ =	swait.ge [sflag:s21], $0x3E80  }
.Ltmp2:
0x47: {  	[sflag:s21] =	ssyncset.done $0x0;
	(pc) =	sbr.rel @p1 .LBB2_4-.Ltmp2, $4  }
0x48: {  	s26 =	sadd.s32 $0x14D00, s26;
	[sflag:s21] =	ssyncadd.s32 $0xFFFFC180  }
0x49: {  	[spmem:s1] =	stream.indirect.scatter.add.f32 [tilespmem:s19], [sflag:$0x3], $0x80, s26, s18, $0xb8;
	[tilespmem:$0x1E080] =	vst v63  }
0x4a: {  	_ =	swait.ge [sflag:s15], $0x3E80  }
0x4b: {  	s28 =	smov.u32 s31;
	s26 =	sshra.s32 s30, $0x2;
	[sflag:s15] =	ssyncset.done $0x0  }
0x4c: {  	s28 =	sadd.s32 $0x13900, s26;
	[sflag:s15] =	ssyncadd.s32 $0xFFFFC180  }
0x4d: {  	[tilespmem:s19], [sflag:$0x2] =	stream.indirect.gather [hbm4b:s4+s18], $0x80, s28, s18, $0xb8;
	[tilespmem:$0x1E080] =	vst v63  }
0x4e: {  	_ =	swait.ge [sflag:s20], $0x3E80  }
0x4f: {  	[sflag:s20] =	ssyncset.done $0x0  }
0x50: {  	s28 =	sadd.s32 $0x14C80, s26;
	[sflag:s20] =	ssyncadd.s32 $0xFFFFC180  }
0x51: {  	[spmem:s1] =	stream.indirect.scatter.add.f32 [tilespmem:s14], [sflag:$0x3], $0x80, s28, s18, $0xb8;
	[tilespmem:$0x1E080] =	vst v63  }
0x52: {  	_ =	swait.ge [sflag:s15], $0x3E80  }
0x53: {  	[sflag:s15] =	ssyncset.done $0x0  }
0x54: {  	s28 =	sadd.s32 $0x13980, s26;
	[sflag:s15] =	ssyncadd.s32 $0xFFFFC180  }
0x55: {  	[tilespmem:s14], [sflag:$0x1] =	stream.indirect.gather [hbm4b:s4+s18], $0x80, s28, s18, $0xb8;
	[tilespmem:$0x1E080] =	vst v63  }
0x56: {  	_ =	swait.ge [sflag:s21], $0x3E80  }
0x57: {  	[sflag:s21] =	ssyncset.done $0x0  }
0x58: {  	s29 =	sadd.s32 $0x14D00, s26;
	[sflag:s21] =	ssyncadd.s32 $0xFFFFC180  }
0x59: {  	[spmem:s1] =	stream.indirect.scatter.add.f32 [tilespmem:s19], [sflag:$0x3], $0x80, s29, s18, $0xb8;
	[tilespmem:$0x1E080] =	vst v63  }
0x5a: {  	_ =	swait.ge [sflag:s15], $0x3E80  }
0x5b: {  	[sflag:s15] =	ssyncset.done $0x0  }
0x5c: {  	[sflag:s15] =	ssyncadd.s32 $0xFFFFC180  }
0x5d: {  	[tilespmem:s19], [sflag:$0x2] =	stream.indirect.gather [hbm4b:s4+s18], $0x80, s22, s18, $0xb8;
	[tilespmem:$0x1E080] =	vst v63  }
0x5e: {  	_ =	swait.ge [sflag:s20], $0x3E80  }
0x5f: {  	[sflag:s20] =	ssyncset.done $0x0  }
0x60: {  	[sflag:s20] =	ssyncadd.s32 $0xFFFFC180  }
0x61: {  	[spmem:s1] =	stream.indirect.scatter.add.f32 [tilespmem:s14], [sflag:$0x3], $0x80, s23, s18, $0xb8;
	[tilespmem:$0x1E080] =	vst v63  }
0x62: {  	_ =	swait.ge [sflag:s15], $0x3E80  }
0x63: {  	[sflag:s15] =	ssyncset.done $0x0  }
0x64: {  	[sflag:s15] =	ssyncadd.s32 $0xFFFFC180  }
0x65: {  	_ =	swait.ge [sflag:s21], $0x3E80  }
0x66: {  	[sflag:s21] =	ssyncset.done $0x0  }
0x67: {  	[sflag:s21] =	ssyncadd.s32 $0xFFFFC180  }
0x68: {  	[spmem:s1] =	stream.indirect.scatter.add.f32 [tilespmem:s19], [sflag:$0x3], $0x80, s24, s18, $0xb8;
	[tilespmem:$0x1E080] =	vst v63  }
0x69: {  	_ =	swait.ge [sflag:s15], $0x3E80  }
0x6a: {  	[sflag:s15] =	ssyncset.done $0x0  }
0x6b: {  	s30 =	simm.s32 $0x0;
	[sflag:s15] =	ssyncadd.s32 $0xFFFFC180  }
0x6c: {  	[tilespmem:s16], [sflag:$0x3] =	stream.linear.gather [hbm4b:s9+s30], $0x1400, $0x38;
	[tilespmem:$0x1E080] =	vst v63  }
0x6d: {  	_ =	swait.ge [sflag:s15], $0x1400  }
0x6e: {  	[sflag:s15] =	ssyncset.done $0x0  }
0x6f: {  	[sflag:s15] =	ssyncadd.s32 $0xFFFFEC00  }
0x70: {  	[tilespmem:s17], [sflag:$0x3] =	stream.linear.gather [hbm4b:s10+s30], $0x1400, $0x38;
	[tilespmem:$0x1E080] =	vst v63  }
0x71: {  	_ =	swait.ge [sflag:s15], $0x1400  }
0x72: {  	[sflag:s15] =	ssyncset.done $0x0  }
0x73: {  	[sflag:s15] =	ssyncadd.s32 $0xFFFFEC00  }
0x74: {  	[tilespmem:s14], [sflag:$0x1] =	stream.indirect.gather [hbm4b:s4+s18], $0x80, s16, s18, $0xb8;
	[tilespmem:$0x1E080] =	vst v63  }
0x75: {  	s31 =	simm.s32 $0x13900  }
0x76: {  	[tilespmem:s19], [sflag:$0x2] =	stream.indirect.gather [hbm4b:s4+s18], $0x80, s31, s18, $0xb8;
	[tilespmem:$0x1E080] =	vst v63  }
0x77: {  	_ =	swait.ge [sflag:s20], $0x3E80  }
0x78: {  	[sflag:s20] =	ssyncset.done $0x0  }
0x79: {  	s29 =	simm.s32 $0x14C80;
	[sflag:s20] =	ssyncadd.s32 $0xFFFFC180  }
0x7a: {  	[spmem:s1] =	stream.indirect.scatter.add.f32 [tilespmem:s14], [sflag:$0x3], $0x80, s29, s18, $0xb8;
	[tilespmem:$0x1E080] =	vst v63  }
0x7b: {  	_ =	swait.ge [sflag:s15], $0x3E80  }
0x7c: {  	[sflag:s15] =	ssyncset.done $0x0  }
0x7d: {  	s30 =	simm.s32 $0x13980;
	[sflag:s15] =	ssyncadd.s32 $0xFFFFC180  }
0x7e: {  	[tilespmem:s14], [sflag:$0x1] =	stream.indirect.gather [hbm4b:s4+s18], $0x80, s30, s18, $0xb8;
	[tilespmem:$0x1E080] =	vst v63  }
0x7f: {  	_ =	swait.ge [sflag:s21], $0x3E80  }
0x80: {  	[sflag:s21] =	ssyncset.done $0x0  }
0x81: {  	s31 =	simm.s32 $0x14D00;
	[sflag:s21] =	ssyncadd.s32 $0xFFFFC180  }
0x82: {  	[spmem:s1] =	stream.indirect.scatter.add.f32 [tilespmem:s19], [sflag:$0x3], $0x80, s31, s18, $0xb8;
	[tilespmem:$0x1E080] =	vst v63  }
0x83: {  	_ =	swait.ge [sflag:s15], $0x3E80  }
0x84: {  	s26 =	simm.s32 $0x100;
	s28 =	simm.s32 $0x800;
	[sflag:s15] =	ssyncset.done $0x0  }
.LBB2_6:
0x85: {  	s29 =	sadd.s32 $0x13900, s26  }
0x86: {  	[sflag:s15] =	ssyncadd.s32 $0xFFFFC180;
	s30 =	smov.u32 s28;
	s31 =	sadd.s32 $0x400, s28  }
0x87: {  	[tilespmem:s19], [sflag:$0x2] =	stream.indirect.gather [hbm4b:s4+s18], $0x80, s29, s18, $0xb8;
	[tilespmem:$0x1E080] =	vst v63  }
0x88: {  	p1 =	sne.s32 s28, $0x4800;
	_ =	swait.ge [sflag:s20], $0x3E80  }
0x89: {  	[sflag:s20] =	ssyncset.done $0x0  }
0x8a: {  	s28 =	sadd.s32 $0x14C80, s26;
	[sflag:s20] =	ssyncadd.s32 $0xFFFFC180  }
0x8b: {  	[spmem:s1] =	stream.indirect.scatter.add.f32 [tilespmem:s14], [sflag:$0x3], $0x80, s28, s18, $0xb8;
	[tilespmem:$0x1E080] =	vst v63  }
0x8c: {  	_ =	swait.ge [sflag:s15], $0x3E80  }
0x8d: {  	[sflag:s15] =	ssyncset.done $0x0  }
0x8e: {  	s28 =	sadd.s32 $0x13980, s26;
	[sflag:s15] =	ssyncadd.s32 $0xFFFFC180  }
0x8f: {  	[tilespmem:s14], [sflag:$0x1] =	stream.indirect.gather [hbm4b:s4+s18], $0x80, s28, s18, $0xb8;
	[tilespmem:$0x1E080] =	vst v63  }
0x90: {  	_ =	swait.ge [sflag:s21], $0x3E80  }
.Ltmp3:
0x91: {  	[sflag:s21] =	ssyncset.done $0x0;
	(pc) =	sbr.rel @p1 .LBB2_6-.Ltmp3, $4  }
0x92: {  	s26 =	sadd.s32 $0x14D00, s26;
	[sflag:s21] =	ssyncadd.s32 $0xFFFFC180  }
0x93: {  	[spmem:s1] =	stream.indirect.scatter.add.f32 [tilespmem:s19], [sflag:$0x3], $0x80, s26, s18, $0xb8;
	[tilespmem:$0x1E080] =	vst v63  }
0x94: {  	_ =	swait.ge [sflag:s15], $0x3E80  }
0x95: {  	s28 =	smov.u32 s31;
	s26 =	sshra.s32 s30, $0x2;
	[sflag:s15] =	ssyncset.done $0x0  }
0x96: {  	s28 =	sadd.s32 $0x13900, s26;
	[sflag:s15] =	ssyncadd.s32 $0xFFFFC180  }
0x97: {  	[tilespmem:s19], [sflag:$0x2] =	stream.indirect.gather [hbm4b:s4+s18], $0x80, s28, s18, $0xb8;
	[tilespmem:$0x1E080] =	vst v63  }
0x98: {  	_ =	swait.ge [sflag:s20], $0x3E80  }
0x99: {  	[sflag:s20] =	ssyncset.done $0x0  }
0x9a: {  	s28 =	sadd.s32 $0x14C80, s26;
	[sflag:s20] =	ssyncadd.s32 $0xFFFFC180  }
0x9b: {  	[spmem:s1] =	stream.indirect.scatter.add.f32 [tilespmem:s14], [sflag:$0x3], $0x80, s28, s18, $0xb8;
	[tilespmem:$0x1E080] =	vst v63  }
0x9c: {  	_ =	swait.ge [sflag:s15], $0x3E80  }
0x9d: {  	[sflag:s15] =	ssyncset.done $0x0  }
0x9e: {  	s28 =	sadd.s32 $0x13980, s26;
	[sflag:s15] =	ssyncadd.s32 $0xFFFFC180  }
0x9f: {  	[tilespmem:s14], [sflag:$0x1] =	stream.indirect.gather [hbm4b:s4+s18], $0x80, s28, s18, $0xb8;
	[tilespmem:$0x1E080] =	vst v63  }
0xa0: {  	_ =	swait.ge [sflag:s21], $0x3E80  }
0xa1: {  	[sflag:s21] =	ssyncset.done $0x0  }
0xa2: {  	s31 =	sadd.s32 $0x14D00, s26;
	[sflag:s21] =	ssyncadd.s32 $0xFFFFC180  }
0xa3: {  	[spmem:s1] =	stream.indirect.scatter.add.f32 [tilespmem:s19], [sflag:$0x3], $0x80, s31, s18, $0xb8;
	[tilespmem:$0x1E080] =	vst v63  }
0xa4: {  	_ =	swait.ge [sflag:s15], $0x3E80  }
0xa5: {  	[sflag:s15] =	ssyncset.done $0x0  }
0xa6: {  	[sflag:s15] =	ssyncadd.s32 $0xFFFFC180  }
0xa7: {  	[tilespmem:s19], [sflag:$0x2] =	stream.indirect.gather [hbm4b:s4+s18], $0x80, s22, s18, $0xb8;
	[tilespmem:$0x1E080] =	vst v63  }
0xa8: {  	_ =	swait.ge [sflag:s20], $0x3E80  }
0xa9: {  	[sflag:s20] =	ssyncset.done $0x0  }
0xaa: {  	[sflag:s20] =	ssyncadd.s32 $0xFFFFC180  }
0xab: {  	[spmem:s1] =	stream.indirect.scatter.add.f32 [tilespmem:s14], [sflag:$0x3], $0x80, s23, s18, $0xb8;
	[tilespmem:$0x1E080] =	vst v63  }
0xac: {  	_ =	swait.ge [sflag:s15], $0x3E80  }
0xad: {  	[sflag:s15] =	ssyncset.done $0x0  }
0xae: {  	[sflag:s15] =	ssyncadd.s32 $0xFFFFC180  }
0xaf: {  	_ =	swait.ge [sflag:s21], $0x3E80  }
0xb0: {  	[sflag:s21] =	ssyncset.done $0x0  }
0xb1: {  	[sflag:s21] =	ssyncadd.s32 $0xFFFFC180  }
0xb2: {  	[spmem:s1] =	stream.indirect.scatter.add.f32 [tilespmem:s19], [sflag:$0x3], $0x80, s24, s18, $0xb8;
	[tilespmem:$0x1E080] =	vst v63  }
0xb3: {  	_ =	swait.ge [sflag:s15], $0x3E80  }
0xb4: {  	[sflag:s15] =	ssyncset.done $0x0  }
0xb5: {  	[sflag:s15] =	ssyncadd.s32 $0xFFFFC180  }
0xb6: {  	[bflag:$0x0] =	sbarrier.arrive $0xFFFF  }
0xb7: {  	[tilespmem:s14], [sflag:$0x3] =	stream.linear.gather [spmem:s12], $0x2800, $0x38;
	[tilespmem:$0x1E080] =	vst v63  }
0xb8: {  	_ =	swait.ge [sflag:s15], $0x2800  }
.Ltmp4:
0xb9: {  	[sflag:s15] =	ssyncset.done $0x0;
	(pc) =	sbr.rel @!p0 .LBB2_9-.Ltmp4, $4  }
0xba: {  	[sflag:s15] =	ssyncadd.s32 $0xFFFFD800  }
0xbb: {  	[hbm4b:s13+s2] =	stream.linear.scatter [tilespmem:s14], [sflag:$0x3], $0x2800, $0x38;
	[tilespmem:$0x1E080] =	vst v63  }
0xbc: {  	s29 =	smov.u32 s13;
	_ =	swait.ge [sflag:s15], $0x2800  }
0xbd: {  	s26 =	sadd.s32 $0xFFFFFFFF, s6;
	s28 =	smov.u32 s12;
	[sflag:s15] =	ssyncset.done $0x0  }
.LBB2_8:
0xbe: {  	[sflag:s15] =	ssyncadd.s32 $0xFFFFD800;
	s28 =	sadd.s32 $0x2800, s28;
	s29 =	sadd.s32 $0x500, s29  }
0xbf: {  	[tilespmem:s14], [sflag:$0x3] =	stream.linear.gather [spmem:s28], $0x2800, $0x38;
	[tilespmem:$0x1E080] =	vst v63  }
0xc0: {  	p0 =	sne.s32 s26, $0x1;
	s26 =	sadd.s32 $0xFFFFFFFF, s26;
	_ =	swait.ge [sflag:s15], $0x2800  }
.Ltmp5:
0xc1: {  	[sflag:s15] =	ssyncset.done $0x0;
	(pc) =	sbr.rel @p0 .LBB2_8-.Ltmp5, $4  }
0xc2: {  	[sflag:s15] =	ssyncadd.s32 $0xFFFFD800  }
0xc3: {  	[hbm4b:s29+s2] =	stream.linear.scatter [tilespmem:s14], [sflag:$0x3], $0x2800, $0x38;
	[tilespmem:$0x1E080] =	vst v63  }
0xc4: {  	_ =	swait.ge [sflag:s15], $0x2800  }
0xc5: {  	[sflag:s15] =	ssyncset.done $0x0  }
.LBB2_9:
0xc6: {  	s25 =	sadd.s32 $0x1, s25  }
0xc7: {  	p0 =	sne.s32 s25, s11  }
.Ltmp6:
0xc8: {  	_ = 	snop;
	(pc) =	sbr.rel @p0 .LBB2_1-.Ltmp6, $2  }
0xc9: {  	_ =	sdelay $0x2  }
0xca: {  	[sflag:s15] =	ssyncadd.s32 $0xFFFFD800  }
0xcb: {  	_ =	sfence.sel $0x180000  }
0xcc: {  	[bflag:$0x0] =	sbarrier.arrive $0xFFFF  }
0xcd: {  	p0 =	sne.s32 s3, $0x0;
	_ =	strace $0x9000004D  }
0xce: {  	s0 =	sadd.s32 @!p0 $0x100000, s0;
	[bflag:$0x2] =	sbarrier.arrive $0xFFFF  }
0xcf: {  	[sflag:s0] =	ssyncadd.tile.s32 @!p0 $0x1;
	_ =	shalt  }
.Lfunc_end2:
_tile_overlayer_lowered:
.L_overlay_start_2:
0xd0: {  	(tag) =	ssettag $0x2  }
0xd1: {  	s0 =	rddreg [dreg:$0x0];
	s2 =	stileid.u32  }
0xd2: {  	s1 =	rddreg [dreg:$0x1];
	p0 =	sne.s32 s2, $0x0  }
0xd3: {  	s3 =	rddreg [dreg:$0x2];
	[bflag:$0x3] =	sbarrier.arrive $0xFFFF;
	s2 =	simm.s32 @!p0 $0x1C03  }
0xd4: {  	[timem:s3], [sflag:s2] =	dma.local @!p0 [hbm:s0], s1  }
0xd5: {  	s0 =	simm.s32 @!p0 $0x3  }
0xd6: {  	_ =	swait.ge @!p0 [sflag:s0], s1  }
0xd7: {  	s1 =	ssub.s32 @!p0 $0x0, s1;
	[sflag:s0] =	ssyncset.done @!p0 $0x0  }
0xd8: {  	[sflag:s0] =	ssyncadd.s32 @!p0 s1  }
0xd9: {  	[bflag:$0x3] =	sbarrier.arrive $0xFFFF  }
0xda: {  	_ =	shalt  }

// kernel: kernel.8.cloned.1.call-start
scs
__scs_entry_jumppad:
0x0: {  	(pc) =	sbr.rel $0x88, $3  }
0x1: {  	(tag) =	ssettag $0x0;
	lr =	simm.s32 $0x1  }
0x2: {  	[smem:$0x3F97] =	sst lr;
	_ =	strace $0xD0000000  }
0x3: {  	_ = 	snop  }
0x4: {  	_ = 	snop  }
0x5: {  	_ = 	snop  }
0x6: {  	_ = 	snop  }
0x7: {  	_ = 	snop  }
__scs_overlays_trampoline_lowered:
0x8: {  	[smem:$0x3FA6] =	sst s0  }
0x9: {  	[smem:$0x3FA7] =	sst s1  }
0xa: {  	[smem:$0x3FA8] =	sst s2  }
0xb: {  	[smem:$0x3FA9] =	sst s3  }
0xc: {  	[smem:$0x3FAA] =	sst s4  }
0xd: {  	[smem:$0x3FAB] =	sst s5  }
0xe: {  	[smem:$0x3FAC] =	sst s6  }
0xf: {  	[smem:$0x3FAD] =	sst s7  }
0x10: {  	[smem:$0x3FAE] =	sst s8  }
0x11: {  	[smem:$0x3FAF] =	sst s9;
	s0 =	simm.s32 @!p0 $0x0  }
0x12: {  	s1 =	sld [smem:$0x3F95];
	s0 =	simm.s32 @p0 $0x1  }
0x13: {  	[smem:$0x3FB0] =	sst s0;
	s0 =	simm.s32 @!p1 $0x0  }
0x14: {  	s2 =	sld [smem:$0x3F94];
	s0 =	simm.s32 @p1 $0x1  }
0x15: {  	[smem:$0x3FB1] =	sst s0;
	s0 =	simm.s32 @!p2 $0x0  }
0x16: {  	s3 =	sld [smem:$0x3FDB];
	s0 =	simm.s32 @p2 $0x1  }
0x17: {  	s4 =	simm.s32 $0x1BF5;
	[smem:$0x3FB3] =	sst s0  }
0x18: {  	s0 =	sld [smem:$0x3F96];
	_ =	swait.ge [sflag:s4], $0x0  }
0x19: {  	s7 =	sld [smem:$0x3F97]  }
0x1a: {  	s8 =	sadd.s32 $0xFFFFE003, lr  }
0x1b: {  	s9 =	sadd.s32 $0xFFFFFEF7, lr;
	s5 =	simm.s32 $0xFFFFFFFF;
	p2 =	slt.u32 s8, $0xFFFFF086  }
0x1c: {  	p1 =	slt.u32 s9, $0xF7A;
	s5 =	simm.s32 @!p2 $0x0  }
0x1d: {  	s5 =	simm.s32 @p1 $0x1;
	p0 =	seq.s32 s7, s2  }
0x1e: {  	s7 =	smul.u32 @!p0 $0xF7A, s2;
	p2 =	seq.s32 @!p0 s5, $0x0  }
0x1f: {  	s9 =	smul.u32 $0xF7A, s1;
	s8 =	simm.s32 @!p0 $0x1BF5;
	p2 =	por !p2, p0  }
0x20: {  	[sflag:s8] =	ssyncset.s32 @!p0 $0xFFFFF086;
	s6 =	sadd.s32 @!p0 s3, s7;
	s7 =	simm.s32 @!p0 $0x108  }
0x21: {  	s3 =	sadd.s32 s3, s9;
	s6 =	sadd.s32 @!p0 $0x88, s6;
	s7 =	simm.s32 @p2 $0x1082  }
0x22: {  	[simem:s7], [sflag:s8] =	dma.local @!p0 [hbm:s6], $0xF7A  }
0x23: {  	s9 =	sor.u32 $0xD0000000, s2;
	s6 =	simm.s32 $0x108;
	_ =	swait.ge @!p0 [sflag:s8], $0x0  }
0x24: {  	s3 =	sadd.s32 $0x88, s3;
	s6 =	simm.s32 @!p1 $0x1082;
	[sflag:s4] =	ssyncset.s32 $0xFFFFF086  }
0x25: {  	[simem:s6], [sflag:s4] =	dma.local [hbm:s3], $0xF7A  }
0x26: {  	[smem:$0x3F97] =	sst s1;
	(tag) =	ssettag s2;
	_ =	strace s9  }
0x27: {  	s1 =	sld [smem:$0x3FA7]  }
0x28: {  	s2 =	sld [smem:$0x3FA8]  }
0x29: {  	s4 =	sld [smem:$0x3FAA]  }
0x2a: {  	p0 =	seq.s32 s5, $0x0;
	s5 =	sld [smem:$0x3FAB]  }
0x2b: {  	s6 =	sld [smem:$0x3FAC]  }
0x2c: {  	s7 =	sld [smem:$0x3FAD]  }
0x2d: {  	s3 =	simm.s32 $0x108;
	s8 =	sld [smem:$0x3FAE]  }
0x2e: {  	s3 =	simm.s32 @!p0 $0x1082;
	s9 =	sld [smem:$0x3FAF]  }
0x2f: {  	lr =	sadd.s32 s0, s3;
	s0 =	sld [smem:$0x3FA6]  }
0x30: {  	s3 =	sld [smem:$0x3FA9]  }
0x31: {  	[smem:$0x3FB2] =	sst s10  }
0x32: {  	s10 =	sld [smem:$0x3FB0];
	_ =	sdelay $0x3  }
0x33: {  	p0 =	seq.s32 s10, $0x1;
	s10 =	sld [smem:$0x3FB2];
	_ =	sdelay $0x3  }
0x34: {  	[smem:$0x3FB2] =	sst s10  }
0x35: {  	s10 =	sld [smem:$0x3FB1];
	_ =	sdelay $0x3  }
0x36: {  	p1 =	seq.s32 s10, $0x1;
	s10 =	sld [smem:$0x3FB2];
	_ =	sdelay $0x3  }
0x37: {  	[smem:$0x3FB2] =	sst s10  }
0x38: {  	s10 =	sld [smem:$0x3FB3]  }
0x39: {  	_ = 	snop;
	(pc) =	sbr.ind lr, $3  }
0x3a: {  	_ = 	snop  }
0x3b: {  	_ = 	snop  }
0x3c: {  	p2 =	seq.s32 s10, $0x1;
	s10 =	sld [smem:$0x3FB2]  }
0x3d: {  	_ =	shalt  }
0x3e: {  	_ =	shalt  }
0x3f: {  	_ =	shalt  }
0x40: {  	_ =	shalt  }
0x41: {  	_ =	shalt  }
0x42: {  	_ =	shalt  }
0x43: {  	_ =	shalt  }
0x44: {  	_ =	shalt  }
0x45: {  	_ =	shalt  }
0x46: {  	_ =	shalt  }
0x47: {  	_ =	shalt  }
0x48: {  	_ =	shalt  }
0x49: {  	_ =	shalt  }
0x4a: {  	_ =	shalt  }
0x4b: {  	_ =	shalt  }
0x4c: {  	_ =	shalt  }
0x4d: {  	_ =	shalt  }
0x4e: {  	_ =	shalt  }
0x4f: {  	_ =	shalt  }
0x50: {  	_ =	shalt  }
0x51: {  	_ =	shalt  }
0x52: {  	_ =	shalt  }
0x53: {  	_ =	shalt  }
0x54: {  	_ =	shalt  }
0x55: {  	_ =	shalt  }
0x56: {  	_ =	shalt  }
0x57: {  	_ =	shalt  }
0x58: {  	_ =	shalt  }
0x59: {  	_ =	shalt  }
0x5a: {  	_ =	shalt  }
0x5b: {  	_ =	shalt  }
0x5c: {  	_ =	shalt  }
0x5d: {  	_ =	shalt  }
0x5e: {  	_ =	shalt  }
0x5f: {  	_ =	shalt  }
0x60: {  	_ =	shalt  }
0x61: {  	_ =	shalt  }
0x62: {  	_ =	shalt  }
0x63: {  	_ =	shalt  }
0x64: {  	_ =	shalt  }
0x65: {  	_ =	shalt  }
0x66: {  	_ =	shalt  }
0x67: {  	_ =	shalt  }
0x68: {  	_ =	shalt  }
0x69: {  	_ =	shalt  }
0x6a: {  	_ =	shalt  }
0x6b: {  	_ =	shalt  }
0x6c: {  	_ =	shalt  }
0x6d: {  	_ =	shalt  }
0x6e: {  	_ =	shalt  }
0x6f: {  	_ =	shalt  }
0x70: {  	_ =	shalt  }
0x71: {  	_ =	shalt  }
0x72: {  	_ =	shalt  }
0x73: {  	_ =	shalt  }
0x74: {  	_ =	shalt  }
0x75: {  	_ =	shalt  }
0x76: {  	_ =	shalt  }
0x77: {  	_ =	shalt  }
0x78: {  	_ =	shalt  }
0x79: {  	_ =	shalt  }
0x7a: {  	_ =	shalt  }
0x7b: {  	_ =	shalt  }
0x7c: {  	_ =	shalt  }
0x7d: {  	_ =	shalt  }
0x7e: {  	_ =	shalt  }
0x7f: {  	_ =	shalt  }
0x80: {  	_ =	shalt  }
0x81: {  	_ =	shalt  }
0x82: {  	_ =	shalt  }
0x83: {  	_ =	shalt  }
0x84: {  	_ =	shalt  }
0x85: {  	_ =	shalt  }
0x86: {  	_ =	shalt  }
0x87: {  	_ =	shalt  }
.Lfunc_end0:
.L_simem_size_0:
called_computation_lowered:
.L_overlay_start_0:
0x88: {  	s2 =	sld [smem:$0x3FD9]  }
0x89: {  	s3 =	sld [smem:$0x3FFE];
	_ =	sdelay $0x1  }
0x8a: {  	s1 =	srdreg.scid  }
0x8b: {  	s0 =	sand.u32 $0x1, s1  }
0x8c: {  	s16 =	sshll.u32 s0, $0xA;
	s2 =	sadd.s32 s3, s2  }
0x8d: {  	s2 =	sadd.s32 s2, s16  }
0x8e: {  	[smem:$0x3FBE] =	sst s2  }
0x8f: {  	_ = 	snop  }
0x90: {  	(tm) =	ssettm $0x1  }
0x91: {  	s17 =	sld [smem:$0x3FFB];
	_ =	sdelay $0x3  }
0x92: {  	_ =	strace s17  }
0x93: {  	s2 =	sld [smem:$0x3FFC];
	_ =	sdelay $0x3  }
0x94: {  	_ =	strace s2  }
0x95: {  	s2 =	sld [smem:$0x3FFD];
	_ =	sdelay $0x3  }
0x96: {  	_ =	strace s2  }
0x97: {  	_ =	strace $0x8FFFFFFF  }
0x98: {  	s18 =	sld [smem:$0x3FDB];
	_ =	sdelay $0x1  }
0x99: {  	s19 =	simm.s32 $_scs_section_size  }
0x9a: {  	s4 =	simm.s32 $_size__tile_overlayer_lowered;
	s5 =	simm.s32 $_tile_overlayer_lowered  }
0x9b: {  	s22 =	simm.s32 $0x1BFF;
	s21 =	sshll.u32 s5, $0x1;
	s2 =	sadd.s32 s19, s18  }
0x9c: {  	s6 =	simm.s32 $0x0;
	s20 =	sshll.u32 s4, $0x1;
	s4 =	sadd.s32 s21, s2  }
0x9d: {  	[timem:s6], [sflag:s22] =	dma.local [hbm:s4], s20  }
0x9e: {  	_ =	swait.ge [sflag:s22], s20  }
0x9f: {  	s3 =	ssub.s32 $0x0, s20;
	[sflag:s22] =	ssyncset.done $0x0  }
0xa0: {  	[sflag:s22] =	ssyncadd.s32 s3;
	_ =	sdelay $0x1  }
0xa1: {  	s23 =	simm.s32 $0x1B8B  }
0xa2: {  	_ =	swait.ge [sflag:s23], $0x1  }
0xa3: {  	[sflag:s23] =	ssyncset.done $0x0  }
0xa4: {  	s25 =	simm.s32 $0x1B8E;
	s24 =	sld [smem:$0x3FFE];
	[sflag:s23] =	ssyncadd.s32 $0xFFFFFFFF  }
0xa5: {  	s26 =	simm.s32 $execute0_lowered;
	[smem:$0x3FD2] =	sst s25  }
0xa6: {  	s4 =	sshll.u32 s26, $0x1;
	_ =	strace $0x80000046;
	[dreg:$0x1] =	wrdreg $0xFFFFFFFF  }
0xa7: {  	s28 =	simm.s32 $_size_execute0_lowered;
	s2 =	sadd.s32 s2, s4;
	[dreg:$0x0] =	wrdreg $0x0  }
0xa8: {  	s4 =	sshll.u32 s28, $0x1;
	[dreg:$0x2] =	wrdreg s2  }
0xa9: {  	[dreg:$0x3] =	wrdreg s4  }
0xaa: {  	[dreg:$0x4] =	wrdreg $0xC0  }
0xab: {  	_ =	task [dreg:s6], $0x5FFFF  }
0xac: {  	[dreg:$0x1] =	wrdreg $0xFFFFFFFF  }
0xad: {  	[dreg:$0x0] =	wrdreg $0x60  }
0xae: {  	[dreg:$0x2] =	wrdreg s24  }
0xaf: {  	[dreg:$0x3] =	wrdreg $0x0  }
0xb0: {  	[dreg:$0x4] =	wrdreg $0x9  }
0xb1: {  	_ =	task.clear_ibuf [dreg:s6], $0x5FFFF;
	_ =	strace $0x90000046  }
0xb2: {  	s29 =	simm.s32 $0x9;
	_ =	strace $0x80000048  }
0xb3: {  	_ =	swait.ge [sflag:s29], $0x1  }
0xb4: {  	[sflag:s29] =	ssyncadd.s32 $0xFFFFFFFF  }
0xb5: {  	_ =	strace $0x90000048  }
0xb6: {  	_ =	sfence  }
0xb7: {  	s30 =	sld [smem:$0x0];
	_ =	sdelay $0x2  }
0xb8: {  	s31 =	sshll.u32 s1, $0xD;
	s1 =	sshrl.u32 s1, $0x2  }
0xb9: {  	s3 =	sand.u32 $0x4000, s31;
	s1 =	sadd.s32 s1, s30  }
0xba: {  	s0 =	sor.u32 s3, s0;
	s1 =	sshll.u32 s1, $0x11  }
0xbb: {  	s0 =	sor.u32 s1, s0  }
0xbc: {  	s0 =	sadd.s32 $0x8F2B, s0  }
0xbd: {  	[sflag:s0] =	ssyncadd.remote.s32 $0x1  }
0xbe: {  	_ =	sfence.sel $0xFFFF  }
0xbf: {  	[dreg:$0x0] =	wrdreg $0xFFFFFFFF;
	(pc) =	sbr.abs _section_cstart, $3  }
0xc0: {  	[dreg:$0x1] =	wrdreg $0xFFFFFFFF  }
0xc1: {  	_ =	task.clear_ibuf [dreg:s6], $0x2FFFF;
	_ =	strace $0x9FFFFFFF  }
0xc2: {  	(tm) =	ssettm $0x7FFFFFFF  }
0xc3: {  	_ =	shalt  }
tec
execute0_lowered:
.L_overlay_start_1:
0x0: {  	(tag) =	ssettag $0x1  }
0x1: {  	s1 =	srdreg.scid;
	s6 =	rddreg [dreg:$0x0]  }
0x2: {  	s0 =	stileid.u32;
	s2 =	rddreg [dreg:$0x1]  }
0x3: {  	s3 =	simm.s32 $0x0;
	s12 =	simm.s32 $0x1;
	s13 =	simm.s32 $0x16080  }
0x4: {  	s14 =	simm.s32 $0x1A080;
	s15 =	simm.s32 $0x7D;
	s16 =	simm.s32 $0x0  }
0x5: {  	s5 =	sand.u32 $0x1, s1;
	s1 =	rddreg [dreg:$0x2];
	s11 =	smul.u32 $0x50000, s0  }
0x6: {  	s30 =	sshll.u32 s0, $0x1;
	[smem:$0x7FF] =	sst s3;
	s31 =	smul.u32 $0x2800, s0  }
0x7: {  	p0 =	seq.s32 s0, $0xF;
	s4 =	sor.u32 s5, s30;
	s8 =	smul.u32 $0x27100, s5  }
0x8: {  	_ =	strace $0x80000047;
	s9 =	ssub.s32 $0x2, s5;
	s4 =	smul.u32 $0x500, s4  }
0x9: {  	s5 =	sadd.s32 $0xD400, s6;
	s10 =	sshrl.u32 s9, $0x1;
	s11 =	sshrl.u32 s11, $0x2  }
0xa: {  	s8 =	sadd.s32 s8, s6;
	s9 =	ssub.s32 s9, s10;
	s7 =	sadd.s32 s4, s6  }
0xb: {  	s4 =	sadd.s32 $0xCC00, s6;
	s10 =	sadd.s32 s31, s8;
	s8 =	smax.u32 s9, $0x1  }
0xc: {  	s9 =	sadd.s32 s11, s2;
	s6 =	sadd.s32 $0x2C00, s7;
	s7 =	simm.s32 $0x5  }
0xd: {  	s11 =	simm.s32 $0x13880;
	s10 =	sadd.s32 $0xDA00, s10;
	s7 =	simm.s32 @!p0 $0x8  }
.LBB2_1:
0xe: {  	[tilespmem:s11], [sflag:$0x1] =	stream.linear.gather [hbm4b:s6+s3], $0x2800, $0x38;
	[tilespmem:$0x1C880] =	vst v63  }
0xf: {  	_ =	swait.ge [sflag:s12], $0x2800  }
0x10: {  	[sflag:s12] =	ssyncset.done $0x0  }
0x11: {  	[sflag:s12] =	ssyncadd.s32 $0xFFFFD800  }
0x12: {  	[tilespmem:s13], [sflag:$0x1] =	stream.linear.gather [hbm4b:s4+s3], $0x3E80, $0x38;
	[tilespmem:$0x1C880] =	vst v63  }
0x13: {  	_ =	swait.ge [sflag:s12], $0x3E80  }
0x14: {  	[sflag:s12] =	ssyncset.done $0x0  }
0x15: {  	[sflag:s12] =	ssyncadd.s32 $0xFFFFC180  }
0x16: {  	[tilespmem:s14], [sflag:$0x1] =	stream.linear.gather [hbm4b:s5+s3], $0x2800, $0x38;
	[tilespmem:$0x1C880] =	vst v63  }
0x17: {  	p0 =	sne.s32 s7, $0x1;
	_ =	swait.ge [sflag:s12], $0x2800  }
.Ltmp0:
0x18: {  	[sflag:s12] =	ssyncset.done $0x0;
	(pc) =	sbr.rel @!p0 .LBB2_3-.Ltmp0, $4  }
0x19: {  	[sflag:s12] =	ssyncadd.s32 $0xFFFFD800  }
0x1a: {  	[spmem:s9] =	stream.linear.scatter [tilespmem:s14], [sflag:$0x1], $0x2800, $0x38;
	[tilespmem:$0x1C880] =	vst v63  }
0x1b: {  	_ =	swait.ge [sflag:s12], $0x2800  }
0x1c: {  	s17 =	sadd.s32 $0xFFFFFFFF, s7;
	s18 =	smov.u32 s9;
	[sflag:s12] =	ssyncset.done $0x0  }
.LBB2_2:
0x1d: {  	p1 =	sne.s32 s17, $0x1;
	[sflag:s12] =	ssyncadd.s32 $0xFFFFD800;
	s18 =	sadd.s32 $0x2800, s18  }
.Ltmp1:
0x1e: {  	s17 =	sadd.s32 $0xFFFFFFFF, s17;
	(pc) =	sbr.rel @p1 .LBB2_2-.Ltmp1, $4  }
0x1f: {  	_ = 	snop  }
0x20: {  	[spmem:s18] =	stream.linear.scatter [tilespmem:s14], [sflag:$0x1], $0x2800, $0x38;
	[tilespmem:$0x1C880] =	vst v63  }
0x21: {  	_ =	swait.ge [sflag:s12], $0x2800  }
0x22: {  	[sflag:s12] =	ssyncset.done $0x0  }
.LBB2_3:
0x23: {  	[sflag:s12] =	ssyncadd.s32 $0xFFFFD800  }
0x24: {  	s17 =	simm.s32 $0x13880;
	[bflag:$0x0] =	sbarrier.arrive $0xFFFF  }
0x25: {  	[spmem:s2] =	stream.indirect.scatter.add.f32 [tilespmem:s13], [sflag:$0x1], $0x80, s17, s15, $0xb8;
	[tilespmem:$0x1C880] =	vst v63  }
0x26: {  	s17 =	simm.s32 $0x200;
	_ =	swait.ge [sflag:s12], $0x3E80  }
.LBB2_4:
0x27: {  	s18 =	sshra.s32 s17, $0x2;
	[sflag:s12] =	ssyncset.done $0x0;
	p1 =	sne.s32 s17, $0x9E00  }
.Ltmp2:
0x28: {  	s18 =	sadd.s32 $0x13880, s18;
	[sflag:s12] =	ssyncadd.s32 $0xFFFFC180;
	(pc) =	sbr.rel @p1 .LBB2_4-.Ltmp2, $3  }
0x29: {  	[spmem:s2] =	stream.indirect.scatter.add.f32 [tilespmem:s13], [sflag:$0x1], $0x80, s18, s15, $0xb8;
	[tilespmem:$0x1C880] =	vst v63  }
0x2a: {  	s17 =	sadd.s32 $0x200, s17;
	_ =	sdelay $0x1  }
0x2b: {  	_ =	swait.ge [sflag:s12], $0x3E80  }
0x2c: {  	[sflag:s12] =	ssyncset.done $0x0  }
0x2d: {  	[sflag:s12] =	ssyncadd.s32 $0xFFFFC180  }
0x2e: {  	[bflag:$0x0] =	sbarrier.arrive $0xFFFF  }
0x2f: {  	[tilespmem:s14], [sflag:$0x1] =	stream.linear.gather [spmem:s9], $0x2800, $0x38;
	[tilespmem:$0x1C880] =	vst v63  }
0x30: {  	_ =	swait.ge [sflag:s12], $0x2800  }
.Ltmp3:
0x31: {  	[sflag:s12] =	ssyncset.done $0x0;
	(pc) =	sbr.rel @!p0 .LBB2_7-.Ltmp3, $4  }
0x32: {  	[sflag:s12] =	ssyncadd.s32 $0xFFFFD800  }
0x33: {  	[hbm4b:s10+s3] =	stream.linear.scatter [tilespmem:s14], [sflag:$0x1], $0x2800, $0x38;
	[tilespmem:$0x1C880] =	vst v63  }
0x34: {  	s17 =	sadd.s32 $0xFFFFFFFF, s7;
	_ =	swait.ge [sflag:s12], $0x2800  }
0x35: {  	s18 =	smov.u32 s9;
	s19 =	smov.u32 s10;
	[sflag:s12] =	ssyncset.done $0x0  }
.LBB2_6:
0x36: {  	[sflag:s12] =	ssyncadd.s32 $0xFFFFD800;
	s18 =	sadd.s32 $0x2800, s18;
	s19 =	sadd.s32 $0x500, s19  }
0x37: {  	[tilespmem:s14], [sflag:$0x1] =	stream.linear.gather [spmem:s18], $0x2800, $0x38;
	[tilespmem:$0x1C880] =	vst v63  }
0x38: {  	p0 =	sne.s32 s17, $0x1;
	s17 =	sadd.s32 $0xFFFFFFFF, s17;
	_ =	swait.ge [sflag:s12], $0x2800  }
.Ltmp4:
0x39: {  	[sflag:s12] =	ssyncset.done $0x0;
	(pc) =	sbr.rel @p0 .LBB2_6-.Ltmp4, $4  }
0x3a: {  	[sflag:s12] =	ssyncadd.s32 $0xFFFFD800  }
0x3b: {  	[hbm4b:s19+s3] =	stream.linear.scatter [tilespmem:s14], [sflag:$0x1], $0x2800, $0x38;
	[tilespmem:$0x1C880] =	vst v63  }
0x3c: {  	_ =	swait.ge [sflag:s12], $0x2800  }
0x3d: {  	[sflag:s12] =	ssyncset.done $0x0  }
.LBB2_7:
0x3e: {  	s16 =	sadd.s32 $0x1, s16  }
0x3f: {  	p0 =	sne.s32 s16, s8  }
.Ltmp5:
0x40: {  	_ = 	snop;
	(pc) =	sbr.rel @p0 .LBB2_1-.Ltmp5, $2  }
0x41: {  	_ =	sdelay $0x2  }
0x42: {  	[sflag:s12] =	ssyncadd.s32 $0xFFFFD800  }
0x43: {  	_ =	sfence.sel $0x180000  }
0x44: {  	[bflag:$0x0] =	sbarrier.arrive $0xFFFF  }
0x45: {  	p0 =	sne.s32 s0, $0x0;
	_ =	strace $0x90000047  }
0x46: {  	s0 =	sadd.s32 @!p0 $0x100000, s1;
	[bflag:$0x2] =	sbarrier.arrive $0xFFFF  }
0x47: {  	[sflag:s0] =	ssyncadd.tile.s32 @!p0 $0x1;
	_ =	shalt  }
.Lfunc_end2:
_tile_overlayer_lowered:
.L_overlay_start_2:
0x48: {  	(tag) =	ssettag $0x2  }
0x49: {  	s0 =	rddreg [dreg:$0x0];
	s2 =	stileid.u32  }
0x4a: {  	s1 =	rddreg [dreg:$0x1];
	p0 =	sne.s32 s2, $0x0  }
0x4b: {  	s3 =	rddreg [dreg:$0x2];
	[bflag:$0x3] =	sbarrier.arrive $0xFFFF;
	s2 =	simm.s32 @!p0 $0x1C01  }
0x4c: {  	[timem:s3], [sflag:s2] =	dma.local @!p0 [hbm:s0], s1  }
0x4d: {  	s0 =	simm.s32 @!p0 $0x1  }
0x4e: {  	_ =	swait.ge @!p0 [sflag:s0], s1  }
0x4f: {  	s1 =	ssub.s32 @!p0 $0x0, s1;
	[sflag:s0] =	ssyncset.done @!p0 $0x0  }
0x50: {  	[sflag:s0] =	ssyncadd.s32 @!p0 s1  }
0x51: {  	[bflag:$0x3] =	sbarrier.arrive $0xFFFF  }
0x52: {  	_ =	shalt  }

</sc_bundles>
